<compile_context>
chip_gen: v7x
topology: tpu7x:2x2x1
jax: 0.10.2.dev20260603
libtpu: 0.0.44.dev20260713+nightly
codegen_flags: <defaults>
</compile_context>

<pallas_src>
import functools

import jax
import jax.numpy as jnp
from jax import lax
from jax.experimental import pallas as pl
from jax.experimental.pallas import tpu as pltpu
from jax.experimental.pallas import tpu_sc as plsc

N = 10000
D = 128
E = 320000

NC = 2
NS = 16
NW = NC * NS

CHUNK = 128
NCHUNK = 80
BLK = 16
NBLK = NCHUNK // BLK
EPW = NCHUNK * CHUNK
E_PAD = EPW * NW

ACC_ROWS = 10240
PAD_ROWS = ACC_ROWS - N
RPS = ACC_ROWS // NS

RB = 2048
NRB = 5


_mesh = plsc.VectorSubcoreMesh(
    core_axis_name="c", subcore_axis_name="s", num_cores=NC, num_subcores=NS
)


@functools.partial(
    pl.kernel,
    out_type=jax.ShapeDtypeStruct((NC * ACC_ROWS,), jnp.float32),
    mesh=_mesh,
    scratch_types=[
        pltpu.VMEM((NBLK, BLK, CHUNK), jnp.int32),
        pltpu.VMEM((CHUNK,), jnp.float32),
        pltpu.VMEM((RPS,), jnp.float32),
        pltpu.VMEM_SHARED((ACC_ROWS,), jnp.float32),
    ],
)
def _deg_kernel(eb_hbm, out_hbm, dst_v, ones_v, zbuf, acc_sh):
    c = lax.axis_index("c")
    s = lax.axis_index("s")
    w = c * NS + s
    for k in range(CHUNK // 16):
        ones_v[pl.ds(k * 16, 16)] = jnp.ones((16,), jnp.float32)

    def zbody(i, carry):
        zbuf[pl.ds(i * 16, 16)] = jnp.zeros((16,), jnp.float32)
        return carry

    lax.fori_loop(0, RPS // 16, zbody, 0)
    pltpu.sync_copy(zbuf, acc_sh.at[pl.ds(s * RPS, RPS)])
    pltpu.sync_copy(eb_hbm.at[1, w], dst_v)
    plsc.subcore_barrier()

    def body(j, carry):
        pltpu.sync_copy(ones_v, acc_sh.at[dst_v.at[j // BLK, j % BLK]], add=True)
        return carry

    lax.fori_loop(0, NCHUNK, body, 0)
    plsc.subcore_barrier()
    pltpu.sync_copy(acc_sh.at[pl.ds(s * RPS, RPS)], zbuf)
    pltpu.sync_copy(zbuf, out_hbm.at[pl.ds(c * ACC_ROWS + s * RPS, RPS)])


@functools.partial(
    pl.kernel,
    out_type=jax.ShapeDtypeStruct((NC, ACC_ROWS, D), jnp.float32),
    mesh=_mesh,
    scratch_types=[
        pltpu.VMEM((2, BLK, CHUNK), jnp.int32),
        pltpu.VMEM((2, BLK, CHUNK), jnp.int32),
        pltpu.VMEM((2, CHUNK, D), jnp.float32),
        pltpu.VMEM_SHARED((ACC_ROWS, D), jnp.float32),
        pltpu.SemaphoreType.DMA,
        pltpu.SemaphoreType.DMA,
    ],
)
def _agg_kernel(table_hbm, eb_hbm, out_hbm,
                src_v, dst_v, gbuf, acc_sh, sem_g0, sem_g1):
    c = lax.axis_index("c")
    s = lax.axis_index("s")
    w = c * NS + s

    def zbody(i, carry):
        for k in range(D // 16):
            gbuf[0, i, pl.ds(k * 16, 16)] = jnp.zeros((16,), jnp.float32)
        return carry

    lax.fori_loop(0, CHUNK, zbody, 0)

    def zcopy(r, carry):
        pltpu.sync_copy(
            gbuf.at[0], acc_sh.at[pl.ds(s * RPS + r * CHUNK, CHUNK)]
        )
        return carry

    lax.fori_loop(0, RPS // CHUNK, zcopy, 0)
    pltpu.sync_copy(eb_hbm.at[0, w, 0], src_v.at[0])
    pltpu.sync_copy(eb_hbm.at[1, w, 0], dst_v.at[0])
    plsc.subcore_barrier()

    pltpu.async_copy(table_hbm.at[src_v.at[0, 0]], gbuf.at[0], sem_g0)

    def body(i, carry):
        j0 = 2 * i
        j1 = j0 + 1
        j2 = j0 + 2
        p = (j0 // BLK) % 2
        pltpu.async_copy(
            table_hbm.at[src_v.at[p, j1 % BLK]], gbuf.at[1], sem_g1
        )
        pltpu.make_async_copy(
            table_hbm.at[pl.ds(0, CHUNK)], gbuf.at[0], sem_g0
        ).wait()
        pltpu.sync_copy(gbuf.at[0], acc_sh.at[dst_v.at[p, j0 % BLK]], add=True)

        @pl.when(jnp.logical_and(j2 < NCHUNK, j2 % BLK == 0))
        def _():
            b2 = j2 // BLK
            pltpu.sync_copy(eb_hbm.at[0, w, b2], src_v.at[b2 % 2])
            pltpu.sync_copy(eb_hbm.at[1, w, b2], dst_v.at[b2 % 2])

        @pl.when(j2 < NCHUNK)
        def _():
            pltpu.async_copy(
                table_hbm.at[src_v.at[(j2 // BLK) % 2, j2 % BLK]],
                gbuf.at[0], sem_g0,
            )

        pltpu.make_async_copy(
            table_hbm.at[pl.ds(0, CHUNK)], gbuf.at[1], sem_g1
        ).wait()
        pltpu.sync_copy(gbuf.at[1], acc_sh.at[dst_v.at[p, j1 % BLK]], add=True)
        return carry

    lax.fori_loop(0, NCHUNK // 2, body, 0)
    plsc.subcore_barrier()
    pltpu.sync_copy(
        acc_sh.at[pl.ds(s * RPS, RPS)], out_hbm.at[c, pl.ds(s * RPS, RPS)]
    )


def _dinv_block(d0, d1):
    deg = d0 + d1 + 1.0
    return lax.rsqrt(jnp.maximum(deg, 1e-12)).reshape(RB, 1)


def _prep_body(x_ref, d0_ref, d1_ref, xs_ref):
    xs_ref[...] = x_ref[...] * _dinv_block(d0_ref[...], d1_ref[...])


_prep_call = pl.pallas_call(
    _prep_body,
    grid=(NRB,),
    in_specs=[
        pl.BlockSpec((RB, D), lambda i: (i, 0)),
        pl.BlockSpec((RB,), lambda i: (i,)),
        pl.BlockSpec((RB,), lambda i: (i + NRB,)),
    ],
    out_specs=pl.BlockSpec((RB, D), lambda i: (i, 0)),
    out_shape=jax.ShapeDtypeStruct((N, D), jnp.float32),
)


def _dense_body(g1a_ref, g1b_ref, xs_ref, d0_ref, d1_ref, w1_ref, b1_ref,
                w2_ref, zs_ref):
    dinv = _dinv_block(d0_ref[...], d1_ref[...])
    agg = (g1a_ref[0] + g1b_ref[0] + xs_ref[...]) * dinv
    h = jnp.dot(agg, w1_ref[...], preferred_element_type=jnp.float32)
    h = jnp.maximum(h + b1_ref[...], 0.0)
    z = jnp.dot(h, w2_ref[...], preferred_element_type=jnp.float32)
    zs_ref[...] = z * dinv


_dense_call = pl.pallas_call(
    _dense_body,
    grid=(NRB,),
    in_specs=[
        pl.BlockSpec((1, RB, D), lambda i: (0, i, 0)),
        pl.BlockSpec((1, RB, D), lambda i: (1, i, 0)),
        pl.BlockSpec((RB, D), lambda i: (i, 0)),
        pl.BlockSpec((RB,), lambda i: (i,)),
        pl.BlockSpec((RB,), lambda i: (i + NRB,)),
        pl.BlockSpec((D, 2 * D), lambda i: (0, 0)),
        pl.BlockSpec((1, 2 * D), lambda i: (0, 0)),
        pl.BlockSpec((2 * D, D), lambda i: (0, 0)),
    ],
    out_specs=pl.BlockSpec((RB, D), lambda i: (i, 0)),
    out_shape=jax.ShapeDtypeStruct((N, D), jnp.float32),
)


def _final_body(g2a_ref, g2b_ref, zs_ref, d0_ref, d1_ref, b2_ref, out_ref):
    dinv = _dinv_block(d0_ref[...], d1_ref[...])
    out = (g2a_ref[0] + g2b_ref[0] + zs_ref[...]) * dinv
    out_ref[...] = out + b2_ref[...]


_final_call = pl.pallas_call(
    _final_body,
    grid=(NRB,),
    in_specs=[
        pl.BlockSpec((1, RB, D), lambda i: (0, i, 0)),
        pl.BlockSpec((1, RB, D), lambda i: (1, i, 0)),
        pl.BlockSpec((RB, D), lambda i: (i, 0)),
        pl.BlockSpec((RB,), lambda i: (i,)),
        pl.BlockSpec((RB,), lambda i: (i + NRB,)),
        pl.BlockSpec((1, D), lambda i: (0, 0)),
    ],
    out_specs=pl.BlockSpec((RB, D), lambda i: (i, 0)),
    out_shape=jax.ShapeDtypeStruct((N, D), jnp.float32),
)


def kernel(x, edge_index, W1, b1, W2, b2):
    pi = jnp.arange(E_PAD - E, dtype=jnp.int32)
    pad_pair = jnp.stack([pi % N, N + pi % PAD_ROWS])
    eb = jnp.concatenate(
        [edge_index.astype(jnp.int32), pad_pair], axis=1
    ).reshape(2, NW, NBLK, BLK, CHUNK)

    degp = _deg_kernel(eb)

    xs = _prep_call(x, degp, degp)

    g1 = _agg_kernel(xs, eb)
    zs = _dense_call(g1, g1, xs, degp, degp, W1, b1.reshape(1, -1), W2)

    g2 = _agg_kernel(zs, eb)
    out = _final_call(g2, g2, zs, degp, degp, b2.reshape(1, -1))
    return out

# --- scband reference (transcript-rebuilt; emitter-appended) ---
"""Pipeline reference for scband-gcnencoder-81956565943006 (READ-ONLY COPY).

The authoritative reference and input builder live on the scoring server;
editing this copy changes nothing except your own understanding.
"""

import jax, jax.numpy as jnp
import numpy as np

N = 10000
E = 320000
D_IN = 128
D_HID = 256
D_OUT = 128


def gcn_conv(x, edge_index, W, b):
    # GCNConv: add self-loops, symmetric normalization D^{-1/2} (A+I) D^{-1/2} X W + b
    n = x.shape[0]
    src = edge_index[0]
    dst = edge_index[1]
    loop = jnp.arange(n, dtype=src.dtype)
    src = jnp.concatenate([src, loop])
    dst = jnp.concatenate([dst, loop])
    deg = jnp.zeros((n,), dtype=x.dtype).at[dst].add(1.0)
    dinv = jax.lax.rsqrt(jnp.maximum(deg, 1e-12))
    norm = dinv[src] * dinv[dst]
    h = x @ W
    msg = h[src] * norm[:, None]
    out = jnp.zeros((n, h.shape[1]), dtype=x.dtype).at[dst].add(msg)
    return out + b


def setup_inputs(seed: int = 0) -> dict:
    key = jax.random.key(seed)
    k1, k2, k3, k4 = jax.random.split(key, 4)
    x = jax.random.normal(k1, (N, D_IN), dtype=jnp.float32)
    edge_index = jax.random.randint(k2, (2, E), 0, N).astype(jnp.int64)
    W1 = jax.random.normal(k3, (D_IN, D_HID), dtype=jnp.float32) * (1.0 / np.sqrt(D_IN))
    b1 = jnp.zeros((D_HID,), dtype=jnp.float32)
    W2 = jax.random.normal(k4, (D_HID, D_OUT), dtype=jnp.float32) * (1.0 / np.sqrt(D_HID))
    b2 = jnp.zeros((D_OUT,), dtype=jnp.float32)
    return {"x": x, "edge_index": edge_index, "W1": W1, "b1": b1, "W2": W2, "b2": b2}


def reference(x, edge_index, W1, b1, W2, b2):
    h = gcn_conv(x, edge_index, W1, b1)
    h = jax.nn.relu(h)
    out = gcn_conv(h, edge_index, W2, b2)
    return out

if __name__ == "__main__":
    import jax
    _d = setup_inputs()
    print(jax.jit(kernel)(*tuple(_d.values())))

</pallas_src>

<mosaic_0001>
#map = affine_map<(d0, d1) -> (0, 0)>
#map1 = affine_map<(d0, d1) -> (0, 0, 0, 0, 0)>
#map2 = affine_map<(d0, d1) -> (0, 0, 0)>
module attributes {stable_mosaic.version = 14 : i64} {
  func.func @_agg_kernel(%arg0: i32, %arg1: i32, %arg2: memref<10000x128xf32, #tpu.memory_space<hbm>>, %arg3: memref<2x32x5x16x128xi32, #tpu.memory_space<hbm>>, %arg4: memref<2x10240x128xf32, #tpu.memory_space<hbm>>, %arg5: memref<2x16x128xi32, #tpu.memory_space<vmem>>, %arg6: memref<2x16x128xi32, #tpu.memory_space<vmem>>, %arg7: memref<2x128x128xf32, #tpu.memory_space<vmem>>, %arg8: memref<10240x128xf32, #tpu.memory_space<vmem_shared>>, %arg9: memref<!tpu.dma_semaphore, #tpu.memory_space<semaphore_mem>>, %arg10: memref<!tpu.dma_semaphore, #tpu.memory_space<semaphore_mem>>) attributes {dimension_semantics = [#tpu.dimension_semantics<core_parallel>, #tpu.dimension_semantics<subcore_parallel>], iteration_bounds = array<i64: 2, 16>, scalar_prefetch = 0 : i64, scratch_operands = 6 : i64, tpu.core_type = #tpu.core_type<sc_vector_subcore>, window_params = [{transform_indices = #map}, {transform_indices = #map1}, {transform_indices = #map2}]} {
    %mul3A = arith.constant 16 : i32
    %mul3A_0 = arith.muli %arg0, %mul3A : i32
    %add3A = arith.addi %mul3A_0, %arg1 : i32
    %scan3A = arith.constant 0 : i32
    %scan3A_1 = arith.constant 0 : i32
    %scan3A_2 = arith.constant 128 : i32
    %scan3A_3 = arith.addi %scan3A_1, %scan3A_2 : i32
    %scan3A_4 = arith.constant 1 : i32
    scf.for %scan3A_40 = %scan3A_1 to %scan3A_3 step %scan3A_4  : i32 {
      %broadcast_in_dim3A = arith.constant 0.000000e+00 : f32
      %broadcast_in_dim3A_41 = vector.broadcast %broadcast_in_dim3A : f32 to vector<16xf32>
      %swap3A = arith.constant 0 : i32
      %swap3A_42 = arith.index_cast %swap3A : i32 to index
      %swap3A_43 = arith.index_cast %scan3A_40 : i32 to index
      %swap3A_44 = arith.constant 0 : index
      %swap3A_45 = tpu.vector_load %arg7[%swap3A_42, %swap3A_43, %swap3A_44] {strides = array<i32>} : memref<2x128x128xf32, #tpu.memory_space<vmem>>, vector<1x1x16xf32>,
      %swap3A_46 = vector.shape_cast %swap3A_45 : vector<1x1x16xf32> to vector<16xf32>
      %swap3A_47 = vector.shape_cast %broadcast_in_dim3A_41 : vector<16xf32> to vector<1x1x16xf32>
      tpu.vector_store %arg7[%swap3A_42, %swap3A_43, %swap3A_44], %swap3A_47 {strides = array<i32>} : memref<2x128x128xf32, #tpu.memory_space<vmem>>, vector<1x1x16xf32>,
      %broadcast_in_dim3A_48 = arith.constant 0.000000e+00 : f32
      %broadcast_in_dim3A_49 = vector.broadcast %broadcast_in_dim3A_48 : f32 to vector<16xf32>
      %swap3A_50 = arith.constant 0 : i32
      %swap3A_51 = arith.index_cast %swap3A_50 : i32 to index
      %swap3A_52 = arith.index_cast %scan3A_40 : i32 to index
      %swap3A_53 = arith.constant 16 : index
      %swap3A_54 = tpu.vector_load %arg7[%swap3A_51, %swap3A_52, %swap3A_53] {strides = array<i32>} : memref<2x128x128xf32, #tpu.memory_space<vmem>>, vector<1x1x16xf32>,
      %swap3A_55 = vector.shape_cast %swap3A_54 : vector<1x1x16xf32> to vector<16xf32>
      %swap3A_56 = vector.shape_cast %broadcast_in_dim3A_49 : vector<16xf32> to vector<1x1x16xf32>
      tpu.vector_store %arg7[%swap3A_51, %swap3A_52, %swap3A_53], %swap3A_56 {strides = array<i32>} : memref<2x128x128xf32, #tpu.memory_space<vmem>>, vector<1x1x16xf32>,
      %broadcast_in_dim3A_57 = arith.constant 0.000000e+00 : f32
      %broadcast_in_dim3A_58 = vector.broadcast %broadcast_in_dim3A_57 : f32 to vector<16xf32>
      %swap3A_59 = arith.constant 0 : i32
      %swap3A_60 = arith.index_cast %swap3A_59 : i32 to index
      %swap3A_61 = arith.index_cast %scan3A_40 : i32 to index
      %swap3A_62 = arith.constant 32 : index
      %swap3A_63 = tpu.vector_load %arg7[%swap3A_60, %swap3A_61, %swap3A_62] {strides = array<i32>} : memref<2x128x128xf32, #tpu.memory_space<vmem>>, vector<1x1x16xf32>,
      %swap3A_64 = vector.shape_cast %swap3A_63 : vector<1x1x16xf32> to vector<16xf32>
      %swap3A_65 = vector.shape_cast %broadcast_in_dim3A_58 : vector<16xf32> to vector<1x1x16xf32>
      tpu.vector_store %arg7[%swap3A_60, %swap3A_61, %swap3A_62], %swap3A_65 {strides = array<i32>} : memref<2x128x128xf32, #tpu.memory_space<vmem>>, vector<1x1x16xf32>,
      %broadcast_in_dim3A_66 = arith.constant 0.000000e+00 : f32
      %broadcast_in_dim3A_67 = vector.broadcast %broadcast_in_dim3A_66 : f32 to vector<16xf32>
      %swap3A_68 = arith.constant 0 : i32
      %swap3A_69 = arith.index_cast %swap3A_68 : i32 to index
      %swap3A_70 = arith.index_cast %scan3A_40 : i32 to index
      %swap3A_71 = arith.constant 48 : index
      %swap3A_72 = tpu.vector_load %arg7[%swap3A_69, %swap3A_70, %swap3A_71] {strides = array<i32>} : memref<2x128x128xf32, #tpu.memory_space<vmem>>, vector<1x1x16xf32>,
      %swap3A_73 = vector.shape_cast %swap3A_72 : vector<1x1x16xf32> to vector<16xf32>
      %swap3A_74 = vector.shape_cast %broadcast_in_dim3A_67 : vector<16xf32> to vector<1x1x16xf32>
      tpu.vector_store %arg7[%swap3A_69, %swap3A_70, %swap3A_71], %swap3A_74 {strides = array<i32>} : memref<2x128x128xf32, #tpu.memory_space<vmem>>, vector<1x1x16xf32>,
      %broadcast_in_dim3A_75 = arith.constant 0.000000e+00 : f32
      %broadcast_in_dim3A_76 = vector.broadcast %broadcast_in_dim3A_75 : f32 to vector<16xf32>
      %swap3A_77 = arith.constant 0 : i32
      %swap3A_78 = arith.index_cast %swap3A_77 : i32 to index
      %swap3A_79 = arith.index_cast %scan3A_40 : i32 to index
      %swap3A_80 = arith.constant 64 : index
      %swap3A_81 = tpu.vector_load %arg7[%swap3A_78, %swap3A_79, %swap3A_80] {strides = array<i32>} : memref<2x128x128xf32, #tpu.memory_space<vmem>>, vector<1x1x16xf32>,
      %swap3A_82 = vector.shape_cast %swap3A_81 : vector<1x1x16xf32> to vector<16xf32>
      %swap3A_83 = vector.shape_cast %broadcast_in_dim3A_76 : vector<16xf32> to vector<1x1x16xf32>
      tpu.vector_store %arg7[%swap3A_78, %swap3A_79, %swap3A_80], %swap3A_83 {strides = array<i32>} : memref<2x128x128xf32, #tpu.memory_space<vmem>>, vector<1x1x16xf32>,
      %broadcast_in_dim3A_84 = arith.constant 0.000000e+00 : f32
      %broadcast_in_dim3A_85 = vector.broadcast %broadcast_in_dim3A_84 : f32 to vector<16xf32>
      %swap3A_86 = arith.constant 0 : i32
      %swap3A_87 = arith.index_cast %swap3A_86 : i32 to index
      %swap3A_88 = arith.index_cast %scan3A_40 : i32 to index
      %swap3A_89 = arith.constant 80 : index
      %swap3A_90 = tpu.vector_load %arg7[%swap3A_87, %swap3A_88, %swap3A_89] {strides = array<i32>} : memref<2x128x128xf32, #tpu.memory_space<vmem>>, vector<1x1x16xf32>,
      %swap3A_91 = vector.shape_cast %swap3A_90 : vector<1x1x16xf32> to vector<16xf32>
      %swap3A_92 = vector.shape_cast %broadcast_in_dim3A_85 : vector<16xf32> to vector<1x1x16xf32>
      tpu.vector_store %arg7[%swap3A_87, %swap3A_88, %swap3A_89], %swap3A_92 {strides = array<i32>} : memref<2x128x128xf32, #tpu.memory_space<vmem>>, vector<1x1x16xf32>,
      %broadcast_in_dim3A_93 = arith.constant 0.000000e+00 : f32
      %broadcast_in_dim3A_94 = vector.broadcast %broadcast_in_dim3A_93 : f32 to vector<16xf32>
      %swap3A_95 = arith.constant 0 : i32
      %swap3A_96 = arith.index_cast %swap3A_95 : i32 to index
      %swap3A_97 = arith.index_cast %scan3A_40 : i32 to index
      %swap3A_98 = arith.constant 96 : index
      %swap3A_99 = tpu.vector_load %arg7[%swap3A_96, %swap3A_97, %swap3A_98] {strides = array<i32>} : memref<2x128x128xf32, #tpu.memory_space<vmem>>, vector<1x1x16xf32>,
      %swap3A_100 = vector.shape_cast %swap3A_99 : vector<1x1x16xf32> to vector<16xf32>
      %swap3A_101 = vector.shape_cast %broadcast_in_dim3A_94 : vector<16xf32> to vector<1x1x16xf32>
      tpu.vector_store %arg7[%swap3A_96, %swap3A_97, %swap3A_98], %swap3A_101 {strides = array<i32>} : memref<2x128x128xf32, #tpu.memory_space<vmem>>, vector<1x1x16xf32>,
      %broadcast_in_dim3A_102 = arith.constant 0.000000e+00 : f32
      %broadcast_in_dim3A_103 = vector.broadcast %broadcast_in_dim3A_102 : f32 to vector<16xf32>
      %swap3A_104 = arith.constant 0 : i32
      %swap3A_105 = arith.index_cast %swap3A_104 : i32 to index
      %swap3A_106 = arith.index_cast %scan3A_40 : i32 to index
      %swap3A_107 = arith.constant 112 : index
      %swap3A_108 = tpu.vector_load %arg7[%swap3A_105, %swap3A_106, %swap3A_107] {strides = array<i32>} : memref<2x128x128xf32, #tpu.memory_space<vmem>>, vector<1x1x16xf32>,
      %swap3A_109 = vector.shape_cast %swap3A_108 : vector<1x1x16xf32> to vector<16xf32>
      %swap3A_110 = vector.shape_cast %broadcast_in_dim3A_103 : vector<16xf32> to vector<1x1x16xf32>
      tpu.vector_store %arg7[%swap3A_105, %swap3A_106, %swap3A_107], %swap3A_110 {strides = array<i32>} : memref<2x128x128xf32, #tpu.memory_space<vmem>>, vector<1x1x16xf32>,
    }
    %scan3A_5 = arith.constant 128 : i32
    %scan3A_6 = arith.constant 0 : i32
    %scan3A_7 = arith.constant 0 : i32
    %scan3A_8 = arith.constant 5 : i32
    %scan3A_9 = arith.addi %scan3A_7, %scan3A_8 : i32
    %scan3A_10 = arith.constant 1 : i32
    scf.for %scan3A_40 = %scan3A_7 to %scan3A_9 step %scan3A_10  : i32 {
      %mul3A_41 = arith.constant 640 : i32
      %mul3A_42 = arith.muli %arg1, %mul3A_41 : i32
      %mul3A_43 = arith.constant 128 : i32
      %mul3A_44 = arith.muli %scan3A_40, %mul3A_43 : i32
      %add3A_45 = arith.addi %mul3A_42, %mul3A_44 : i32
      %run_scoped3A_46 = arith.constant 0 : i32
      "tpu.region"() ({
        %run_scoped3A_47 = tpu.sem_alloc : memref<!tpu.dma_semaphore, #tpu.memory_space<semaphore_mem>>
        %dma_start3A_48 = arith.constant 0 : i32
        %dma_start3A_49 = arith.constant 0 : i32
        %dma_start3A_50 = tpu.memref_slice %arg7[%run_scoped3A_46, %dma_start3A_48, %dma_start3A_49] : memref<2x128x128xf32, #tpu.memory_space<vmem>> -> memref<1x128x128xf32, #tpu.memory_space<vmem>>
        %dma_start3A_51 = tpu.memref_squeeze %dma_start3A_50 : memref<1x128x128xf32, #tpu.memory_space<vmem>> -> memref<128x128xf32, #tpu.memory_space<vmem>>
        %dma_start3A_52 = arith.constant 0 : i32
        %dma_start3A_53 = tpu.memref_slice %arg8[%add3A_45, %dma_start3A_52] : memref<10240x128xf32, #tpu.memory_space<vmem_shared>> -> memref<128x128xf32, #tpu.memory_space<vmem_shared>>
        %dma_start3A_54 = arith.constant 0 : i32
        %dma_start3A_55 = tpu.memref_slice %arg8[%add3A_45, %dma_start3A_54] : memref<10240x128xf32, #tpu.memory_space<vmem_shared>> -> memref<128x128xf32, #tpu.memory_space<vmem_shared>>
        %dma_start3A_56 = arith.constant 0 : i32
        %dma_start3A_57 = arith.constant 0 : i32
        %dma_start3A_58 = tpu.memref_slice %arg7[%run_scoped3A_46, %dma_start3A_56, %dma_start3A_57] : memref<2x128x128xf32, #tpu.memory_space<vmem>> -> memref<1x128x128xf32, #tpu.memory_space<vmem>>
        %dma_start3A_59 = tpu.memref_squeeze %dma_start3A_58 : memref<1x128x128xf32, #tpu.memory_space<vmem>> -> memref<128x128xf32, #tpu.memory_space<vmem>>
        tpu.enqueue_dma source(%dma_start3A_59 : memref<128x128xf32, #tpu.memory_space<vmem>>) target(%dma_start3A_55 : memref<128x128xf32, #tpu.memory_space<vmem_shared>>) target_semaphore(%run_scoped3A_47 : memref<!tpu.dma_semaphore, #tpu.memory_space<semaphore_mem>>)
        %dma_wait3A = arith.constant 0 : i32
        %dma_wait3A_60 = arith.constant 0 : i32
        %dma_wait3A_61 = tpu.memref_slice %arg7[%run_scoped3A_46, %dma_wait3A, %dma_wait3A_60] : memref<2x128x128xf32, #tpu.memory_space<vmem>> -> memref<1x128x128xf32, #tpu.memory_space<vmem>>
        %dma_wait3A_62 = tpu.memref_squeeze %dma_wait3A_61 : memref<1x128x128xf32, #tpu.memory_space<vmem>> -> memref<128x128xf32, #tpu.memory_space<vmem>>
        %dma_wait3A_63 = arith.constant 0 : i32
        %dma_wait3A_64 = tpu.memref_slice %arg8[%add3A_45, %dma_wait3A_63] : memref<10240x128xf32, #tpu.memory_space<vmem_shared>> -> memref<128x128xf32, #tpu.memory_space<vmem_shared>>
        %dma_wait3A_65 = arith.constant 0 : i32
        %dma_wait3A_66 = tpu.memref_slice %arg8[%add3A_45, %dma_wait3A_65] : memref<10240x128xf32, #tpu.memory_space<vmem_shared>> -> memref<128x128xf32, #tpu.memory_space<vmem_shared>>
        %dma_wait3A_67 = arith.constant 0 : i32
        %dma_wait3A_68 = arith.constant 0 : i32
        %dma_wait3A_69 = tpu.memref_slice %arg7[%run_scoped3A_46, %dma_wait3A_67, %dma_wait3A_68] : memref<2x128x128xf32, #tpu.memory_space<vmem>> -> memref<1x128x128xf32, #tpu.memory_space<vmem>>
        %dma_wait3A_70 = tpu.memref_squeeze %dma_wait3A_69 : memref<1x128x128xf32, #tpu.memory_space<vmem>> -> memref<128x128xf32, #tpu.memory_space<vmem>>
        tpu.wait_dma2 semaphore(%run_scoped3A_47 : memref<!tpu.dma_semaphore, #tpu.memory_space<semaphore_mem>>) src(%dma_wait3A_70 : memref<128x128xf32, #tpu.memory_space<vmem>>) dst(%dma_wait3A_66 : memref<128x128xf32, #tpu.memory_space<vmem_shared>>)
        tpu.yield
      }) : () -> ()
    }
    %scan3A_11 = arith.constant 5 : i32
    %run_scoped3A = arith.constant 0 : i32
    %run_scoped3A_12 = arith.constant 0 : i32
    %run_scoped3A_13 = arith.constant 0 : i32
    "tpu.region"() ({
      %run_scoped3A_40 = tpu.sem_alloc : memref<!tpu.dma_semaphore, #tpu.memory_space<semaphore_mem>>
      %dma_start3A_41 = arith.constant 0 : i32
      %dma_start3A_42 = arith.constant 0 : i32
      %dma_start3A_43 = tpu.memref_slice %arg5[%run_scoped3A_13, %dma_start3A_41, %dma_start3A_42] : memref<2x16x128xi32, #tpu.memory_space<vmem>> -> memref<1x16x128xi32, #tpu.memory_space<vmem>>
      %dma_start3A_44 = tpu.memref_squeeze %dma_start3A_43 : memref<1x16x128xi32, #tpu.memory_space<vmem>> -> memref<16x128xi32, #tpu.memory_space<vmem>>
      %dma_start3A_45 = arith.constant 0 : i32
      %dma_start3A_46 = arith.constant 0 : i32
      %dma_start3A_47 = tpu.memref_slice %arg3[%run_scoped3A, %add3A, %run_scoped3A_12, %dma_start3A_45, %dma_start3A_46] : memref<2x32x5x16x128xi32, #tpu.memory_space<hbm>> -> memref<1x1x1x16x128xi32, #tpu.memory_space<hbm>>
      %dma_start3A_48 = tpu.memref_squeeze %dma_start3A_47 : memref<1x1x1x16x128xi32, #tpu.memory_space<hbm>> -> memref<16x128xi32, #tpu.memory_space<hbm>>
      %dma_start3A_49 = arith.constant 0 : i32
      %dma_start3A_50 = arith.constant 0 : i32
      %dma_start3A_51 = tpu.memref_slice %arg5[%run_scoped3A_13, %dma_start3A_49, %dma_start3A_50] : memref<2x16x128xi32, #tpu.memory_space<vmem>> -> memref<1x16x128xi32, #tpu.memory_space<vmem>>
      %dma_start3A_52 = tpu.memref_squeeze %dma_start3A_51 : memref<1x16x128xi32, #tpu.memory_space<vmem>> -> memref<16x128xi32, #tpu.memory_space<vmem>>
      %dma_start3A_53 = arith.constant 0 : i32
      %dma_start3A_54 = arith.constant 0 : i32
      %dma_start3A_55 = tpu.memref_slice %arg3[%run_scoped3A, %add3A, %run_scoped3A_12, %dma_start3A_53, %dma_start3A_54] : memref<2x32x5x16x128xi32, #tpu.memory_space<hbm>> -> memref<1x1x1x16x128xi32, #tpu.memory_space<hbm>>
      %dma_start3A_56 = tpu.memref_squeeze %dma_start3A_55 : memref<1x1x1x16x128xi32, #tpu.memory_space<hbm>> -> memref<16x128xi32, #tpu.memory_space<hbm>>
      tpu.enqueue_dma source(%dma_start3A_56 : memref<16x128xi32, #tpu.memory_space<hbm>>) target(%dma_start3A_52 : memref<16x128xi32, #tpu.memory_space<vmem>>) target_semaphore(%run_scoped3A_40 : memref<!tpu.dma_semaphore, #tpu.memory_space<semaphore_mem>>)
      %dma_wait3A = arith.constant 0 : i32
      %dma_wait3A_57 = arith.constant 0 : i32
      %dma_wait3A_58 = tpu.memref_slice %arg5[%run_scoped3A_13, %dma_wait3A, %dma_wait3A_57] : memref<2x16x128xi32, #tpu.memory_space<vmem>> -> memref<1x16x128xi32, #tpu.memory_space<vmem>>
      %dma_wait3A_59 = tpu.memref_squeeze %dma_wait3A_58 : memref<1x16x128xi32, #tpu.memory_space<vmem>> -> memref<16x128xi32, #tpu.memory_space<vmem>>
      %dma_wait3A_60 = arith.constant 0 : i32
      %dma_wait3A_61 = arith.constant 0 : i32
      %dma_wait3A_62 = tpu.memref_slice %arg3[%run_scoped3A, %add3A, %run_scoped3A_12, %dma_wait3A_60, %dma_wait3A_61] : memref<2x32x5x16x128xi32, #tpu.memory_space<hbm>> -> memref<1x1x1x16x128xi32, #tpu.memory_space<hbm>>
      %dma_wait3A_63 = tpu.memref_squeeze %dma_wait3A_62 : memref<1x1x1x16x128xi32, #tpu.memory_space<hbm>> -> memref<16x128xi32, #tpu.memory_space<hbm>>
      %dma_wait3A_64 = arith.constant 0 : i32
      %dma_wait3A_65 = arith.constant 0 : i32
      %dma_wait3A_66 = tpu.memref_slice %arg5[%run_scoped3A_13, %dma_wait3A_64, %dma_wait3A_65] : memref<2x16x128xi32, #tpu.memory_space<vmem>> -> memref<1x16x128xi32, #tpu.memory_space<vmem>>
      %dma_wait3A_67 = tpu.memref_squeeze %dma_wait3A_66 : memref<1x16x128xi32, #tpu.memory_space<vmem>> -> memref<16x128xi32, #tpu.memory_space<vmem>>
      %dma_wait3A_68 = arith.constant 0 : i32
      %dma_wait3A_69 = arith.constant 0 : i32
      %dma_wait3A_70 = tpu.memref_slice %arg3[%run_scoped3A, %add3A, %run_scoped3A_12, %dma_wait3A_68, %dma_wait3A_69] : memref<2x32x5x16x128xi32, #tpu.memory_space<hbm>> -> memref<1x1x1x16x128xi32, #tpu.memory_space<hbm>>
      %dma_wait3A_71 = tpu.memref_squeeze %dma_wait3A_70 : memref<1x1x1x16x128xi32, #tpu.memory_space<hbm>> -> memref<16x128xi32, #tpu.memory_space<hbm>>
      tpu.wait_dma2 semaphore(%run_scoped3A_40 : memref<!tpu.dma_semaphore, #tpu.memory_space<semaphore_mem>>) src(%dma_wait3A_71 : memref<16x128xi32, #tpu.memory_space<hbm>>) dst(%dma_wait3A_67 : memref<16x128xi32, #tpu.memory_space<vmem>>)
      tpu.yield
    }) : () -> ()
    %run_scoped3A_14 = arith.constant 1 : i32
    %run_scoped3A_15 = arith.constant 0 : i32
    %run_scoped3A_16 = arith.constant 0 : i32
    "tpu.region"() ({
      %run_scoped3A_40 = tpu.sem_alloc : memref<!tpu.dma_semaphore, #tpu.memory_space<semaphore_mem>>
      %dma_start3A_41 = arith.constant 0 : i32
      %dma_start3A_42 = arith.constant 0 : i32
      %dma_start3A_43 = tpu.memref_slice %arg6[%run_scoped3A_16, %dma_start3A_41, %dma_start3A_42] : memref<2x16x128xi32, #tpu.memory_space<vmem>> -> memref<1x16x128xi32, #tpu.memory_space<vmem>>
      %dma_start3A_44 = tpu.memref_squeeze %dma_start3A_43 : memref<1x16x128xi32, #tpu.memory_space<vmem>> -> memref<16x128xi32, #tpu.memory_space<vmem>>
      %dma_start3A_45 = arith.constant 0 : i32
      %dma_start3A_46 = arith.constant 0 : i32
      %dma_start3A_47 = tpu.memref_slice %arg3[%run_scoped3A_14, %add3A, %run_scoped3A_15, %dma_start3A_45, %dma_start3A_46] : memref<2x32x5x16x128xi32, #tpu.memory_space<hbm>> -> memref<1x1x1x16x128xi32, #tpu.memory_space<hbm>>
      %dma_start3A_48 = tpu.memref_squeeze %dma_start3A_47 : memref<1x1x1x16x128xi32, #tpu.memory_space<hbm>> -> memref<16x128xi32, #tpu.memory_space<hbm>>
      %dma_start3A_49 = arith.constant 0 : i32
      %dma_start3A_50 = arith.constant 0 : i32
      %dma_start3A_51 = tpu.memref_slice %arg6[%run_scoped3A_16, %dma_start3A_49, %dma_start3A_50] : memref<2x16x128xi32, #tpu.memory_space<vmem>> -> memref<1x16x128xi32, #tpu.memory_space<vmem>>
      %dma_start3A_52 = tpu.memref_squeeze %dma_start3A_51 : memref<1x16x128xi32, #tpu.memory_space<vmem>> -> memref<16x128xi32, #tpu.memory_space<vmem>>
      %dma_start3A_53 = arith.constant 0 : i32
      %dma_start3A_54 = arith.constant 0 : i32
      %dma_start3A_55 = tpu.memref_slice %arg3[%run_scoped3A_14, %add3A, %run_scoped3A_15, %dma_start3A_53, %dma_start3A_54] : memref<2x32x5x16x128xi32, #tpu.memory_space<hbm>> -> memref<1x1x1x16x128xi32, #tpu.memory_space<hbm>>
      %dma_start3A_56 = tpu.memref_squeeze %dma_start3A_55 : memref<1x1x1x16x128xi32, #tpu.memory_space<hbm>> -> memref<16x128xi32, #tpu.memory_space<hbm>>
      tpu.enqueue_dma source(%dma_start3A_56 : memref<16x128xi32, #tpu.memory_space<hbm>>) target(%dma_start3A_52 : memref<16x128xi32, #tpu.memory_space<vmem>>) target_semaphore(%run_scoped3A_40 : memref<!tpu.dma_semaphore, #tpu.memory_space<semaphore_mem>>)
      %dma_wait3A = arith.constant 0 : i32
      %dma_wait3A_57 = arith.constant 0 : i32
      %dma_wait3A_58 = tpu.memref_slice %arg6[%run_scoped3A_16, %dma_wait3A, %dma_wait3A_57] : memref<2x16x128xi32, #tpu.memory_space<vmem>> -> memref<1x16x128xi32, #tpu.memory_space<vmem>>
      %dma_wait3A_59 = tpu.memref_squeeze %dma_wait3A_58 : memref<1x16x128xi32, #tpu.memory_space<vmem>> -> memref<16x128xi32, #tpu.memory_space<vmem>>
      %dma_wait3A_60 = arith.constant 0 : i32
      %dma_wait3A_61 = arith.constant 0 : i32
      %dma_wait3A_62 = tpu.memref_slice %arg3[%run_scoped3A_14, %add3A, %run_scoped3A_15, %dma_wait3A_60, %dma_wait3A_61] : memref<2x32x5x16x128xi32, #tpu.memory_space<hbm>> -> memref<1x1x1x16x128xi32, #tpu.memory_space<hbm>>
      %dma_wait3A_63 = tpu.memref_squeeze %dma_wait3A_62 : memref<1x1x1x16x128xi32, #tpu.memory_space<hbm>> -> memref<16x128xi32, #tpu.memory_space<hbm>>
      %dma_wait3A_64 = arith.constant 0 : i32
      %dma_wait3A_65 = arith.constant 0 : i32
      %dma_wait3A_66 = tpu.memref_slice %arg6[%run_scoped3A_16, %dma_wait3A_64, %dma_wait3A_65] : memref<2x16x128xi32, #tpu.memory_space<vmem>> -> memref<1x16x128xi32, #tpu.memory_space<vmem>>
      %dma_wait3A_67 = tpu.memref_squeeze %dma_wait3A_66 : memref<1x16x128xi32, #tpu.memory_space<vmem>> -> memref<16x128xi32, #tpu.memory_space<vmem>>
      %dma_wait3A_68 = arith.constant 0 : i32
      %dma_wait3A_69 = arith.constant 0 : i32
      %dma_wait3A_70 = tpu.memref_slice %arg3[%run_scoped3A_14, %add3A, %run_scoped3A_15, %dma_wait3A_68, %dma_wait3A_69] : memref<2x32x5x16x128xi32, #tpu.memory_space<hbm>> -> memref<1x1x1x16x128xi32, #tpu.memory_space<hbm>>
      %dma_wait3A_71 = tpu.memref_squeeze %dma_wait3A_70 : memref<1x1x1x16x128xi32, #tpu.memory_space<hbm>> -> memref<16x128xi32, #tpu.memory_space<hbm>>
      tpu.wait_dma2 semaphore(%run_scoped3A_40 : memref<!tpu.dma_semaphore, #tpu.memory_space<semaphore_mem>>) src(%dma_wait3A_71 : memref<16x128xi32, #tpu.memory_space<hbm>>) dst(%dma_wait3A_67 : memref<16x128xi32, #tpu.memory_space<vmem>>)
      tpu.yield
    }) : () -> ()
    %barrier3A = arith.constant 0 : index
    tpu.barrier barrier_id(%barrier3A)
    %dma_start3A = arith.constant 0 : i32
    %dma_start3A_17 = arith.constant 0 : i32
    %dma_start3A_18 = arith.constant 0 : i32
    %dma_start3A_19 = arith.constant 0 : i32
    %dma_start3A_20 = arith.constant 0 : i32
    %dma_start3A_21 = tpu.memref_slice %arg7[%dma_start3A_18, %dma_start3A_19, %dma_start3A_20] : memref<2x128x128xf32, #tpu.memory_space<vmem>> -> memref<1x128x128xf32, #tpu.memory_space<vmem>>
    %dma_start3A_22 = tpu.memref_squeeze %dma_start3A_21 : memref<1x128x128xf32, #tpu.memory_space<vmem>> -> memref<128x128xf32, #tpu.memory_space<vmem>>
    %dma_start3A_23 = arith.constant 0 : i32
    %dma_start3A_24 = tpu.memref_slice %arg5[%dma_start3A, %dma_start3A_17, %dma_start3A_23] : memref<2x16x128xi32, #tpu.memory_space<vmem>> -> memref<1x1x128xi32, #tpu.memory_space<vmem>>
    %dma_start3A_25 = tpu.memref_squeeze %dma_start3A_24 : memref<1x1x128xi32, #tpu.memory_space<vmem>> -> memref<128xi32, #tpu.memory_space<vmem>>
    %dma_start3A_26 = arith.constant 0 : i32
    %dma_start3A_27 = arith.constant 0 : i32
    %dma_start3A_28 = tpu.memref_slice %arg2[%dma_start3A_26, %dma_start3A_27] : memref<10000x128xf32, #tpu.memory_space<hbm>> -> memref<10000x128xf32, #tpu.memory_space<hbm>>
    tpu.enqueue_indirect_dma source(%dma_start3A_28 : memref<10000x128xf32, #tpu.memory_space<hbm>>) target(%dma_start3A_22 : memref<128x128xf32, #tpu.memory_space<vmem>>) offsets(%dma_start3A_25 : memref<128xi32, #tpu.memory_space<vmem>>) semaphore(%arg9 : memref<!tpu.dma_semaphore, #tpu.memory_space<semaphore_mem>>)
    %scan3A_29 = arith.constant 0 : i32
    %scan3A_30 = arith.constant 0 : i32
    %scan3A_31 = arith.constant 40 : i32
    %scan3A_32 = arith.addi %scan3A_30, %scan3A_31 : i32
    %scan3A_33 = arith.constant 1 : i32
    scf.for %scan3A_40 = %scan3A_30 to %scan3A_32 step %scan3A_33  : i32 {
      %mul3A_41 = arith.constant 2 : i32
      %mul3A_42 = arith.muli %mul3A_41, %scan3A_40 : i32
      %add3A_43 = arith.constant 1 : i32
      %add3A_44 = arith.addi %mul3A_42, %add3A_43 : i32
      %add3A_45 = arith.constant 2 : i32
      %add3A_46 = arith.addi %mul3A_42, %add3A_45 : i32
      %jit3A = arith.constant 16 : i32
      %div3A = arith.divsi %mul3A_42, %jit3A : i32
      %sign3A = arith.constant 0 : i32
      %sign3A_47 = arith.cmpi sgt, %mul3A_42, %sign3A : i32
      %sign3A_48 = arith.extui %sign3A_47 : i1 to i32
      %sign3A_49 = arith.constant 0 : i32
      %sign3A_50 = arith.cmpi slt, %mul3A_42, %sign3A_49 : i32
      %sign3A_51 = arith.extui %sign3A_50 : i1 to i32
      %sign3A_52 = arith.subi %sign3A_48, %sign3A_51 : i32
      %sign3A_53 = arith.constant 0 : i32
      %sign3A_54 = arith.cmpi sgt, %jit3A, %sign3A_53 : i32
      %sign3A_55 = arith.extui %sign3A_54 : i1 to i32
      %sign3A_56 = arith.constant 0 : i32
      %sign3A_57 = arith.cmpi slt, %jit3A, %sign3A_56 : i32
      %sign3A_58 = arith.extui %sign3A_57 : i1 to i32
      %sign3A_59 = arith.subi %sign3A_55, %sign3A_58 : i32
      %ne3A = arith.cmpi ne, %sign3A_52, %sign3A_59 : i32
      %rem3A = arith.remsi %mul3A_42, %jit3A : i32
      %ne3A_60 = arith.constant 0 : i32
      %ne3A_61 = arith.cmpi ne, %rem3A, %ne3A_60 : i32
      %and3A = arith.andi %ne3A, %ne3A_61 : i1
      %sub3A = arith.constant 1 : i32
      %sub3A_62 = arith.subi %div3A, %sub3A : i32
      %select_n3A = arith.select %and3A, %sub3A_62, %div3A : i32
      %jit3A_63 = arith.constant 2 : i32
      %eq3A = arith.constant 0 : i32
      %eq3A_64 = arith.cmpi eq, %jit3A_63, %eq3A : i32
      %jit3A_65 = arith.constant 1 : i32
      %select_n3A_66 = arith.select %eq3A_64, %jit3A_65, %jit3A_63 : i32
      %rem3A_67 = arith.remsi %select_n3A, %select_n3A_66 : i32
      %ne3A_68 = arith.constant 0 : i32
      %ne3A_69 = arith.cmpi ne, %rem3A_67, %ne3A_68 : i32
      %lt3A = arith.constant 0 : i32
      %lt3A_70 = arith.cmpi slt, %rem3A_67, %lt3A : i32
      %lt3A_71 = arith.constant 0 : i32
      %lt3A_72 = arith.cmpi slt, %select_n3A_66, %lt3A_71 : i32
      %ne3A_73 = arith.xori %lt3A_70, %lt3A_72 : i1
      %and3A_74 = arith.andi %ne3A_73, %ne3A_69 : i1
      %add3A_75 = arith.addi %rem3A_67, %select_n3A_66 : i32
      %select_n3A_76 = arith.select %and3A_74, %add3A_75, %rem3A_67 : i32
      %jit3A_77 = arith.constant 16 : i32
      %eq3A_78 = arith.constant 0 : i32
      %eq3A_79 = arith.cmpi eq, %jit3A_77, %eq3A_78 : i32
      %jit3A_80 = arith.constant 1 : i32
      %select_n3A_81 = arith.select %eq3A_79, %jit3A_80, %jit3A_77 : i32
      %rem3A_82 = arith.remsi %add3A_44, %select_n3A_81 : i32
      %ne3A_83 = arith.constant 0 : i32
      %ne3A_84 = arith.cmpi ne, %rem3A_82, %ne3A_83 : i32
      %lt3A_85 = arith.constant 0 : i32
      %lt3A_86 = arith.cmpi slt, %rem3A_82, %lt3A_85 : i32
      %lt3A_87 = arith.constant 0 : i32
      %lt3A_88 = arith.cmpi slt, %select_n3A_81, %lt3A_87 : i32
      %ne3A_89 = arith.xori %lt3A_86, %lt3A_88 : i1
      %and3A_90 = arith.andi %ne3A_89, %ne3A_84 : i1
      %add3A_91 = arith.addi %rem3A_82, %select_n3A_81 : i32
      %select_n3A_92 = arith.select %and3A_90, %add3A_91, %rem3A_82 : i32
      %dma_start3A_93 = arith.constant 1 : i32
      %dma_start3A_94 = arith.constant 0 : i32
      %dma_start3A_95 = arith.constant 0 : i32
      %dma_start3A_96 = tpu.memref_slice %arg7[%dma_start3A_93, %dma_start3A_94, %dma_start3A_95] : memref<2x128x128xf32, #tpu.memory_space<vmem>> -> memref<1x128x128xf32, #tpu.memory_space<vmem>>
      %dma_start3A_97 = tpu.memref_squeeze %dma_start3A_96 : memref<1x128x128xf32, #tpu.memory_space<vmem>> -> memref<128x128xf32, #tpu.memory_space<vmem>>
      %dma_start3A_98 = arith.constant 0 : i32
      %dma_start3A_99 = tpu.memref_slice %arg5[%select_n3A_76, %select_n3A_92, %dma_start3A_98] : memref<2x16x128xi32, #tpu.memory_space<vmem>> -> memref<1x1x128xi32, #tpu.memory_space<vmem>>
      %dma_start3A_100 = tpu.memref_squeeze %dma_start3A_99 : memref<1x1x128xi32, #tpu.memory_space<vmem>> -> memref<128xi32, #tpu.memory_space<vmem>>
      %dma_start3A_101 = arith.constant 0 : i32
      %dma_start3A_102 = arith.constant 0 : i32
      %dma_start3A_103 = tpu.memref_slice %arg2[%dma_start3A_101, %dma_start3A_102] : memref<10000x128xf32, #tpu.memory_space<hbm>> -> memref<10000x128xf32, #tpu.memory_space<hbm>>
      tpu.enqueue_indirect_dma source(%dma_start3A_103 : memref<10000x128xf32, #tpu.memory_space<hbm>>) target(%dma_start3A_97 : memref<128x128xf32, #tpu.memory_space<vmem>>) offsets(%dma_start3A_100 : memref<128xi32, #tpu.memory_space<vmem>>) semaphore(%arg10 : memref<!tpu.dma_semaphore, #tpu.memory_space<semaphore_mem>>)
      %dma_wait3A = arith.constant 0 : i32
      %dma_wait3A_104 = arith.constant 0 : i32
      %dma_wait3A_105 = arith.constant 0 : i32
      %dma_wait3A_106 = tpu.memref_slice %arg7[%dma_wait3A, %dma_wait3A_104, %dma_wait3A_105] : memref<2x128x128xf32, #tpu.memory_space<vmem>> -> memref<1x128x128xf32, #tpu.memory_space<vmem>>
      %dma_wait3A_107 = tpu.memref_squeeze %dma_wait3A_106 : memref<1x128x128xf32, #tpu.memory_space<vmem>> -> memref<128x128xf32, #tpu.memory_space<vmem>>
      %dma_wait3A_108 = arith.constant 0 : i32
      %dma_wait3A_109 = arith.constant 0 : i32
      %dma_wait3A_110 = tpu.memref_slice %arg2[%dma_wait3A_108, %dma_wait3A_109] : memref<10000x128xf32, #tpu.memory_space<hbm>> -> memref<128x128xf32, #tpu.memory_space<hbm>>
      %dma_wait3A_111 = arith.constant 0 : i32
      %dma_wait3A_112 = arith.constant 0 : i32
      %dma_wait3A_113 = tpu.memref_slice %arg7[%dma_wait3A, %dma_wait3A_111, %dma_wait3A_112] : memref<2x128x128xf32, #tpu.memory_space<vmem>> -> memref<1x128x128xf32, #tpu.memory_space<vmem>>
      %dma_wait3A_114 = tpu.memref_squeeze %dma_wait3A_113 : memref<1x128x128xf32, #tpu.memory_space<vmem>> -> memref<128x128xf32, #tpu.memory_space<vmem>>
      %dma_wait3A_115 = arith.constant 0 : i32
      %dma_wait3A_116 = arith.constant 0 : i32
      %dma_wait3A_117 = tpu.memref_slice %arg2[%dma_wait3A_115, %dma_wait3A_116] : memref<10000x128xf32, #tpu.memory_space<hbm>> -> memref<128x128xf32, #tpu.memory_space<hbm>>
      tpu.wait_dma2 semaphore(%arg9 : memref<!tpu.dma_semaphore, #tpu.memory_space<semaphore_mem>>) src(%dma_wait3A_117 : memref<128x128xf32, #tpu.memory_space<hbm>>) dst(%dma_wait3A_114 : memref<128x128xf32, #tpu.memory_space<vmem>>)
      %jit3A_118 = arith.constant 16 : i32
      %eq3A_119 = arith.constant 0 : i32
      %eq3A_120 = arith.cmpi eq, %jit3A_118, %eq3A_119 : i32
      %jit3A_121 = arith.constant 1 : i32
      %select_n3A_122 = arith.select %eq3A_120, %jit3A_121, %jit3A_118 : i32
      %rem3A_123 = arith.remsi %mul3A_42, %select_n3A_122 : i32
      %ne3A_124 = arith.constant 0 : i32
      %ne3A_125 = arith.cmpi ne, %rem3A_123, %ne3A_124 : i32
      %lt3A_126 = arith.constant 0 : i32
      %lt3A_127 = arith.cmpi slt, %rem3A_123, %lt3A_126 : i32
      %lt3A_128 = arith.constant 0 : i32
      %lt3A_129 = arith.cmpi slt, %select_n3A_122, %lt3A_128 : i32
      %ne3A_130 = arith.xori %lt3A_127, %lt3A_129 : i1
      %and3A_131 = arith.andi %ne3A_130, %ne3A_125 : i1
      %add3A_132 = arith.addi %rem3A_123, %select_n3A_122 : i32
      %select_n3A_133 = arith.select %and3A_131, %add3A_132, %rem3A_123 : i32
      %run_scoped3A_134 = arith.constant 0 : i32
      "tpu.region"() ({
        %run_scoped3A_194 = tpu.sem_alloc : memref<!tpu.dma_semaphore, #tpu.memory_space<semaphore_mem>>
        %dma_start3A_195 = arith.constant 0 : i32
        %dma_start3A_196 = arith.constant 0 : i32
        %dma_start3A_197 = tpu.memref_slice %arg7[%run_scoped3A_134, %dma_start3A_195, %dma_start3A_196] : memref<2x128x128xf32, #tpu.memory_space<vmem>> -> memref<1x128x128xf32, #tpu.memory_space<vmem>>
        %dma_start3A_198 = tpu.memref_squeeze %dma_start3A_197 : memref<1x128x128xf32, #tpu.memory_space<vmem>> -> memref<128x128xf32, #tpu.memory_space<vmem>>
        %dma_start3A_199 = arith.constant 0 : i32
        %dma_start3A_200 = tpu.memref_slice %arg6[%select_n3A_76, %select_n3A_133, %dma_start3A_199] : memref<2x16x128xi32, #tpu.memory_space<vmem>> -> memref<1x1x128xi32, #tpu.memory_space<vmem>>
        %dma_start3A_201 = tpu.memref_squeeze %dma_start3A_200 : memref<1x1x128xi32, #tpu.memory_space<vmem>> -> memref<128xi32, #tpu.memory_space<vmem>>
        %dma_start3A_202 = arith.constant 0 : i32
        %dma_start3A_203 = arith.constant 0 : i32
        %dma_start3A_204 = tpu.memref_slice %arg8[%dma_start3A_202, %dma_start3A_203] : memref<10240x128xf32, #tpu.memory_space<vmem_shared>> -> memref<10240x128xf32, #tpu.memory_space<vmem_shared>>
        tpu.enqueue_indirect_dma source(%dma_start3A_198 : memref<128x128xf32, #tpu.memory_space<vmem>>) target(%dma_start3A_204 : memref<10240x128xf32, #tpu.memory_space<vmem_shared>>) offsets(%dma_start3A_201 : memref<128xi32, #tpu.memory_space<vmem>>) semaphore(%run_scoped3A_194 : memref<!tpu.dma_semaphore, #tpu.memory_space<semaphore_mem>>) {add = true}
        %dma_wait3A_205 = arith.constant 0 : i32
        %dma_wait3A_206 = arith.constant 0 : i32
        %dma_wait3A_207 = tpu.memref_slice %arg7[%run_scoped3A_134, %dma_wait3A_205, %dma_wait3A_206] : memref<2x128x128xf32, #tpu.memory_space<vmem>> -> memref<1x128x128xf32, #tpu.memory_space<vmem>>
        %dma_wait3A_208 = tpu.memref_squeeze %dma_wait3A_207 : memref<1x128x128xf32, #tpu.memory_space<vmem>> -> memref<128x128xf32, #tpu.memory_space<vmem>>
        %dma_wait3A_209 = arith.constant 0 : i32
        %dma_wait3A_210 = tpu.memref_slice %arg6[%select_n3A_76, %select_n3A_133, %dma_wait3A_209] : memref<2x16x128xi32, #tpu.memory_space<vmem>> -> memref<1x1x128xi32, #tpu.memory_space<vmem>>
        %dma_wait3A_211 = tpu.memref_squeeze %dma_wait3A_210 : memref<1x1x128xi32, #tpu.memory_space<vmem>> -> memref<128xi32, #tpu.memory_space<vmem>>
        %dma_wait3A_212 = arith.constant 0 : i32
        %dma_wait3A_213 = arith.constant 0 : i32
        %dma_wait3A_214 = tpu.memref_slice %arg8[%dma_wait3A_212, %dma_wait3A_213] : memref<10240x128xf32, #tpu.memory_space<vmem_shared>> -> memref<10240x128xf32, #tpu.memory_space<vmem_shared>>
        tpu.wait_indirect_dma semaphore(%run_scoped3A_194 : memref<!tpu.dma_semaphore, #tpu.memory_space<semaphore_mem>>) src(%dma_wait3A_208 : memref<128x128xf32, #tpu.memory_space<vmem>>) dst(%dma_wait3A_214 : memref<10240x128xf32, #tpu.memory_space<vmem_shared>>)
        tpu.yield
      }) : () -> ()
      %lt3A_135 = arith.constant 80 : i32
      %lt3A_136 = arith.cmpi slt, %add3A_46, %lt3A_135 : i32
      %jit3A_137 = arith.constant 16 : i32
      %eq3A_138 = arith.constant 0 : i32
      %eq3A_139 = arith.cmpi eq, %jit3A_137, %eq3A_138 : i32
      %jit3A_140 = arith.constant 1 : i32
      %select_n3A_141 = arith.select %eq3A_139, %jit3A_140, %jit3A_137 : i32
      %rem3A_142 = arith.remsi %add3A_46, %select_n3A_141 : i32
      %ne3A_143 = arith.constant 0 : i32
      %ne3A_144 = arith.cmpi ne, %rem3A_142, %ne3A_143 : i32
      %lt3A_145 = arith.constant 0 : i32
      %lt3A_146 = arith.cmpi slt, %rem3A_142, %lt3A_145 : i32
      %lt3A_147 = arith.constant 0 : i32
      %lt3A_148 = arith.cmpi slt, %select_n3A_141, %lt3A_147 : i32
      %ne3A_149 = arith.xori %lt3A_146, %lt3A_148 : i1
      %and3A_150 = arith.andi %ne3A_149, %ne3A_144 : i1
      %add3A_151 = arith.addi %rem3A_142, %select_n3A_141 : i32
      %select_n3A_152 = arith.select %and3A_150, %add3A_151, %rem3A_142 : i32
      %eq3A_153 = arith.constant 0 : i32
      %eq3A_154 = arith.cmpi eq, %select_n3A_152, %eq3A_153 : i32
      %and3A_155 = arith.andi %lt3A_136, %eq3A_154 : i1
      %convert_element_type3A = arith.extui %and3A_155 : i1 to i32
      %cond3A = arith.constant 0 : i32
      %cond3A_156 = arith.cmpi ne, %convert_element_type3A, %cond3A : i32
      scf.if %cond3A_156 {
        %jit3A_194 = arith.constant 16 : i32
        %div3A_195 = arith.divsi %add3A_46, %jit3A_194 : i32
        %sign3A_196 = arith.constant 0 : i32
        %sign3A_197 = arith.cmpi sgt, %add3A_46, %sign3A_196 : i32
        %sign3A_198 = arith.extui %sign3A_197 : i1 to i32
        %sign3A_199 = arith.constant 0 : i32
        %sign3A_200 = arith.cmpi slt, %add3A_46, %sign3A_199 : i32
        %sign3A_201 = arith.extui %sign3A_200 : i1 to i32
        %sign3A_202 = arith.subi %sign3A_198, %sign3A_201 : i32
        %sign3A_203 = arith.constant 0 : i32
        %sign3A_204 = arith.cmpi sgt, %jit3A_194, %sign3A_203 : i32
        %sign3A_205 = arith.extui %sign3A_204 : i1 to i32
        %sign3A_206 = arith.constant 0 : i32
        %sign3A_207 = arith.cmpi slt, %jit3A_194, %sign3A_206 : i32
        %sign3A_208 = arith.extui %sign3A_207 : i1 to i32
        %sign3A_209 = arith.subi %sign3A_205, %sign3A_208 : i32
        %ne3A_210 = arith.cmpi ne, %sign3A_202, %sign3A_209 : i32
        %rem3A_211 = arith.remsi %add3A_46, %jit3A_194 : i32
        %ne3A_212 = arith.constant 0 : i32
        %ne3A_213 = arith.cmpi ne, %rem3A_211, %ne3A_212 : i32
        %and3A_214 = arith.andi %ne3A_210, %ne3A_213 : i1
        %sub3A_215 = arith.constant 1 : i32
        %sub3A_216 = arith.subi %div3A_195, %sub3A_215 : i32
        %select_n3A_217 = arith.select %and3A_214, %sub3A_216, %div3A_195 : i32
        %jit3A_218 = arith.constant 2 : i32
        %eq3A_219 = arith.constant 0 : i32
        %eq3A_220 = arith.cmpi eq, %jit3A_218, %eq3A_219 : i32
        %jit3A_221 = arith.constant 1 : i32
        %select_n3A_222 = arith.select %eq3A_220, %jit3A_221, %jit3A_218 : i32
        %rem3A_223 = arith.remsi %select_n3A_217, %select_n3A_222 : i32
        %ne3A_224 = arith.constant 0 : i32
        %ne3A_225 = arith.cmpi ne, %rem3A_223, %ne3A_224 : i32
        %lt3A_226 = arith.constant 0 : i32
        %lt3A_227 = arith.cmpi slt, %rem3A_223, %lt3A_226 : i32
        %lt3A_228 = arith.constant 0 : i32
        %lt3A_229 = arith.cmpi slt, %select_n3A_222, %lt3A_228 : i32
        %ne3A_230 = arith.xori %lt3A_227, %lt3A_229 : i1
        %and3A_231 = arith.andi %ne3A_230, %ne3A_225 : i1
        %add3A_232 = arith.addi %rem3A_223, %select_n3A_222 : i32
        %select_n3A_233 = arith.select %and3A_231, %add3A_232, %rem3A_223 : i32
        %run_scoped3A_234 = arith.constant 0 : i32
        "tpu.region"() ({
          %run_scoped3A_252 = tpu.sem_alloc : memref<!tpu.dma_semaphore, #tpu.memory_space<semaphore_mem>>
          %dma_start3A_253 = arith.constant 0 : i32
          %dma_start3A_254 = arith.constant 0 : i32
          %dma_start3A_255 = tpu.memref_slice %arg5[%select_n3A_233, %dma_start3A_253, %dma_start3A_254] : memref<2x16x128xi32, #tpu.memory_space<vmem>> -> memref<1x16x128xi32, #tpu.memory_space<vmem>>
          %dma_start3A_256 = tpu.memref_squeeze %dma_start3A_255 : memref<1x16x128xi32, #tpu.memory_space<vmem>> -> memref<16x128xi32, #tpu.memory_space<vmem>>
          %dma_start3A_257 = arith.constant 0 : i32
          %dma_start3A_258 = arith.constant 0 : i32
          %dma_start3A_259 = tpu.memref_slice %arg3[%run_scoped3A_234, %add3A, %select_n3A_217, %dma_start3A_257, %dma_start3A_258] : memref<2x32x5x16x128xi32, #tpu.memory_space<hbm>> -> memref<1x1x1x16x128xi32, #tpu.memory_space<hbm>>
          %dma_start3A_260 = tpu.memref_squeeze %dma_start3A_259 : memref<1x1x1x16x128xi32, #tpu.memory_space<hbm>> -> memref<16x128xi32, #tpu.memory_space<hbm>>
          %dma_start3A_261 = arith.constant 0 : i32
          %dma_start3A_262 = arith.constant 0 : i32
          %dma_start3A_263 = tpu.memref_slice %arg5[%select_n3A_233, %dma_start3A_261, %dma_start3A_262] : memref<2x16x128xi32, #tpu.memory_space<vmem>> -> memref<1x16x128xi32, #tpu.memory_space<vmem>>
          %dma_start3A_264 = tpu.memref_squeeze %dma_start3A_263 : memref<1x16x128xi32, #tpu.memory_space<vmem>> -> memref<16x128xi32, #tpu.memory_space<vmem>>
          %dma_start3A_265 = arith.constant 0 : i32
          %dma_start3A_266 = arith.constant 0 : i32
          %dma_start3A_267 = tpu.memref_slice %arg3[%run_scoped3A_234, %add3A, %select_n3A_217, %dma_start3A_265, %dma_start3A_266] : memref<2x32x5x16x128xi32, #tpu.memory_space<hbm>> -> memref<1x1x1x16x128xi32, #tpu.memory_space<hbm>>
          %dma_start3A_268 = tpu.memref_squeeze %dma_start3A_267 : memref<1x1x1x16x128xi32, #tpu.memory_space<hbm>> -> memref<16x128xi32, #tpu.memory_space<hbm>>
          tpu.enqueue_dma source(%dma_start3A_268 : memref<16x128xi32, #tpu.memory_space<hbm>>) target(%dma_start3A_264 : memref<16x128xi32, #tpu.memory_space<vmem>>) target_semaphore(%run_scoped3A_252 : memref<!tpu.dma_semaphore, #tpu.memory_space<semaphore_mem>>)
          %dma_wait3A_269 = arith.constant 0 : i32
          %dma_wait3A_270 = arith.constant 0 : i32
          %dma_wait3A_271 = tpu.memref_slice %arg5[%select_n3A_233, %dma_wait3A_269, %dma_wait3A_270] : memref<2x16x128xi32, #tpu.memory_space<vmem>> -> memref<1x16x128xi32, #tpu.memory_space<vmem>>
          %dma_wait3A_272 = tpu.memref_squeeze %dma_wait3A_271 : memref<1x16x128xi32, #tpu.memory_space<vmem>> -> memref<16x128xi32, #tpu.memory_space<vmem>>
          %dma_wait3A_273 = arith.constant 0 : i32
          %dma_wait3A_274 = arith.constant 0 : i32
          %dma_wait3A_275 = tpu.memref_slice %arg3[%run_scoped3A_234, %add3A, %select_n3A_217, %dma_wait3A_273, %dma_wait3A_274] : memref<2x32x5x16x128xi32, #tpu.memory_space<hbm>> -> memref<1x1x1x16x128xi32, #tpu.memory_space<hbm>>
          %dma_wait3A_276 = tpu.memref_squeeze %dma_wait3A_275 : memref<1x1x1x16x128xi32, #tpu.memory_space<hbm>> -> memref<16x128xi32, #tpu.memory_space<hbm>>
          %dma_wait3A_277 = arith.constant 0 : i32
          %dma_wait3A_278 = arith.constant 0 : i32
          %dma_wait3A_279 = tpu.memref_slice %arg5[%select_n3A_233, %dma_wait3A_277, %dma_wait3A_278] : memref<2x16x128xi32, #tpu.memory_space<vmem>> -> memref<1x16x128xi32, #tpu.memory_space<vmem>>
          %dma_wait3A_280 = tpu.memref_squeeze %dma_wait3A_279 : memref<1x16x128xi32, #tpu.memory_space<vmem>> -> memref<16x128xi32, #tpu.memory_space<vmem>>
          %dma_wait3A_281 = arith.constant 0 : i32
          %dma_wait3A_282 = arith.constant 0 : i32
          %dma_wait3A_283 = tpu.memref_slice %arg3[%run_scoped3A_234, %add3A, %select_n3A_217, %dma_wait3A_281, %dma_wait3A_282] : memref<2x32x5x16x128xi32, #tpu.memory_space<hbm>> -> memref<1x1x1x16x128xi32, #tpu.memory_space<hbm>>
          %dma_wait3A_284 = tpu.memref_squeeze %dma_wait3A_283 : memref<1x1x1x16x128xi32, #tpu.memory_space<hbm>> -> memref<16x128xi32, #tpu.memory_space<hbm>>
          tpu.wait_dma2 semaphore(%run_scoped3A_252 : memref<!tpu.dma_semaphore, #tpu.memory_space<semaphore_mem>>) src(%dma_wait3A_284 : memref<16x128xi32, #tpu.memory_space<hbm>>) dst(%dma_wait3A_280 : memref<16x128xi32, #tpu.memory_space<vmem>>)
          tpu.yield
        }) : () -> ()
        %jit3A_235 = arith.constant 2 : i32
        %eq3A_236 = arith.constant 0 : i32
        %eq3A_237 = arith.cmpi eq, %jit3A_235, %eq3A_236 : i32
        %jit3A_238 = arith.constant 1 : i32
        %select_n3A_239 = arith.select %eq3A_237, %jit3A_238, %jit3A_235 : i32
        %rem3A_240 = arith.remsi %select_n3A_217, %select_n3A_239 : i32
        %ne3A_241 = arith.constant 0 : i32
        %ne3A_242 = arith.cmpi ne, %rem3A_240, %ne3A_241 : i32
        %lt3A_243 = arith.constant 0 : i32
        %lt3A_244 = arith.cmpi slt, %rem3A_240, %lt3A_243 : i32
        %lt3A_245 = arith.constant 0 : i32
        %lt3A_246 = arith.cmpi slt, %select_n3A_239, %lt3A_245 : i32
        %ne3A_247 = arith.xori %lt3A_244, %lt3A_246 : i1
        %and3A_248 = arith.andi %ne3A_247, %ne3A_242 : i1
        %add3A_249 = arith.addi %rem3A_240, %select_n3A_239 : i32
        %select_n3A_250 = arith.select %and3A_248, %add3A_249, %rem3A_240 : i32
        %run_scoped3A_251 = arith.constant 1 : i32
        "tpu.region"() ({
          %run_scoped3A_252 = tpu.sem_alloc : memref<!tpu.dma_semaphore, #tpu.memory_space<semaphore_mem>>
          %dma_start3A_253 = arith.constant 0 : i32
          %dma_start3A_254 = arith.constant 0 : i32
          %dma_start3A_255 = tpu.memref_slice %arg6[%select_n3A_250, %dma_start3A_253, %dma_start3A_254] : memref<2x16x128xi32, #tpu.memory_space<vmem>> -> memref<1x16x128xi32, #tpu.memory_space<vmem>>
          %dma_start3A_256 = tpu.memref_squeeze %dma_start3A_255 : memref<1x16x128xi32, #tpu.memory_space<vmem>> -> memref<16x128xi32, #tpu.memory_space<vmem>>
          %dma_start3A_257 = arith.constant 0 : i32
          %dma_start3A_258 = arith.constant 0 : i32
          %dma_start3A_259 = tpu.memref_slice %arg3[%run_scoped3A_251, %add3A, %select_n3A_217, %dma_start3A_257, %dma_start3A_258] : memref<2x32x5x16x128xi32, #tpu.memory_space<hbm>> -> memref<1x1x1x16x128xi32, #tpu.memory_space<hbm>>
          %dma_start3A_260 = tpu.memref_squeeze %dma_start3A_259 : memref<1x1x1x16x128xi32, #tpu.memory_space<hbm>> -> memref<16x128xi32, #tpu.memory_space<hbm>>
          %dma_start3A_261 = arith.constant 0 : i32
          %dma_start3A_262 = arith.constant 0 : i32
          %dma_start3A_263 = tpu.memref_slice %arg6[%select_n3A_250, %dma_start3A_261, %dma_start3A_262] : memref<2x16x128xi32, #tpu.memory_space<vmem>> -> memref<1x16x128xi32, #tpu.memory_space<vmem>>
          %dma_start3A_264 = tpu.memref_squeeze %dma_start3A_263 : memref<1x16x128xi32, #tpu.memory_space<vmem>> -> memref<16x128xi32, #tpu.memory_space<vmem>>
          %dma_start3A_265 = arith.constant 0 : i32
          %dma_start3A_266 = arith.constant 0 : i32
          %dma_start3A_267 = tpu.memref_slice %arg3[%run_scoped3A_251, %add3A, %select_n3A_217, %dma_start3A_265, %dma_start3A_266] : memref<2x32x5x16x128xi32, #tpu.memory_space<hbm>> -> memref<1x1x1x16x128xi32, #tpu.memory_space<hbm>>
          %dma_start3A_268 = tpu.memref_squeeze %dma_start3A_267 : memref<1x1x1x16x128xi32, #tpu.memory_space<hbm>> -> memref<16x128xi32, #tpu.memory_space<hbm>>
          tpu.enqueue_dma source(%dma_start3A_268 : memref<16x128xi32, #tpu.memory_space<hbm>>) target(%dma_start3A_264 : memref<16x128xi32, #tpu.memory_space<vmem>>) target_semaphore(%run_scoped3A_252 : memref<!tpu.dma_semaphore, #tpu.memory_space<semaphore_mem>>)
          %dma_wait3A_269 = arith.constant 0 : i32
          %dma_wait3A_270 = arith.constant 0 : i32
          %dma_wait3A_271 = tpu.memref_slice %arg6[%select_n3A_250, %dma_wait3A_269, %dma_wait3A_270] : memref<2x16x128xi32, #tpu.memory_space<vmem>> -> memref<1x16x128xi32, #tpu.memory_space<vmem>>
          %dma_wait3A_272 = tpu.memref_squeeze %dma_wait3A_271 : memref<1x16x128xi32, #tpu.memory_space<vmem>> -> memref<16x128xi32, #tpu.memory_space<vmem>>
          %dma_wait3A_273 = arith.constant 0 : i32
          %dma_wait3A_274 = arith.constant 0 : i32
          %dma_wait3A_275 = tpu.memref_slice %arg3[%run_scoped3A_251, %add3A, %select_n3A_217, %dma_wait3A_273, %dma_wait3A_274] : memref<2x32x5x16x128xi32, #tpu.memory_space<hbm>> -> memref<1x1x1x16x128xi32, #tpu.memory_space<hbm>>
          %dma_wait3A_276 = tpu.memref_squeeze %dma_wait3A_275 : memref<1x1x1x16x128xi32, #tpu.memory_space<hbm>> -> memref<16x128xi32, #tpu.memory_space<hbm>>
          %dma_wait3A_277 = arith.constant 0 : i32
          %dma_wait3A_278 = arith.constant 0 : i32
          %dma_wait3A_279 = tpu.memref_slice %arg6[%select_n3A_250, %dma_wait3A_277, %dma_wait3A_278] : memref<2x16x128xi32, #tpu.memory_space<vmem>> -> memref<1x16x128xi32, #tpu.memory_space<vmem>>
          %dma_wait3A_280 = tpu.memref_squeeze %dma_wait3A_279 : memref<1x16x128xi32, #tpu.memory_space<vmem>> -> memref<16x128xi32, #tpu.memory_space<vmem>>
          %dma_wait3A_281 = arith.constant 0 : i32
          %dma_wait3A_282 = arith.constant 0 : i32
          %dma_wait3A_283 = tpu.memref_slice %arg3[%run_scoped3A_251, %add3A, %select_n3A_217, %dma_wait3A_281, %dma_wait3A_282] : memref<2x32x5x16x128xi32, #tpu.memory_space<hbm>> -> memref<1x1x1x16x128xi32, #tpu.memory_space<hbm>>
          %dma_wait3A_284 = tpu.memref_squeeze %dma_wait3A_283 : memref<1x1x1x16x128xi32, #tpu.memory_space<hbm>> -> memref<16x128xi32, #tpu.memory_space<hbm>>
          tpu.wait_dma2 semaphore(%run_scoped3A_252 : memref<!tpu.dma_semaphore, #tpu.memory_space<semaphore_mem>>) src(%dma_wait3A_284 : memref<16x128xi32, #tpu.memory_space<hbm>>) dst(%dma_wait3A_280 : memref<16x128xi32, #tpu.memory_space<vmem>>)
          tpu.yield
        }) : () -> ()
      } else {
      }
      %lt3A_157 = arith.constant 80 : i32
      %lt3A_158 = arith.cmpi slt, %add3A_46, %lt3A_157 : i32
      %convert_element_type3A_159 = arith.extui %lt3A_158 : i1 to i32
      %cond3A_160 = arith.constant 0 : i32
      %cond3A_161 = arith.cmpi ne, %convert_element_type3A_159, %cond3A_160 : i32
      scf.if %cond3A_161 {
        %jit3A_194 = arith.constant 16 : i32
        %div3A_195 = arith.divsi %add3A_46, %jit3A_194 : i32
        %sign3A_196 = arith.constant 0 : i32
        %sign3A_197 = arith.cmpi sgt, %add3A_46, %sign3A_196 : i32
        %sign3A_198 = arith.extui %sign3A_197 : i1 to i32
        %sign3A_199 = arith.constant 0 : i32
        %sign3A_200 = arith.cmpi slt, %add3A_46, %sign3A_199 : i32
        %sign3A_201 = arith.extui %sign3A_200 : i1 to i32
        %sign3A_202 = arith.subi %sign3A_198, %sign3A_201 : i32
        %sign3A_203 = arith.constant 0 : i32
        %sign3A_204 = arith.cmpi sgt, %jit3A_194, %sign3A_203 : i32
        %sign3A_205 = arith.extui %sign3A_204 : i1 to i32
        %sign3A_206 = arith.constant 0 : i32
        %sign3A_207 = arith.cmpi slt, %jit3A_194, %sign3A_206 : i32
        %sign3A_208 = arith.extui %sign3A_207 : i1 to i32
        %sign3A_209 = arith.subi %sign3A_205, %sign3A_208 : i32
        %ne3A_210 = arith.cmpi ne, %sign3A_202, %sign3A_209 : i32
        %rem3A_211 = arith.remsi %add3A_46, %jit3A_194 : i32
        %ne3A_212 = arith.constant 0 : i32
        %ne3A_213 = arith.cmpi ne, %rem3A_211, %ne3A_212 : i32
        %and3A_214 = arith.andi %ne3A_210, %ne3A_213 : i1
        %sub3A_215 = arith.constant 1 : i32
        %sub3A_216 = arith.subi %div3A_195, %sub3A_215 : i32
        %select_n3A_217 = arith.select %and3A_214, %sub3A_216, %div3A_195 : i32
        %jit3A_218 = arith.constant 2 : i32
        %eq3A_219 = arith.constant 0 : i32
        %eq3A_220 = arith.cmpi eq, %jit3A_218, %eq3A_219 : i32
        %jit3A_221 = arith.constant 1 : i32
        %select_n3A_222 = arith.select %eq3A_220, %jit3A_221, %jit3A_218 : i32
        %rem3A_223 = arith.remsi %select_n3A_217, %select_n3A_222 : i32
        %ne3A_224 = arith.constant 0 : i32
        %ne3A_225 = arith.cmpi ne, %rem3A_223, %ne3A_224 : i32
        %lt3A_226 = arith.constant 0 : i32
        %lt3A_227 = arith.cmpi slt, %rem3A_223, %lt3A_226 : i32
        %lt3A_228 = arith.constant 0 : i32
        %lt3A_229 = arith.cmpi slt, %select_n3A_222, %lt3A_228 : i32
        %ne3A_230 = arith.xori %lt3A_227, %lt3A_229 : i1
        %and3A_231 = arith.andi %ne3A_230, %ne3A_225 : i1
        %add3A_232 = arith.addi %rem3A_223, %select_n3A_222 : i32
        %select_n3A_233 = arith.select %and3A_231, %add3A_232, %rem3A_223 : i32
        %jit3A_234 = arith.constant 16 : i32
        %eq3A_235 = arith.constant 0 : i32
        %eq3A_236 = arith.cmpi eq, %jit3A_234, %eq3A_235 : i32
        %jit3A_237 = arith.constant 1 : i32
        %select_n3A_238 = arith.select %eq3A_236, %jit3A_237, %jit3A_234 : i32
        %rem3A_239 = arith.remsi %add3A_46, %select_n3A_238 : i32
        %ne3A_240 = arith.constant 0 : i32
        %ne3A_241 = arith.cmpi ne, %rem3A_239, %ne3A_240 : i32
        %lt3A_242 = arith.constant 0 : i32
        %lt3A_243 = arith.cmpi slt, %rem3A_239, %lt3A_242 : i32
        %lt3A_244 = arith.constant 0 : i32
        %lt3A_245 = arith.cmpi slt, %select_n3A_238, %lt3A_244 : i32
        %ne3A_246 = arith.xori %lt3A_243, %lt3A_245 : i1
        %and3A_247 = arith.andi %ne3A_246, %ne3A_241 : i1
        %add3A_248 = arith.addi %rem3A_239, %select_n3A_238 : i32
        %select_n3A_249 = arith.select %and3A_247, %add3A_248, %rem3A_239 : i32
        %dma_start3A_250 = arith.constant 0 : i32
        %dma_start3A_251 = arith.constant 0 : i32
        %dma_start3A_252 = arith.constant 0 : i32
        %dma_start3A_253 = tpu.memref_slice %arg7[%dma_start3A_250, %dma_start3A_251, %dma_start3A_252] : memref<2x128x128xf32, #tpu.memory_space<vmem>> -> memref<1x128x128xf32, #tpu.memory_space<vmem>>
        %dma_start3A_254 = tpu.memref_squeeze %dma_start3A_253 : memref<1x128x128xf32, #tpu.memory_space<vmem>> -> memref<128x128xf32, #tpu.memory_space<vmem>>
        %dma_start3A_255 = arith.constant 0 : i32
        %dma_start3A_256 = tpu.memref_slice %arg5[%select_n3A_233, %select_n3A_249, %dma_start3A_255] : memref<2x16x128xi32, #tpu.memory_space<vmem>> -> memref<1x1x128xi32, #tpu.memory_space<vmem>>
        %dma_start3A_257 = tpu.memref_squeeze %dma_start3A_256 : memref<1x1x128xi32, #tpu.memory_space<vmem>> -> memref<128xi32, #tpu.memory_space<vmem>>
        %dma_start3A_258 = arith.constant 0 : i32
        %dma_start3A_259 = arith.constant 0 : i32
        %dma_start3A_260 = tpu.memref_slice %arg2[%dma_start3A_258, %dma_start3A_259] : memref<10000x128xf32, #tpu.memory_space<hbm>> -> memref<10000x128xf32, #tpu.memory_space<hbm>>
        tpu.enqueue_indirect_dma source(%dma_start3A_260 : memref<10000x128xf32, #tpu.memory_space<hbm>>) target(%dma_start3A_254 : memref<128x128xf32, #tpu.memory_space<vmem>>) offsets(%dma_start3A_257 : memref<128xi32, #tpu.memory_space<vmem>>) semaphore(%arg9 : memref<!tpu.dma_semaphore, #tpu.memory_space<semaphore_mem>>)
      } else {
      }
      %dma_wait3A_162 = arith.constant 1 : i32
      %dma_wait3A_163 = arith.constant 0 : i32
      %dma_wait3A_164 = arith.constant 0 : i32
      %dma_wait3A_165 = tpu.memref_slice %arg7[%dma_wait3A_162, %dma_wait3A_163, %dma_wait3A_164] : memref<2x128x128xf32, #tpu.memory_space<vmem>> -> memref<1x128x128xf32, #tpu.memory_space<vmem>>
      %dma_wait3A_166 = tpu.memref_squeeze %dma_wait3A_165 : memref<1x128x128xf32, #tpu.memory_space<vmem>> -> memref<128x128xf32, #tpu.memory_space<vmem>>
      %dma_wait3A_167 = arith.constant 0 : i32
      %dma_wait3A_168 = arith.constant 0 : i32
      %dma_wait3A_169 = tpu.memref_slice %arg2[%dma_wait3A_167, %dma_wait3A_168] : memref<10000x128xf32, #tpu.memory_space<hbm>> -> memref<128x128xf32, #tpu.memory_space<hbm>>
      %dma_wait3A_170 = arith.constant 0 : i32
      %dma_wait3A_171 = arith.constant 0 : i32
      %dma_wait3A_172 = tpu.memref_slice %arg7[%dma_wait3A_162, %dma_wait3A_170, %dma_wait3A_171] : memref<2x128x128xf32, #tpu.memory_space<vmem>> -> memref<1x128x128xf32, #tpu.memory_space<vmem>>
      %dma_wait3A_173 = tpu.memref_squeeze %dma_wait3A_172 : memref<1x128x128xf32, #tpu.memory_space<vmem>> -> memref<128x128xf32, #tpu.memory_space<vmem>>
      %dma_wait3A_174 = arith.constant 0 : i32
      %dma_wait3A_175 = arith.constant 0 : i32
      %dma_wait3A_176 = tpu.memref_slice %arg2[%dma_wait3A_174, %dma_wait3A_175] : memref<10000x128xf32, #tpu.memory_space<hbm>> -> memref<128x128xf32, #tpu.memory_space<hbm>>
      tpu.wait_dma2 semaphore(%arg10 : memref<!tpu.dma_semaphore, #tpu.memory_space<semaphore_mem>>) src(%dma_wait3A_176 : memref<128x128xf32, #tpu.memory_space<hbm>>) dst(%dma_wait3A_173 : memref<128x128xf32, #tpu.memory_space<vmem>>)
      %jit3A_177 = arith.constant 16 : i32
      %eq3A_178 = arith.constant 0 : i32
      %eq3A_179 = arith.cmpi eq, %jit3A_177, %eq3A_178 : i32
      %jit3A_180 = arith.constant 1 : i32
      %select_n3A_181 = arith.select %eq3A_179, %jit3A_180, %jit3A_177 : i32
      %rem3A_182 = arith.remsi %add3A_44, %select_n3A_181 : i32
      %ne3A_183 = arith.constant 0 : i32
      %ne3A_184 = arith.cmpi ne, %rem3A_182, %ne3A_183 : i32
      %lt3A_185 = arith.constant 0 : i32
      %lt3A_186 = arith.cmpi slt, %rem3A_182, %lt3A_185 : i32
      %lt3A_187 = arith.constant 0 : i32
      %lt3A_188 = arith.cmpi slt, %select_n3A_181, %lt3A_187 : i32
      %ne3A_189 = arith.xori %lt3A_186, %lt3A_188 : i1
      %and3A_190 = arith.andi %ne3A_189, %ne3A_184 : i1
      %add3A_191 = arith.addi %rem3A_182, %select_n3A_181 : i32
      %select_n3A_192 = arith.select %and3A_190, %add3A_191, %rem3A_182 : i32
      %run_scoped3A_193 = arith.constant 1 : i32
      "tpu.region"() ({
        %run_scoped3A_194 = tpu.sem_alloc : memref<!tpu.dma_semaphore, #tpu.memory_space<semaphore_mem>>
        %dma_start3A_195 = arith.constant 0 : i32
        %dma_start3A_196 = arith.constant 0 : i32
        %dma_start3A_197 = tpu.memref_slice %arg7[%run_scoped3A_193, %dma_start3A_195, %dma_start3A_196] : memref<2x128x128xf32, #tpu.memory_space<vmem>> -> memref<1x128x128xf32, #tpu.memory_space<vmem>>
        %dma_start3A_198 = tpu.memref_squeeze %dma_start3A_197 : memref<1x128x128xf32, #tpu.memory_space<vmem>> -> memref<128x128xf32, #tpu.memory_space<vmem>>
        %dma_start3A_199 = arith.constant 0 : i32
        %dma_start3A_200 = tpu.memref_slice %arg6[%select_n3A_76, %select_n3A_192, %dma_start3A_199] : memref<2x16x128xi32, #tpu.memory_space<vmem>> -> memref<1x1x128xi32, #tpu.memory_space<vmem>>
        %dma_start3A_201 = tpu.memref_squeeze %dma_start3A_200 : memref<1x1x128xi32, #tpu.memory_space<vmem>> -> memref<128xi32, #tpu.memory_space<vmem>>
        %dma_start3A_202 = arith.constant 0 : i32
        %dma_start3A_203 = arith.constant 0 : i32
        %dma_start3A_204 = tpu.memref_slice %arg8[%dma_start3A_202, %dma_start3A_203] : memref<10240x128xf32, #tpu.memory_space<vmem_shared>> -> memref<10240x128xf32, #tpu.memory_space<vmem_shared>>
        tpu.enqueue_indirect_dma source(%dma_start3A_198 : memref<128x128xf32, #tpu.memory_space<vmem>>) target(%dma_start3A_204 : memref<10240x128xf32, #tpu.memory_space<vmem_shared>>) offsets(%dma_start3A_201 : memref<128xi32, #tpu.memory_space<vmem>>) semaphore(%run_scoped3A_194 : memref<!tpu.dma_semaphore, #tpu.memory_space<semaphore_mem>>) {add = true}
        %dma_wait3A_205 = arith.constant 0 : i32
        %dma_wait3A_206 = arith.constant 0 : i32
        %dma_wait3A_207 = tpu.memref_slice %arg7[%run_scoped3A_193, %dma_wait3A_205, %dma_wait3A_206] : memref<2x128x128xf32, #tpu.memory_space<vmem>> -> memref<1x128x128xf32, #tpu.memory_space<vmem>>
        %dma_wait3A_208 = tpu.memref_squeeze %dma_wait3A_207 : memref<1x128x128xf32, #tpu.memory_space<vmem>> -> memref<128x128xf32, #tpu.memory_space<vmem>>
        %dma_wait3A_209 = arith.constant 0 : i32
        %dma_wait3A_210 = tpu.memref_slice %arg6[%select_n3A_76, %select_n3A_192, %dma_wait3A_209] : memref<2x16x128xi32, #tpu.memory_space<vmem>> -> memref<1x1x128xi32, #tpu.memory_space<vmem>>
        %dma_wait3A_211 = tpu.memref_squeeze %dma_wait3A_210 : memref<1x1x128xi32, #tpu.memory_space<vmem>> -> memref<128xi32, #tpu.memory_space<vmem>>
        %dma_wait3A_212 = arith.constant 0 : i32
        %dma_wait3A_213 = arith.constant 0 : i32
        %dma_wait3A_214 = tpu.memref_slice %arg8[%dma_wait3A_212, %dma_wait3A_213] : memref<10240x128xf32, #tpu.memory_space<vmem_shared>> -> memref<10240x128xf32, #tpu.memory_space<vmem_shared>>
        tpu.wait_indirect_dma semaphore(%run_scoped3A_194 : memref<!tpu.dma_semaphore, #tpu.memory_space<semaphore_mem>>) src(%dma_wait3A_208 : memref<128x128xf32, #tpu.memory_space<vmem>>) dst(%dma_wait3A_214 : memref<10240x128xf32, #tpu.memory_space<vmem_shared>>)
        tpu.yield
      }) : () -> ()
    }
    %scan3A_34 = arith.constant 40 : i32
    %barrier3A_35 = arith.constant 0 : index
    tpu.barrier barrier_id(%barrier3A_35)
    %mul3A_36 = arith.constant 640 : i32
    %mul3A_37 = arith.muli %arg1, %mul3A_36 : i32
    %mul3A_38 = arith.constant 640 : i32
    %mul3A_39 = arith.muli %arg1, %mul3A_38 : i32
    "tpu.region"() ({
      %run_scoped3A_40 = tpu.sem_alloc : memref<!tpu.dma_semaphore, #tpu.memory_space<semaphore_mem>>
      %dma_start3A_41 = arith.constant 0 : i32
      %dma_start3A_42 = tpu.memref_slice %arg4[%arg0, %mul3A_39, %dma_start3A_41] : memref<2x10240x128xf32, #tpu.memory_space<hbm>> -> memref<1x640x128xf32, #tpu.memory_space<hbm>>
      %dma_start3A_43 = tpu.memref_squeeze %dma_start3A_42 : memref<1x640x128xf32, #tpu.memory_space<hbm>> -> memref<640x128xf32, #tpu.memory_space<hbm>>
      %dma_start3A_44 = arith.constant 0 : i32
      %dma_start3A_45 = tpu.memref_slice %arg8[%mul3A_37, %dma_start3A_44] : memref<10240x128xf32, #tpu.memory_space<vmem_shared>> -> memref<640x128xf32, #tpu.memory_space<vmem_shared>>
      tpu.enqueue_dma source(%dma_start3A_45 : memref<640x128xf32, #tpu.memory_space<vmem_shared>>) target(%dma_start3A_43 : memref<640x128xf32, #tpu.memory_space<hbm>>) target_semaphore(%run_scoped3A_40 : memref<!tpu.dma_semaphore, #tpu.memory_space<semaphore_mem>>)
      %dma_wait3A = arith.constant 0 : i32
      %dma_wait3A_46 = tpu.memref_slice %arg4[%arg0, %mul3A_39, %dma_wait3A] : memref<2x10240x128xf32, #tpu.memory_space<hbm>> -> memref<1x640x128xf32, #tpu.memory_space<hbm>>
      %dma_wait3A_47 = tpu.memref_squeeze %dma_wait3A_46 : memref<1x640x128xf32, #tpu.memory_space<hbm>> -> memref<640x128xf32, #tpu.memory_space<hbm>>
      %dma_wait3A_48 = arith.constant 0 : i32
      %dma_wait3A_49 = tpu.memref_slice %arg8[%mul3A_37, %dma_wait3A_48] : memref<10240x128xf32, #tpu.memory_space<vmem_shared>> -> memref<640x128xf32, #tpu.memory_space<vmem_shared>>
      tpu.wait_dma2 semaphore(%run_scoped3A_40 : memref<!tpu.dma_semaphore, #tpu.memory_space<semaphore_mem>>) src(%dma_wait3A_49 : memref<640x128xf32, #tpu.memory_space<vmem_shared>>) dst(%dma_wait3A_47 : memref<640x128xf32, #tpu.memory_space<hbm>>)
      tpu.yield
    }) : () -> ()
    return
  }
}

#map = affine_map<(d0, d1) -> (0, 0, 0, 0, 0)>
#map1 = affine_map<(d0, d1) -> (0)>
module attributes {stable_mosaic.version = 14 : i64} {
  func.func @_deg_kernel(%arg0: i32, %arg1: i32, %arg2: memref<2x32x5x16x128xi32, #tpu.memory_space<hbm>>, %arg3: memref<20480xf32, #tpu.memory_space<hbm>>, %arg4: memref<5x16x128xi32, #tpu.memory_space<vmem>>, %arg5: memref<128xf32, #tpu.memory_space<vmem>>, %arg6: memref<640xf32, #tpu.memory_space<vmem>>, %arg7: memref<10240xf32, #tpu.memory_space<vmem_shared>>) attributes {dimension_semantics = [#tpu.dimension_semantics<core_parallel>, #tpu.dimension_semantics<subcore_parallel>], iteration_bounds = array<i64: 2, 16>, scalar_prefetch = 0 : i64, scratch_operands = 4 : i64, tpu.core_type = #tpu.core_type<sc_vector_subcore>, window_params = [{transform_indices = #map}, {transform_indices = #map1}]} {
    %mul3A = arith.constant 16 : i32
    %mul3A_0 = arith.muli %arg0, %mul3A : i32
    %add3A = arith.addi %mul3A_0, %arg1 : i32
    %broadcast_in_dim3A = arith.constant 1.000000e+00 : f32
    %broadcast_in_dim3A_1 = vector.broadcast %broadcast_in_dim3A : f32 to vector<16xf32>
    %swap3A = arith.constant 0 : index
    %swap3A_2 = tpu.vector_load %arg5[%swap3A] {strides = array<i32>} : memref<128xf32, #tpu.memory_space<vmem>>, vector<16xf32>,
    %swap3A_3 = vector.shape_cast %swap3A_2 : vector<16xf32> to vector<16xf32>
    %swap3A_4 = vector.shape_cast %broadcast_in_dim3A_1 : vector<16xf32> to vector<16xf32>
    tpu.vector_store %arg5[%swap3A], %swap3A_4 {strides = array<i32>} : memref<128xf32, #tpu.memory_space<vmem>>, vector<16xf32>,
    %broadcast_in_dim3A_5 = arith.constant 1.000000e+00 : f32
    %broadcast_in_dim3A_6 = vector.broadcast %broadcast_in_dim3A_5 : f32 to vector<16xf32>
    %swap3A_7 = arith.constant 16 : index
    %swap3A_8 = tpu.vector_load %arg5[%swap3A_7] {strides = array<i32>} : memref<128xf32, #tpu.memory_space<vmem>>, vector<16xf32>,
    %swap3A_9 = vector.shape_cast %swap3A_8 : vector<16xf32> to vector<16xf32>
    %swap3A_10 = vector.shape_cast %broadcast_in_dim3A_6 : vector<16xf32> to vector<16xf32>
    tpu.vector_store %arg5[%swap3A_7], %swap3A_10 {strides = array<i32>} : memref<128xf32, #tpu.memory_space<vmem>>, vector<16xf32>,
    %broadcast_in_dim3A_11 = arith.constant 1.000000e+00 : f32
    %broadcast_in_dim3A_12 = vector.broadcast %broadcast_in_dim3A_11 : f32 to vector<16xf32>
    %swap3A_13 = arith.constant 32 : index
    %swap3A_14 = tpu.vector_load %arg5[%swap3A_13] {strides = array<i32>} : memref<128xf32, #tpu.memory_space<vmem>>, vector<16xf32>,
    %swap3A_15 = vector.shape_cast %swap3A_14 : vector<16xf32> to vector<16xf32>
    %swap3A_16 = vector.shape_cast %broadcast_in_dim3A_12 : vector<16xf32> to vector<16xf32>
    tpu.vector_store %arg5[%swap3A_13], %swap3A_16 {strides = array<i32>} : memref<128xf32, #tpu.memory_space<vmem>>, vector<16xf32>,
    %broadcast_in_dim3A_17 = arith.constant 1.000000e+00 : f32
    %broadcast_in_dim3A_18 = vector.broadcast %broadcast_in_dim3A_17 : f32 to vector<16xf32>
    %swap3A_19 = arith.constant 48 : index
    %swap3A_20 = tpu.vector_load %arg5[%swap3A_19] {strides = array<i32>} : memref<128xf32, #tpu.memory_space<vmem>>, vector<16xf32>,
    %swap3A_21 = vector.shape_cast %swap3A_20 : vector<16xf32> to vector<16xf32>
    %swap3A_22 = vector.shape_cast %broadcast_in_dim3A_18 : vector<16xf32> to vector<16xf32>
    tpu.vector_store %arg5[%swap3A_19], %swap3A_22 {strides = array<i32>} : memref<128xf32, #tpu.memory_space<vmem>>, vector<16xf32>,
    %broadcast_in_dim3A_23 = arith.constant 1.000000e+00 : f32
    %broadcast_in_dim3A_24 = vector.broadcast %broadcast_in_dim3A_23 : f32 to vector<16xf32>
    %swap3A_25 = arith.constant 64 : index
    %swap3A_26 = tpu.vector_load %arg5[%swap3A_25] {strides = array<i32>} : memref<128xf32, #tpu.memory_space<vmem>>, vector<16xf32>,
    %swap3A_27 = vector.shape_cast %swap3A_26 : vector<16xf32> to vector<16xf32>
    %swap3A_28 = vector.shape_cast %broadcast_in_dim3A_24 : vector<16xf32> to vector<16xf32>
    tpu.vector_store %arg5[%swap3A_25], %swap3A_28 {strides = array<i32>} : memref<128xf32, #tpu.memory_space<vmem>>, vector<16xf32>,
    %broadcast_in_dim3A_29 = arith.constant 1.000000e+00 : f32
    %broadcast_in_dim3A_30 = vector.broadcast %broadcast_in_dim3A_29 : f32 to vector<16xf32>
    %swap3A_31 = arith.constant 80 : index
    %swap3A_32 = tpu.vector_load %arg5[%swap3A_31] {strides = array<i32>} : memref<128xf32, #tpu.memory_space<vmem>>, vector<16xf32>,
    %swap3A_33 = vector.shape_cast %swap3A_32 : vector<16xf32> to vector<16xf32>
    %swap3A_34 = vector.shape_cast %broadcast_in_dim3A_30 : vector<16xf32> to vector<16xf32>
    tpu.vector_store %arg5[%swap3A_31], %swap3A_34 {strides = array<i32>} : memref<128xf32, #tpu.memory_space<vmem>>, vector<16xf32>,
    %broadcast_in_dim3A_35 = arith.constant 1.000000e+00 : f32
    %broadcast_in_dim3A_36 = vector.broadcast %broadcast_in_dim3A_35 : f32 to vector<16xf32>
    %swap3A_37 = arith.constant 96 : index
    %swap3A_38 = tpu.vector_load %arg5[%swap3A_37] {strides = array<i32>} : memref<128xf32, #tpu.memory_space<vmem>>, vector<16xf32>,
    %swap3A_39 = vector.shape_cast %swap3A_38 : vector<16xf32> to vector<16xf32>
    %swap3A_40 = vector.shape_cast %broadcast_in_dim3A_36 : vector<16xf32> to vector<16xf32>
    tpu.vector_store %arg5[%swap3A_37], %swap3A_40 {strides = array<i32>} : memref<128xf32, #tpu.memory_space<vmem>>, vector<16xf32>,
    %broadcast_in_dim3A_41 = arith.constant 1.000000e+00 : f32
    %broadcast_in_dim3A_42 = vector.broadcast %broadcast_in_dim3A_41 : f32 to vector<16xf32>
    %swap3A_43 = arith.constant 112 : index
    %swap3A_44 = tpu.vector_load %arg5[%swap3A_43] {strides = array<i32>} : memref<128xf32, #tpu.memory_space<vmem>>, vector<16xf32>,
    %swap3A_45 = vector.shape_cast %swap3A_44 : vector<16xf32> to vector<16xf32>
    %swap3A_46 = vector.shape_cast %broadcast_in_dim3A_42 : vector<16xf32> to vector<16xf32>
    tpu.vector_store %arg5[%swap3A_43], %swap3A_46 {strides = array<i32>} : memref<128xf32, #tpu.memory_space<vmem>>, vector<16xf32>,
    %scan3A = arith.constant 0 : i32
    %scan3A_47 = arith.constant 0 : i32
    %scan3A_48 = arith.constant 40 : i32
    %scan3A_49 = arith.addi %scan3A_47, %scan3A_48 : i32
    %scan3A_50 = arith.constant 1 : i32
    scf.for %scan3A_68 = %scan3A_47 to %scan3A_49 step %scan3A_50  : i32 {
      %broadcast_in_dim3A_69 = arith.constant 0.000000e+00 : f32
      %broadcast_in_dim3A_70 = vector.broadcast %broadcast_in_dim3A_69 : f32 to vector<16xf32>
      %mul3A_71 = arith.constant 16 : i32
      %mul3A_72 = arith.muli %scan3A_68, %mul3A_71 : i32
      %swap3A_73 = arith.index_cast %mul3A_72 : i32 to index
      %swap3A_74 = tpu.vector_load %arg6[%swap3A_73] {strides = array<i32>} : memref<640xf32, #tpu.memory_space<vmem>>, vector<16xf32>,
      %swap3A_75 = vector.shape_cast %swap3A_74 : vector<16xf32> to vector<16xf32>
      %swap3A_76 = vector.shape_cast %broadcast_in_dim3A_70 : vector<16xf32> to vector<16xf32>
      tpu.vector_store %arg6[%swap3A_73], %swap3A_76 {strides = array<i32>} : memref<640xf32, #tpu.memory_space<vmem>>, vector<16xf32>,
    }
    %scan3A_51 = arith.constant 40 : i32
    %mul3A_52 = arith.constant 640 : i32
    %mul3A_53 = arith.muli %arg1, %mul3A_52 : i32
    "tpu.region"() ({
      %run_scoped3A_68 = tpu.sem_alloc : memref<!tpu.dma_semaphore, #tpu.memory_space<semaphore_mem>>
      %dma_start3A = tpu.memref_slice %arg7[%mul3A_53] : memref<10240xf32, #tpu.memory_space<vmem_shared>> -> memref<640xf32, #tpu.memory_space<vmem_shared>>
      %dma_start3A_69 = tpu.memref_slice %arg7[%mul3A_53] : memref<10240xf32, #tpu.memory_space<vmem_shared>> -> memref<640xf32, #tpu.memory_space<vmem_shared>>
      tpu.enqueue_dma source(%arg6 : memref<640xf32, #tpu.memory_space<vmem>>) target(%dma_start3A_69 : memref<640xf32, #tpu.memory_space<vmem_shared>>) target_semaphore(%run_scoped3A_68 : memref<!tpu.dma_semaphore, #tpu.memory_space<semaphore_mem>>)
      %dma_wait3A = tpu.memref_slice %arg7[%mul3A_53] : memref<10240xf32, #tpu.memory_space<vmem_shared>> -> memref<640xf32, #tpu.memory_space<vmem_shared>>
      %dma_wait3A_70 = tpu.memref_slice %arg7[%mul3A_53] : memref<10240xf32, #tpu.memory_space<vmem_shared>> -> memref<640xf32, #tpu.memory_space<vmem_shared>>
      tpu.wait_dma2 semaphore(%run_scoped3A_68 : memref<!tpu.dma_semaphore, #tpu.memory_space<semaphore_mem>>) src(%arg6 : memref<640xf32, #tpu.memory_space<vmem>>) dst(%dma_wait3A_70 : memref<640xf32, #tpu.memory_space<vmem_shared>>)
      tpu.yield
    }) : () -> ()
    %run_scoped3A = arith.constant 1 : i32
    "tpu.region"() ({
      %run_scoped3A_68 = tpu.sem_alloc : memref<!tpu.dma_semaphore, #tpu.memory_space<semaphore_mem>>
      %dma_start3A = arith.constant 0 : i32
      %dma_start3A_69 = arith.constant 0 : i32
      %dma_start3A_70 = arith.constant 0 : i32
      %dma_start3A_71 = tpu.memref_slice %arg2[%run_scoped3A, %add3A, %dma_start3A, %dma_start3A_69, %dma_start3A_70] : memref<2x32x5x16x128xi32, #tpu.memory_space<hbm>> -> memref<1x1x5x16x128xi32, #tpu.memory_space<hbm>>
      %dma_start3A_72 = tpu.memref_squeeze %dma_start3A_71 : memref<1x1x5x16x128xi32, #tpu.memory_space<hbm>> -> memref<5x16x128xi32, #tpu.memory_space<hbm>>
      %dma_start3A_73 = arith.constant 0 : i32
      %dma_start3A_74 = arith.constant 0 : i32
      %dma_start3A_75 = arith.constant 0 : i32
      %dma_start3A_76 = tpu.memref_slice %arg2[%run_scoped3A, %add3A, %dma_start3A_73, %dma_start3A_74, %dma_start3A_75] : memref<2x32x5x16x128xi32, #tpu.memory_space<hbm>> -> memref<1x1x5x16x128xi32, #tpu.memory_space<hbm>>
      %dma_start3A_77 = tpu.memref_squeeze %dma_start3A_76 : memref<1x1x5x16x128xi32, #tpu.memory_space<hbm>> -> memref<5x16x128xi32, #tpu.memory_space<hbm>>
      tpu.enqueue_dma source(%dma_start3A_77 : memref<5x16x128xi32, #tpu.memory_space<hbm>>) target(%arg4 : memref<5x16x128xi32, #tpu.memory_space<vmem>>) target_semaphore(%run_scoped3A_68 : memref<!tpu.dma_semaphore, #tpu.memory_space<semaphore_mem>>)
      %dma_wait3A = arith.constant 0 : i32
      %dma_wait3A_78 = arith.constant 0 : i32
      %dma_wait3A_79 = arith.constant 0 : i32
      %dma_wait3A_80 = tpu.memref_slice %arg2[%run_scoped3A, %add3A, %dma_wait3A, %dma_wait3A_78, %dma_wait3A_79] : memref<2x32x5x16x128xi32, #tpu.memory_space<hbm>> -> memref<1x1x5x16x128xi32, #tpu.memory_space<hbm>>
      %dma_wait3A_81 = tpu.memref_squeeze %dma_wait3A_80 : memref<1x1x5x16x128xi32, #tpu.memory_space<hbm>> -> memref<5x16x128xi32, #tpu.memory_space<hbm>>
      %dma_wait3A_82 = arith.constant 0 : i32
      %dma_wait3A_83 = arith.constant 0 : i32
      %dma_wait3A_84 = arith.constant 0 : i32
      %dma_wait3A_85 = tpu.memref_slice %arg2[%run_scoped3A, %add3A, %dma_wait3A_82, %dma_wait3A_83, %dma_wait3A_84] : memref<2x32x5x16x128xi32, #tpu.memory_space<hbm>> -> memref<1x1x5x16x128xi32, #tpu.memory_space<hbm>>
      %dma_wait3A_86 = tpu.memref_squeeze %dma_wait3A_85 : memref<1x1x5x16x128xi32, #tpu.memory_space<hbm>> -> memref<5x16x128xi32, #tpu.memory_space<hbm>>
      tpu.wait_dma2 semaphore(%run_scoped3A_68 : memref<!tpu.dma_semaphore, #tpu.memory_space<semaphore_mem>>) src(%dma_wait3A_86 : memref<5x16x128xi32, #tpu.memory_space<hbm>>) dst(%arg4 : memref<5x16x128xi32, #tpu.memory_space<vmem>>)
      tpu.yield
    }) : () -> ()
    %barrier3A = arith.constant 0 : index
    tpu.barrier barrier_id(%barrier3A)
    %scan3A_54 = arith.constant 0 : i32
    %scan3A_55 = arith.constant 0 : i32
    %scan3A_56 = arith.constant 80 : i32
    %scan3A_57 = arith.addi %scan3A_55, %scan3A_56 : i32
    %scan3A_58 = arith.constant 1 : i32
    scf.for %scan3A_68 = %scan3A_55 to %scan3A_57 step %scan3A_58  : i32 {
      %jit3A = arith.constant 16 : i32
      %div3A = arith.divsi %scan3A_68, %jit3A : i32
      %sign3A = arith.constant 0 : i32
      %sign3A_69 = arith.cmpi sgt, %scan3A_68, %sign3A : i32
      %sign3A_70 = arith.extui %sign3A_69 : i1 to i32
      %sign3A_71 = arith.constant 0 : i32
      %sign3A_72 = arith.cmpi slt, %scan3A_68, %sign3A_71 : i32
      %sign3A_73 = arith.extui %sign3A_72 : i1 to i32
      %sign3A_74 = arith.subi %sign3A_70, %sign3A_73 : i32
      %sign3A_75 = arith.constant 0 : i32
      %sign3A_76 = arith.cmpi sgt, %jit3A, %sign3A_75 : i32
      %sign3A_77 = arith.extui %sign3A_76 : i1 to i32
      %sign3A_78 = arith.constant 0 : i32
      %sign3A_79 = arith.cmpi slt, %jit3A, %sign3A_78 : i32
      %sign3A_80 = arith.extui %sign3A_79 : i1 to i32
      %sign3A_81 = arith.subi %sign3A_77, %sign3A_80 : i32
      %ne3A = arith.cmpi ne, %sign3A_74, %sign3A_81 : i32
      %rem3A = arith.remsi %scan3A_68, %jit3A : i32
      %ne3A_82 = arith.constant 0 : i32
      %ne3A_83 = arith.cmpi ne, %rem3A, %ne3A_82 : i32
      %and3A = arith.andi %ne3A, %ne3A_83 : i1
      %sub3A = arith.constant 1 : i32
      %sub3A_84 = arith.subi %div3A, %sub3A : i32
      %select_n3A = arith.select %and3A, %sub3A_84, %div3A : i32
      %jit3A_85 = arith.constant 16 : i32
      %eq3A = arith.constant 0 : i32
      %eq3A_86 = arith.cmpi eq, %jit3A_85, %eq3A : i32
      %jit3A_87 = arith.constant 1 : i32
      %select_n3A_88 = arith.select %eq3A_86, %jit3A_87, %jit3A_85 : i32
      %rem3A_89 = arith.remsi %scan3A_68, %select_n3A_88 : i32
      %ne3A_90 = arith.constant 0 : i32
      %ne3A_91 = arith.cmpi ne, %rem3A_89, %ne3A_90 : i32
      %lt3A = arith.constant 0 : i32
      %lt3A_92 = arith.cmpi slt, %rem3A_89, %lt3A : i32
      %lt3A_93 = arith.constant 0 : i32
      %lt3A_94 = arith.cmpi slt, %select_n3A_88, %lt3A_93 : i32
      %ne3A_95 = arith.xori %lt3A_92, %lt3A_94 : i1
      %and3A_96 = arith.andi %ne3A_95, %ne3A_91 : i1
      %add3A_97 = arith.addi %rem3A_89, %select_n3A_88 : i32
      %select_n3A_98 = arith.select %and3A_96, %add3A_97, %rem3A_89 : i32
      "tpu.region"() ({
        %run_scoped3A_99 = tpu.sem_alloc : memref<!tpu.dma_semaphore, #tpu.memory_space<semaphore_mem>>
        %dma_start3A = arith.constant 0 : i32
        %dma_start3A_100 = tpu.memref_slice %arg4[%select_n3A, %select_n3A_98, %dma_start3A] : memref<5x16x128xi32, #tpu.memory_space<vmem>> -> memref<1x1x128xi32, #tpu.memory_space<vmem>>
        %dma_start3A_101 = tpu.memref_squeeze %dma_start3A_100 : memref<1x1x128xi32, #tpu.memory_space<vmem>> -> memref<128xi32, #tpu.memory_space<vmem>>
        %dma_start3A_102 = arith.constant 0 : i32
        %dma_start3A_103 = tpu.memref_slice %arg7[%dma_start3A_102] : memref<10240xf32, #tpu.memory_space<vmem_shared>> -> memref<10240xf32, #tpu.memory_space<vmem_shared>>
        tpu.enqueue_indirect_dma source(%arg5 : memref<128xf32, #tpu.memory_space<vmem>>) target(%dma_start3A_103 : memref<10240xf32, #tpu.memory_space<vmem_shared>>) offsets(%dma_start3A_101 : memref<128xi32, #tpu.memory_space<vmem>>) semaphore(%run_scoped3A_99 : memref<!tpu.dma_semaphore, #tpu.memory_space<semaphore_mem>>) {add = true}
        %dma_wait3A = arith.constant 0 : i32
        %dma_wait3A_104 = tpu.memref_slice %arg4[%select_n3A, %select_n3A_98, %dma_wait3A] : memref<5x16x128xi32, #tpu.memory_space<vmem>> -> memref<1x1x128xi32, #tpu.memory_space<vmem>>
        %dma_wait3A_105 = tpu.memref_squeeze %dma_wait3A_104 : memref<1x1x128xi32, #tpu.memory_space<vmem>> -> memref<128xi32, #tpu.memory_space<vmem>>
        %dma_wait3A_106 = arith.constant 0 : i32
        %dma_wait3A_107 = tpu.memref_slice %arg7[%dma_wait3A_106] : memref<10240xf32, #tpu.memory_space<vmem_shared>> -> memref<10240xf32, #tpu.memory_space<vmem_shared>>
        tpu.wait_indirect_dma semaphore(%run_scoped3A_99 : memref<!tpu.dma_semaphore, #tpu.memory_space<semaphore_mem>>) src(%arg5 : memref<128xf32, #tpu.memory_space<vmem>>) dst(%dma_wait3A_107 : memref<10240xf32, #tpu.memory_space<vmem_shared>>)
        tpu.yield
      }) : () -> ()
    }
    %scan3A_59 = arith.constant 80 : i32
    %barrier3A_60 = arith.constant 0 : index
    tpu.barrier barrier_id(%barrier3A_60)
    %mul3A_61 = arith.constant 640 : i32
    %mul3A_62 = arith.muli %arg1, %mul3A_61 : i32
    "tpu.region"() ({
      %run_scoped3A_68 = tpu.sem_alloc : memref<!tpu.dma_semaphore, #tpu.memory_space<semaphore_mem>>
      %dma_start3A = tpu.memref_slice %arg7[%mul3A_62] : memref<10240xf32, #tpu.memory_space<vmem_shared>> -> memref<640xf32, #tpu.memory_space<vmem_shared>>
      %dma_start3A_69 = tpu.memref_slice %arg7[%mul3A_62] : memref<10240xf32, #tpu.memory_space<vmem_shared>> -> memref<640xf32, #tpu.memory_space<vmem_shared>>
      tpu.enqueue_dma source(%dma_start3A_69 : memref<640xf32, #tpu.memory_space<vmem_shared>>) target(%arg6 : memref<640xf32, #tpu.memory_space<vmem>>) target_semaphore(%run_scoped3A_68 : memref<!tpu.dma_semaphore, #tpu.memory_space<semaphore_mem>>)
      %dma_wait3A = tpu.memref_slice %arg7[%mul3A_62] : memref<10240xf32, #tpu.memory_space<vmem_shared>> -> memref<640xf32, #tpu.memory_space<vmem_shared>>
      %dma_wait3A_70 = tpu.memref_slice %arg7[%mul3A_62] : memref<10240xf32, #tpu.memory_space<vmem_shared>> -> memref<640xf32, #tpu.memory_space<vmem_shared>>
      tpu.wait_dma2 semaphore(%run_scoped3A_68 : memref<!tpu.dma_semaphore, #tpu.memory_space<semaphore_mem>>) src(%dma_wait3A_70 : memref<640xf32, #tpu.memory_space<vmem_shared>>) dst(%arg6 : memref<640xf32, #tpu.memory_space<vmem>>)
      tpu.yield
    }) : () -> ()
    %mul3A_63 = arith.constant 10240 : i32
    %mul3A_64 = arith.muli %arg0, %mul3A_63 : i32
    %mul3A_65 = arith.constant 640 : i32
    %mul3A_66 = arith.muli %arg1, %mul3A_65 : i32
    %add3A_67 = arith.addi %mul3A_64, %mul3A_66 : i32
    "tpu.region"() ({
      %run_scoped3A_68 = tpu.sem_alloc : memref<!tpu.dma_semaphore, #tpu.memory_space<semaphore_mem>>
      %dma_start3A = tpu.memref_slice %arg3[%add3A_67] : memref<20480xf32, #tpu.memory_space<hbm>> -> memref<640xf32, #tpu.memory_space<hbm>>
      %dma_start3A_69 = tpu.memref_slice %arg3[%add3A_67] : memref<20480xf32, #tpu.memory_space<hbm>> -> memref<640xf32, #tpu.memory_space<hbm>>
      tpu.enqueue_dma source(%arg6 : memref<640xf32, #tpu.memory_space<vmem>>) target(%dma_start3A_69 : memref<640xf32, #tpu.memory_space<hbm>>) target_semaphore(%run_scoped3A_68 : memref<!tpu.dma_semaphore, #tpu.memory_space<semaphore_mem>>)
      %dma_wait3A = tpu.memref_slice %arg3[%add3A_67] : memref<20480xf32, #tpu.memory_space<hbm>> -> memref<640xf32, #tpu.memory_space<hbm>>
      %dma_wait3A_70 = tpu.memref_slice %arg3[%add3A_67] : memref<20480xf32, #tpu.memory_space<hbm>> -> memref<640xf32, #tpu.memory_space<hbm>>
      tpu.wait_dma2 semaphore(%run_scoped3A_68 : memref<!tpu.dma_semaphore, #tpu.memory_space<semaphore_mem>>) src(%arg6 : memref<640xf32, #tpu.memory_space<vmem>>) dst(%dma_wait3A_70 : memref<640xf32, #tpu.memory_space<hbm>>)
      tpu.yield
    }) : () -> ()
    return
  }
}

#map = affine_map<(d0, d1) -> (0, 0)>
#map1 = affine_map<(d0, d1) -> (0, 0, 0, 0, 0)>
#map2 = affine_map<(d0, d1) -> (0, 0, 0)>
module attributes {stable_mosaic.version = 14 : i64} {
  func.func @_agg_kernel(%arg0: i32, %arg1: i32, %arg2: memref<10000x128xf32, #tpu.memory_space<hbm>>, %arg3: memref<2x32x5x16x128xi32, #tpu.memory_space<hbm>>, %arg4: memref<2x10240x128xf32, #tpu.memory_space<hbm>>, %arg5: memref<2x16x128xi32, #tpu.memory_space<vmem>>, %arg6: memref<2x16x128xi32, #tpu.memory_space<vmem>>, %arg7: memref<2x128x128xf32, #tpu.memory_space<vmem>>, %arg8: memref<10240x128xf32, #tpu.memory_space<vmem_shared>>, %arg9: memref<!tpu.dma_semaphore, #tpu.memory_space<semaphore_mem>>, %arg10: memref<!tpu.dma_semaphore, #tpu.memory_space<semaphore_mem>>) attributes {dimension_semantics = [#tpu.dimension_semantics<core_parallel>, #tpu.dimension_semantics<subcore_parallel>], iteration_bounds = array<i64: 2, 16>, scalar_prefetch = 0 : i64, scratch_operands = 6 : i64, tpu.core_type = #tpu.core_type<sc_vector_subcore>, window_params = [{transform_indices = #map}, {transform_indices = #map1}, {transform_indices = #map2}]} {
    %mul3A = arith.constant 16 : i32
    %mul3A_0 = arith.muli %arg0, %mul3A : i32
    %add3A = arith.addi %mul3A_0, %arg1 : i32
    %scan3A = arith.constant 0 : i32
    %scan3A_1 = arith.constant 0 : i32
    %scan3A_2 = arith.constant 128 : i32
    %scan3A_3 = arith.addi %scan3A_1, %scan3A_2 : i32
    %scan3A_4 = arith.constant 1 : i32
    scf.for %scan3A_40 = %scan3A_1 to %scan3A_3 step %scan3A_4  : i32 {
      %broadcast_in_dim3A = arith.constant 0.000000e+00 : f32
      %broadcast_in_dim3A_41 = vector.broadcast %broadcast_in_dim3A : f32 to vector<16xf32>
      %swap3A = arith.constant 0 : i32
      %swap3A_42 = arith.index_cast %swap3A : i32 to index
      %swap3A_43 = arith.index_cast %scan3A_40 : i32 to index
      %swap3A_44 = arith.constant 0 : index
      %swap3A_45 = tpu.vector_load %arg7[%swap3A_42, %swap3A_43, %swap3A_44] {strides = array<i32>} : memref<2x128x128xf32, #tpu.memory_space<vmem>>, vector<1x1x16xf32>,
      %swap3A_46 = vector.shape_cast %swap3A_45 : vector<1x1x16xf32> to vector<16xf32>
      %swap3A_47 = vector.shape_cast %broadcast_in_dim3A_41 : vector<16xf32> to vector<1x1x16xf32>
      tpu.vector_store %arg7[%swap3A_42, %swap3A_43, %swap3A_44], %swap3A_47 {strides = array<i32>} : memref<2x128x128xf32, #tpu.memory_space<vmem>>, vector<1x1x16xf32>,
      %broadcast_in_dim3A_48 = arith.constant 0.000000e+00 : f32
      %broadcast_in_dim3A_49 = vector.broadcast %broadcast_in_dim3A_48 : f32 to vector<16xf32>
      %swap3A_50 = arith.constant 0 : i32
      %swap3A_51 = arith.index_cast %swap3A_50 : i32 to index
      %swap3A_52 = arith.index_cast %scan3A_40 : i32 to index
      %swap3A_53 = arith.constant 16 : index
      %swap3A_54 = tpu.vector_load %arg7[%swap3A_51, %swap3A_52, %swap3A_53] {strides = array<i32>} : memref<2x128x128xf32, #tpu.memory_space<vmem>>, vector<1x1x16xf32>,
      %swap3A_55 = vector.shape_cast %swap3A_54 : vector<1x1x16xf32> to vector<16xf32>
      %swap3A_56 = vector.shape_cast %broadcast_in_dim3A_49 : vector<16xf32> to vector<1x1x16xf32>
      tpu.vector_store %arg7[%swap3A_51, %swap3A_52, %swap3A_53], %swap3A_56 {strides = array<i32>} : memref<2x128x128xf32, #tpu.memory_space<vmem>>, vector<1x1x16xf32>,
      %broadcast_in_dim3A_57 = arith.constant 0.000000e+00 : f32
      %broadcast_in_dim3A_58 = vector.broadcast %broadcast_in_dim3A_57 : f32 to vector<16xf32>
      %swap3A_59 = arith.constant 0 : i32
      %swap3A_60 = arith.index_cast %swap3A_59 : i32 to index
      %swap3A_61 = arith.index_cast %scan3A_40 : i32 to index
      %swap3A_62 = arith.constant 32 : index
      %swap3A_63 = tpu.vector_load %arg7[%swap3A_60, %swap3A_61, %swap3A_62] {strides = array<i32>} : memref<2x128x128xf32, #tpu.memory_space<vmem>>, vector<1x1x16xf32>,
      %swap3A_64 = vector.shape_cast %swap3A_63 : vector<1x1x16xf32> to vector<16xf32>
      %swap3A_65 = vector.shape_cast %broadcast_in_dim3A_58 : vector<16xf32> to vector<1x1x16xf32>
      tpu.vector_store %arg7[%swap3A_60, %swap3A_61, %swap3A_62], %swap3A_65 {strides = array<i32>} : memref<2x128x128xf32, #tpu.memory_space<vmem>>, vector<1x1x16xf32>,
      %broadcast_in_dim3A_66 = arith.constant 0.000000e+00 : f32
      %broadcast_in_dim3A_67 = vector.broadcast %broadcast_in_dim3A_66 : f32 to vector<16xf32>
      %swap3A_68 = arith.constant 0 : i32
      %swap3A_69 = arith.index_cast %swap3A_68 : i32 to index
      %swap3A_70 = arith.index_cast %scan3A_40 : i32 to index
      %swap3A_71 = arith.constant 48 : index
      %swap3A_72 = tpu.vector_load %arg7[%swap3A_69, %swap3A_70, %swap3A_71] {strides = array<i32>} : memref<2x128x128xf32, #tpu.memory_space<vmem>>, vector<1x1x16xf32>,
      %swap3A_73 = vector.shape_cast %swap3A_72 : vector<1x1x16xf32> to vector<16xf32>
      %swap3A_74 = vector.shape_cast %broadcast_in_dim3A_67 : vector<16xf32> to vector<1x1x16xf32>
      tpu.vector_store %arg7[%swap3A_69, %swap3A_70, %swap3A_71], %swap3A_74 {strides = array<i32>} : memref<2x128x128xf32, #tpu.memory_space<vmem>>, vector<1x1x16xf32>,
      %broadcast_in_dim3A_75 = arith.constant 0.000000e+00 : f32
      %broadcast_in_dim3A_76 = vector.broadcast %broadcast_in_dim3A_75 : f32 to vector<16xf32>
      %swap3A_77 = arith.constant 0 : i32
      %swap3A_78 = arith.index_cast %swap3A_77 : i32 to index
      %swap3A_79 = arith.index_cast %scan3A_40 : i32 to index
      %swap3A_80 = arith.constant 64 : index
      %swap3A_81 = tpu.vector_load %arg7[%swap3A_78, %swap3A_79, %swap3A_80] {strides = array<i32>} : memref<2x128x128xf32, #tpu.memory_space<vmem>>, vector<1x1x16xf32>,
      %swap3A_82 = vector.shape_cast %swap3A_81 : vector<1x1x16xf32> to vector<16xf32>
      %swap3A_83 = vector.shape_cast %broadcast_in_dim3A_76 : vector<16xf32> to vector<1x1x16xf32>
      tpu.vector_store %arg7[%swap3A_78, %swap3A_79, %swap3A_80], %swap3A_83 {strides = array<i32>} : memref<2x128x128xf32, #tpu.memory_space<vmem>>, vector<1x1x16xf32>,
      %broadcast_in_dim3A_84 = arith.constant 0.000000e+00 : f32
      %broadcast_in_dim3A_85 = vector.broadcast %broadcast_in_dim3A_84 : f32 to vector<16xf32>
      %swap3A_86 = arith.constant 0 : i32
      %swap3A_87 = arith.index_cast %swap3A_86 : i32 to index
      %swap3A_88 = arith.index_cast %scan3A_40 : i32 to index
      %swap3A_89 = arith.constant 80 : index
      %swap3A_90 = tpu.vector_load %arg7[%swap3A_87, %swap3A_88, %swap3A_89] {strides = array<i32>} : memref<2x128x128xf32, #tpu.memory_space<vmem>>, vector<1x1x16xf32>,
      %swap3A_91 = vector.shape_cast %swap3A_90 : vector<1x1x16xf32> to vector<16xf32>
      %swap3A_92 = vector.shape_cast %broadcast_in_dim3A_85 : vector<16xf32> to vector<1x1x16xf32>
      tpu.vector_store %arg7[%swap3A_87, %swap3A_88, %swap3A_89], %swap3A_92 {strides = array<i32>} : memref<2x128x128xf32, #tpu.memory_space<vmem>>, vector<1x1x16xf32>,
      %broadcast_in_dim3A_93 = arith.constant 0.000000e+00 : f32
      %broadcast_in_dim3A_94 = vector.broadcast %broadcast_in_dim3A_93 : f32 to vector<16xf32>
      %swap3A_95 = arith.constant 0 : i32
      %swap3A_96 = arith.index_cast %swap3A_95 : i32 to index
      %swap3A_97 = arith.index_cast %scan3A_40 : i32 to index
      %swap3A_98 = arith.constant 96 : index
      %swap3A_99 = tpu.vector_load %arg7[%swap3A_96, %swap3A_97, %swap3A_98] {strides = array<i32>} : memref<2x128x128xf32, #tpu.memory_space<vmem>>, vector<1x1x16xf32>,
      %swap3A_100 = vector.shape_cast %swap3A_99 : vector<1x1x16xf32> to vector<16xf32>
      %swap3A_101 = vector.shape_cast %broadcast_in_dim3A_94 : vector<16xf32> to vector<1x1x16xf32>
      tpu.vector_store %arg7[%swap3A_96, %swap3A_97, %swap3A_98], %swap3A_101 {strides = array<i32>} : memref<2x128x128xf32, #tpu.memory_space<vmem>>, vector<1x1x16xf32>,
      %broadcast_in_dim3A_102 = arith.constant 0.000000e+00 : f32
      %broadcast_in_dim3A_103 = vector.broadcast %broadcast_in_dim3A_102 : f32 to vector<16xf32>
      %swap3A_104 = arith.constant 0 : i32
      %swap3A_105 = arith.index_cast %swap3A_104 : i32 to index
      %swap3A_106 = arith.index_cast %scan3A_40 : i32 to index
      %swap3A_107 = arith.constant 112 : index
      %swap3A_108 = tpu.vector_load %arg7[%swap3A_105, %swap3A_106, %swap3A_107] {strides = array<i32>} : memref<2x128x128xf32, #tpu.memory_space<vmem>>, vector<1x1x16xf32>,
      %swap3A_109 = vector.shape_cast %swap3A_108 : vector<1x1x16xf32> to vector<16xf32>
      %swap3A_110 = vector.shape_cast %broadcast_in_dim3A_103 : vector<16xf32> to vector<1x1x16xf32>
      tpu.vector_store %arg7[%swap3A_105, %swap3A_106, %swap3A_107], %swap3A_110 {strides = array<i32>} : memref<2x128x128xf32, #tpu.memory_space<vmem>>, vector<1x1x16xf32>,
    }
    %scan3A_5 = arith.constant 128 : i32
    %scan3A_6 = arith.constant 0 : i32
    %scan3A_7 = arith.constant 0 : i32
    %scan3A_8 = arith.constant 5 : i32
    %scan3A_9 = arith.addi %scan3A_7, %scan3A_8 : i32
    %scan3A_10 = arith.constant 1 : i32
    scf.for %scan3A_40 = %scan3A_7 to %scan3A_9 step %scan3A_10  : i32 {
      %mul3A_41 = arith.constant 640 : i32
      %mul3A_42 = arith.muli %arg1, %mul3A_41 : i32
      %mul3A_43 = arith.constant 128 : i32
      %mul3A_44 = arith.muli %scan3A_40, %mul3A_43 : i32
      %add3A_45 = arith.addi %mul3A_42, %mul3A_44 : i32
      %run_scoped3A_46 = arith.constant 0 : i32
      "tpu.region"() ({
        %run_scoped3A_47 = tpu.sem_alloc : memref<!tpu.dma_semaphore, #tpu.memory_space<semaphore_mem>>
        %dma_start3A_48 = arith.constant 0 : i32
        %dma_start3A_49 = arith.constant 0 : i32
        %dma_start3A_50 = tpu.memref_slice %arg7[%run_scoped3A_46, %dma_start3A_48, %dma_start3A_49] : memref<2x128x128xf32, #tpu.memory_space<vmem>> -> memref<1x128x128xf32, #tpu.memory_space<vmem>>
        %dma_start3A_51 = tpu.memref_squeeze %dma_start3A_50 : memref<1x128x128xf32, #tpu.memory_space<vmem>> -> memref<128x128xf32, #tpu.memory_space<vmem>>
        %dma_start3A_52 = arith.constant 0 : i32
        %dma_start3A_53 = tpu.memref_slice %arg8[%add3A_45, %dma_start3A_52] : memref<10240x128xf32, #tpu.memory_space<vmem_shared>> -> memref<128x128xf32, #tpu.memory_space<vmem_shared>>
        %dma_start3A_54 = arith.constant 0 : i32
        %dma_start3A_55 = tpu.memref_slice %arg8[%add3A_45, %dma_start3A_54] : memref<10240x128xf32, #tpu.memory_space<vmem_shared>> -> memref<128x128xf32, #tpu.memory_space<vmem_shared>>
        %dma_start3A_56 = arith.constant 0 : i32
        %dma_start3A_57 = arith.constant 0 : i32
        %dma_start3A_58 = tpu.memref_slice %arg7[%run_scoped3A_46, %dma_start3A_56, %dma_start3A_57] : memref<2x128x128xf32, #tpu.memory_space<vmem>> -> memref<1x128x128xf32, #tpu.memory_space<vmem>>
        %dma_start3A_59 = tpu.memref_squeeze %dma_start3A_58 : memref<1x128x128xf32, #tpu.memory_space<vmem>> -> memref<128x128xf32, #tpu.memory_space<vmem>>
        tpu.enqueue_dma source(%dma_start3A_59 : memref<128x128xf32, #tpu.memory_space<vmem>>) target(%dma_start3A_55 : memref<128x128xf32, #tpu.memory_space<vmem_shared>>) target_semaphore(%run_scoped3A_47 : memref<!tpu.dma_semaphore, #tpu.memory_space<semaphore_mem>>)
        %dma_wait3A = arith.constant 0 : i32
        %dma_wait3A_60 = arith.constant 0 : i32
        %dma_wait3A_61 = tpu.memref_slice %arg7[%run_scoped3A_46, %dma_wait3A, %dma_wait3A_60] : memref<2x128x128xf32, #tpu.memory_space<vmem>> -> memref<1x128x128xf32, #tpu.memory_space<vmem>>
        %dma_wait3A_62 = tpu.memref_squeeze %dma_wait3A_61 : memref<1x128x128xf32, #tpu.memory_space<vmem>> -> memref<128x128xf32, #tpu.memory_space<vmem>>
        %dma_wait3A_63 = arith.constant 0 : i32
        %dma_wait3A_64 = tpu.memref_slice %arg8[%add3A_45, %dma_wait3A_63] : memref<10240x128xf32, #tpu.memory_space<vmem_shared>> -> memref<128x128xf32, #tpu.memory_space<vmem_shared>>
        %dma_wait3A_65 = arith.constant 0 : i32
        %dma_wait3A_66 = tpu.memref_slice %arg8[%add3A_45, %dma_wait3A_65] : memref<10240x128xf32, #tpu.memory_space<vmem_shared>> -> memref<128x128xf32, #tpu.memory_space<vmem_shared>>
        %dma_wait3A_67 = arith.constant 0 : i32
        %dma_wait3A_68 = arith.constant 0 : i32
        %dma_wait3A_69 = tpu.memref_slice %arg7[%run_scoped3A_46, %dma_wait3A_67, %dma_wait3A_68] : memref<2x128x128xf32, #tpu.memory_space<vmem>> -> memref<1x128x128xf32, #tpu.memory_space<vmem>>
        %dma_wait3A_70 = tpu.memref_squeeze %dma_wait3A_69 : memref<1x128x128xf32, #tpu.memory_space<vmem>> -> memref<128x128xf32, #tpu.memory_space<vmem>>
        tpu.wait_dma2 semaphore(%run_scoped3A_47 : memref<!tpu.dma_semaphore, #tpu.memory_space<semaphore_mem>>) src(%dma_wait3A_70 : memref<128x128xf32, #tpu.memory_space<vmem>>) dst(%dma_wait3A_66 : memref<128x128xf32, #tpu.memory_space<vmem_shared>>)
        tpu.yield
      }) : () -> ()
    }
    %scan3A_11 = arith.constant 5 : i32
    %run_scoped3A = arith.constant 0 : i32
    %run_scoped3A_12 = arith.constant 0 : i32
    %run_scoped3A_13 = arith.constant 0 : i32
    "tpu.region"() ({
      %run_scoped3A_40 = tpu.sem_alloc : memref<!tpu.dma_semaphore, #tpu.memory_space<semaphore_mem>>
      %dma_start3A_41 = arith.constant 0 : i32
      %dma_start3A_42 = arith.constant 0 : i32
      %dma_start3A_43 = tpu.memref_slice %arg5[%run_scoped3A_13, %dma_start3A_41, %dma_start3A_42] : memref<2x16x128xi32, #tpu.memory_space<vmem>> -> memref<1x16x128xi32, #tpu.memory_space<vmem>>
      %dma_start3A_44 = tpu.memref_squeeze %dma_start3A_43 : memref<1x16x128xi32, #tpu.memory_space<vmem>> -> memref<16x128xi32, #tpu.memory_space<vmem>>
      %dma_start3A_45 = arith.constant 0 : i32
      %dma_start3A_46 = arith.constant 0 : i32
      %dma_start3A_47 = tpu.memref_slice %arg3[%run_scoped3A, %add3A, %run_scoped3A_12, %dma_start3A_45, %dma_start3A_46] : memref<2x32x5x16x128xi32, #tpu.memory_space<hbm>> -> memref<1x1x1x16x128xi32, #tpu.memory_space<hbm>>
      %dma_start3A_48 = tpu.memref_squeeze %dma_start3A_47 : memref<1x1x1x16x128xi32, #tpu.memory_space<hbm>> -> memref<16x128xi32, #tpu.memory_space<hbm>>
      %dma_start3A_49 = arith.constant 0 : i32
      %dma_start3A_50 = arith.constant 0 : i32
      %dma_start3A_51 = tpu.memref_slice %arg5[%run_scoped3A_13, %dma_start3A_49, %dma_start3A_50] : memref<2x16x128xi32, #tpu.memory_space<vmem>> -> memref<1x16x128xi32, #tpu.memory_space<vmem>>
      %dma_start3A_52 = tpu.memref_squeeze %dma_start3A_51 : memref<1x16x128xi32, #tpu.memory_space<vmem>> -> memref<16x128xi32, #tpu.memory_space<vmem>>
      %dma_start3A_53 = arith.constant 0 : i32
      %dma_start3A_54 = arith.constant 0 : i32
      %dma_start3A_55 = tpu.memref_slice %arg3[%run_scoped3A, %add3A, %run_scoped3A_12, %dma_start3A_53, %dma_start3A_54] : memref<2x32x5x16x128xi32, #tpu.memory_space<hbm>> -> memref<1x1x1x16x128xi32, #tpu.memory_space<hbm>>
      %dma_start3A_56 = tpu.memref_squeeze %dma_start3A_55 : memref<1x1x1x16x128xi32, #tpu.memory_space<hbm>> -> memref<16x128xi32, #tpu.memory_space<hbm>>
      tpu.enqueue_dma source(%dma_start3A_56 : memref<16x128xi32, #tpu.memory_space<hbm>>) target(%dma_start3A_52 : memref<16x128xi32, #tpu.memory_space<vmem>>) target_semaphore(%run_scoped3A_40 : memref<!tpu.dma_semaphore, #tpu.memory_space<semaphore_mem>>)
      %dma_wait3A = arith.constant 0 : i32
      %dma_wait3A_57 = arith.constant 0 : i32
      %dma_wait3A_58 = tpu.memref_slice %arg5[%run_scoped3A_13, %dma_wait3A, %dma_wait3A_57] : memref<2x16x128xi32, #tpu.memory_space<vmem>> -> memref<1x16x128xi32, #tpu.memory_space<vmem>>
      %dma_wait3A_59 = tpu.memref_squeeze %dma_wait3A_58 : memref<1x16x128xi32, #tpu.memory_space<vmem>> -> memref<16x128xi32, #tpu.memory_space<vmem>>
      %dma_wait3A_60 = arith.constant 0 : i32
      %dma_wait3A_61 = arith.constant 0 : i32
      %dma_wait3A_62 = tpu.memref_slice %arg3[%run_scoped3A, %add3A, %run_scoped3A_12, %dma_wait3A_60, %dma_wait3A_61] : memref<2x32x5x16x128xi32, #tpu.memory_space<hbm>> -> memref<1x1x1x16x128xi32, #tpu.memory_space<hbm>>
      %dma_wait3A_63 = tpu.memref_squeeze %dma_wait3A_62 : memref<1x1x1x16x128xi32, #tpu.memory_space<hbm>> -> memref<16x128xi32, #tpu.memory_space<hbm>>
      %dma_wait3A_64 = arith.constant 0 : i32
      %dma_wait3A_65 = arith.constant 0 : i32
      %dma_wait3A_66 = tpu.memref_slice %arg5[%run_scoped3A_13, %dma_wait3A_64, %dma_wait3A_65] : memref<2x16x128xi32, #tpu.memory_space<vmem>> -> memref<1x16x128xi32, #tpu.memory_space<vmem>>
      %dma_wait3A_67 = tpu.memref_squeeze %dma_wait3A_66 : memref<1x16x128xi32, #tpu.memory_space<vmem>> -> memref<16x128xi32, #tpu.memory_space<vmem>>
      %dma_wait3A_68 = arith.constant 0 : i32
      %dma_wait3A_69 = arith.constant 0 : i32
      %dma_wait3A_70 = tpu.memref_slice %arg3[%run_scoped3A, %add3A, %run_scoped3A_12, %dma_wait3A_68, %dma_wait3A_69] : memref<2x32x5x16x128xi32, #tpu.memory_space<hbm>> -> memref<1x1x1x16x128xi32, #tpu.memory_space<hbm>>
      %dma_wait3A_71 = tpu.memref_squeeze %dma_wait3A_70 : memref<1x1x1x16x128xi32, #tpu.memory_space<hbm>> -> memref<16x128xi32, #tpu.memory_space<hbm>>
      tpu.wait_dma2 semaphore(%run_scoped3A_40 : memref<!tpu.dma_semaphore, #tpu.memory_space<semaphore_mem>>) src(%dma_wait3A_71 : memref<16x128xi32, #tpu.memory_space<hbm>>) dst(%dma_wait3A_67 : memref<16x128xi32, #tpu.memory_space<vmem>>)
      tpu.yield
    }) : () -> ()
    %run_scoped3A_14 = arith.constant 1 : i32
    %run_scoped3A_15 = arith.constant 0 : i32
    %run_scoped3A_16 = arith.constant 0 : i32
    "tpu.region"() ({
      %run_scoped3A_40 = tpu.sem_alloc : memref<!tpu.dma_semaphore, #tpu.memory_space<semaphore_mem>>
      %dma_start3A_41 = arith.constant 0 : i32
      %dma_start3A_42 = arith.constant 0 : i32
      %dma_start3A_43 = tpu.memref_slice %arg6[%run_scoped3A_16, %dma_start3A_41, %dma_start3A_42] : memref<2x16x128xi32, #tpu.memory_space<vmem>> -> memref<1x16x128xi32, #tpu.memory_space<vmem>>
      %dma_start3A_44 = tpu.memref_squeeze %dma_start3A_43 : memref<1x16x128xi32, #tpu.memory_space<vmem>> -> memref<16x128xi32, #tpu.memory_space<vmem>>
      %dma_start3A_45 = arith.constant 0 : i32
      %dma_start3A_46 = arith.constant 0 : i32
      %dma_start3A_47 = tpu.memref_slice %arg3[%run_scoped3A_14, %add3A, %run_scoped3A_15, %dma_start3A_45, %dma_start3A_46] : memref<2x32x5x16x128xi32, #tpu.memory_space<hbm>> -> memref<1x1x1x16x128xi32, #tpu.memory_space<hbm>>
      %dma_start3A_48 = tpu.memref_squeeze %dma_start3A_47 : memref<1x1x1x16x128xi32, #tpu.memory_space<hbm>> -> memref<16x128xi32, #tpu.memory_space<hbm>>
      %dma_start3A_49 = arith.constant 0 : i32
      %dma_start3A_50 = arith.constant 0 : i32
      %dma_start3A_51 = tpu.memref_slice %arg6[%run_scoped3A_16, %dma_start3A_49, %dma_start3A_50] : memref<2x16x128xi32, #tpu.memory_space<vmem>> -> memref<1x16x128xi32, #tpu.memory_space<vmem>>
      %dma_start3A_52 = tpu.memref_squeeze %dma_start3A_51 : memref<1x16x128xi32, #tpu.memory_space<vmem>> -> memref<16x128xi32, #tpu.memory_space<vmem>>
      %dma_start3A_53 = arith.constant 0 : i32
      %dma_start3A_54 = arith.constant 0 : i32
      %dma_start3A_55 = tpu.memref_slice %arg3[%run_scoped3A_14, %add3A, %run_scoped3A_15, %dma_start3A_53, %dma_start3A_54] : memref<2x32x5x16x128xi32, #tpu.memory_space<hbm>> -> memref<1x1x1x16x128xi32, #tpu.memory_space<hbm>>
      %dma_start3A_56 = tpu.memref_squeeze %dma_start3A_55 : memref<1x1x1x16x128xi32, #tpu.memory_space<hbm>> -> memref<16x128xi32, #tpu.memory_space<hbm>>
      tpu.enqueue_dma source(%dma_start3A_56 : memref<16x128xi32, #tpu.memory_space<hbm>>) target(%dma_start3A_52 : memref<16x128xi32, #tpu.memory_space<vmem>>) target_semaphore(%run_scoped3A_40 : memref<!tpu.dma_semaphore, #tpu.memory_space<semaphore_mem>>)
      %dma_wait3A = arith.constant 0 : i32
      %dma_wait3A_57 = arith.constant 0 : i32
      %dma_wait3A_58 = tpu.memref_slice %arg6[%run_scoped3A_16, %dma_wait3A, %dma_wait3A_57] : memref<2x16x128xi32, #tpu.memory_space<vmem>> -> memref<1x16x128xi32, #tpu.memory_space<vmem>>
      %dma_wait3A_59 = tpu.memref_squeeze %dma_wait3A_58 : memref<1x16x128xi32, #tpu.memory_space<vmem>> -> memref<16x128xi32, #tpu.memory_space<vmem>>
      %dma_wait3A_60 = arith.constant 0 : i32
      %dma_wait3A_61 = arith.constant 0 : i32
      %dma_wait3A_62 = tpu.memref_slice %arg3[%run_scoped3A_14, %add3A, %run_scoped3A_15, %dma_wait3A_60, %dma_wait3A_61] : memref<2x32x5x16x128xi32, #tpu.memory_space<hbm>> -> memref<1x1x1x16x128xi32, #tpu.memory_space<hbm>>
      %dma_wait3A_63 = tpu.memref_squeeze %dma_wait3A_62 : memref<1x1x1x16x128xi32, #tpu.memory_space<hbm>> -> memref<16x128xi32, #tpu.memory_space<hbm>>
      %dma_wait3A_64 = arith.constant 0 : i32
      %dma_wait3A_65 = arith.constant 0 : i32
      %dma_wait3A_66 = tpu.memref_slice %arg6[%run_scoped3A_16, %dma_wait3A_64, %dma_wait3A_65] : memref<2x16x128xi32, #tpu.memory_space<vmem>> -> memref<1x16x128xi32, #tpu.memory_space<vmem>>
      %dma_wait3A_67 = tpu.memref_squeeze %dma_wait3A_66 : memref<1x16x128xi32, #tpu.memory_space<vmem>> -> memref<16x128xi32, #tpu.memory_space<vmem>>
      %dma_wait3A_68 = arith.constant 0 : i32
      %dma_wait3A_69 = arith.constant 0 : i32
      %dma_wait3A_70 = tpu.memref_slice %arg3[%run_scoped3A_14, %add3A, %run_scoped3A_15, %dma_wait3A_68, %dma_wait3A_69] : memref<2x32x5x16x128xi32, #tpu.memory_space<hbm>> -> memref<1x1x1x16x128xi32, #tpu.memory_space<hbm>>
      %dma_wait3A_71 = tpu.memref_squeeze %dma_wait3A_70 : memref<1x1x1x16x128xi32, #tpu.memory_space<hbm>> -> memref<16x128xi32, #tpu.memory_space<hbm>>
      tpu.wait_dma2 semaphore(%run_scoped3A_40 : memref<!tpu.dma_semaphore, #tpu.memory_space<semaphore_mem>>) src(%dma_wait3A_71 : memref<16x128xi32, #tpu.memory_space<hbm>>) dst(%dma_wait3A_67 : memref<16x128xi32, #tpu.memory_space<vmem>>)
      tpu.yield
    }) : () -> ()
    %barrier3A = arith.constant 0 : index
    tpu.barrier barrier_id(%barrier3A)
    %dma_start3A = arith.constant 0 : i32
    %dma_start3A_17 = arith.constant 0 : i32
    %dma_start3A_18 = arith.constant 0 : i32
    %dma_start3A_19 = arith.constant 0 : i32
    %dma_start3A_20 = arith.constant 0 : i32
    %dma_start3A_21 = tpu.memref_slice %arg7[%dma_start3A_18, %dma_start3A_19, %dma_start3A_20] : memref<2x128x128xf32, #tpu.memory_space<vmem>> -> memref<1x128x128xf32, #tpu.memory_space<vmem>>
    %dma_start3A_22 = tpu.memref_squeeze %dma_start3A_21 : memref<1x128x128xf32, #tpu.memory_space<vmem>> -> memref<128x128xf32, #tpu.memory_space<vmem>>
    %dma_start3A_23 = arith.constant 0 : i32
    %dma_start3A_24 = tpu.memref_slice %arg5[%dma_start3A, %dma_start3A_17, %dma_start3A_23] : memref<2x16x128xi32, #tpu.memory_space<vmem>> -> memref<1x1x128xi32, #tpu.memory_space<vmem>>
    %dma_start3A_25 = tpu.memref_squeeze %dma_start3A_24 : memref<1x1x128xi32, #tpu.memory_space<vmem>> -> memref<128xi32, #tpu.memory_space<vmem>>
    %dma_start3A_26 = arith.constant 0 : i32
    %dma_start3A_27 = arith.constant 0 : i32
    %dma_start3A_28 = tpu.memref_slice %arg2[%dma_start3A_26, %dma_start3A_27] : memref<10000x128xf32, #tpu.memory_space<hbm>> -> memref<10000x128xf32, #tpu.memory_space<hbm>>
    tpu.enqueue_indirect_dma source(%dma_start3A_28 : memref<10000x128xf32, #tpu.memory_space<hbm>>) target(%dma_start3A_22 : memref<128x128xf32, #tpu.memory_space<vmem>>) offsets(%dma_start3A_25 : memref<128xi32, #tpu.memory_space<vmem>>) semaphore(%arg9 : memref<!tpu.dma_semaphore, #tpu.memory_space<semaphore_mem>>)
    %scan3A_29 = arith.constant 0 : i32
    %scan3A_30 = arith.constant 0 : i32
    %scan3A_31 = arith.constant 40 : i32
    %scan3A_32 = arith.addi %scan3A_30, %scan3A_31 : i32
    %scan3A_33 = arith.constant 1 : i32
    scf.for %scan3A_40 = %scan3A_30 to %scan3A_32 step %scan3A_33  : i32 {
      %mul3A_41 = arith.constant 2 : i32
      %mul3A_42 = arith.muli %mul3A_41, %scan3A_40 : i32
      %add3A_43 = arith.constant 1 : i32
      %add3A_44 = arith.addi %mul3A_42, %add3A_43 : i32
      %add3A_45 = arith.constant 2 : i32
      %add3A_46 = arith.addi %mul3A_42, %add3A_45 : i32
      %jit3A = arith.constant 16 : i32
      %div3A = arith.divsi %mul3A_42, %jit3A : i32
      %sign3A = arith.constant 0 : i32
      %sign3A_47 = arith.cmpi sgt, %mul3A_42, %sign3A : i32
      %sign3A_48 = arith.extui %sign3A_47 : i1 to i32
      %sign3A_49 = arith.constant 0 : i32
      %sign3A_50 = arith.cmpi slt, %mul3A_42, %sign3A_49 : i32
      %sign3A_51 = arith.extui %sign3A_50 : i1 to i32
      %sign3A_52 = arith.subi %sign3A_48, %sign3A_51 : i32
      %sign3A_53 = arith.constant 0 : i32
      %sign3A_54 = arith.cmpi sgt, %jit3A, %sign3A_53 : i32
      %sign3A_55 = arith.extui %sign3A_54 : i1 to i32
      %sign3A_56 = arith.constant 0 : i32
      %sign3A_57 = arith.cmpi slt, %jit3A, %sign3A_56 : i32
      %sign3A_58 = arith.extui %sign3A_57 : i1 to i32
      %sign3A_59 = arith.subi %sign3A_55, %sign3A_58 : i32
      %ne3A = arith.cmpi ne, %sign3A_52, %sign3A_59 : i32
      %rem3A = arith.remsi %mul3A_42, %jit3A : i32
      %ne3A_60 = arith.constant 0 : i32
      %ne3A_61 = arith.cmpi ne, %rem3A, %ne3A_60 : i32
      %and3A = arith.andi %ne3A, %ne3A_61 : i1
      %sub3A = arith.constant 1 : i32
      %sub3A_62 = arith.subi %div3A, %sub3A : i32
      %select_n3A = arith.select %and3A, %sub3A_62, %div3A : i32
      %jit3A_63 = arith.constant 2 : i32
      %eq3A = arith.constant 0 : i32
      %eq3A_64 = arith.cmpi eq, %jit3A_63, %eq3A : i32
      %jit3A_65 = arith.constant 1 : i32
      %select_n3A_66 = arith.select %eq3A_64, %jit3A_65, %jit3A_63 : i32
      %rem3A_67 = arith.remsi %select_n3A, %select_n3A_66 : i32
      %ne3A_68 = arith.constant 0 : i32
      %ne3A_69 = arith.cmpi ne, %rem3A_67, %ne3A_68 : i32
      %lt3A = arith.constant 0 : i32
      %lt3A_70 = arith.cmpi slt, %rem3A_67, %lt3A : i32
      %lt3A_71 = arith.constant 0 : i32
      %lt3A_72 = arith.cmpi slt, %select_n3A_66, %lt3A_71 : i32
      %ne3A_73 = arith.xori %lt3A_70, %lt3A_72 : i1
      %and3A_74 = arith.andi %ne3A_73, %ne3A_69 : i1
      %add3A_75 = arith.addi %rem3A_67, %select_n3A_66 : i32
      %select_n3A_76 = arith.select %and3A_74, %add3A_75, %rem3A_67 : i32
      %jit3A_77 = arith.constant 16 : i32
      %eq3A_78 = arith.constant 0 : i32
      %eq3A_79 = arith.cmpi eq, %jit3A_77, %eq3A_78 : i32
      %jit3A_80 = arith.constant 1 : i32
      %select_n3A_81 = arith.select %eq3A_79, %jit3A_80, %jit3A_77 : i32
      %rem3A_82 = arith.remsi %add3A_44, %select_n3A_81 : i32
      %ne3A_83 = arith.constant 0 : i32
      %ne3A_84 = arith.cmpi ne, %rem3A_82, %ne3A_83 : i32
      %lt3A_85 = arith.constant 0 : i32
      %lt3A_86 = arith.cmpi slt, %rem3A_82, %lt3A_85 : i32
      %lt3A_87 = arith.constant 0 : i32
      %lt3A_88 = arith.cmpi slt, %select_n3A_81, %lt3A_87 : i32
      %ne3A_89 = arith.xori %lt3A_86, %lt3A_88 : i1
      %and3A_90 = arith.andi %ne3A_89, %ne3A_84 : i1
      %add3A_91 = arith.addi %rem3A_82, %select_n3A_81 : i32
      %select_n3A_92 = arith.select %and3A_90, %add3A_91, %rem3A_82 : i32
      %dma_start3A_93 = arith.constant 1 : i32
      %dma_start3A_94 = arith.constant 0 : i32
      %dma_start3A_95 = arith.constant 0 : i32
      %dma_start3A_96 = tpu.memref_slice %arg7[%dma_start3A_93, %dma_start3A_94, %dma_start3A_95] : memref<2x128x128xf32, #tpu.memory_space<vmem>> -> memref<1x128x128xf32, #tpu.memory_space<vmem>>
      %dma_start3A_97 = tpu.memref_squeeze %dma_start3A_96 : memref<1x128x128xf32, #tpu.memory_space<vmem>> -> memref<128x128xf32, #tpu.memory_space<vmem>>
      %dma_start3A_98 = arith.constant 0 : i32
      %dma_start3A_99 = tpu.memref_slice %arg5[%select_n3A_76, %select_n3A_92, %dma_start3A_98] : memref<2x16x128xi32, #tpu.memory_space<vmem>> -> memref<1x1x128xi32, #tpu.memory_space<vmem>>
      %dma_start3A_100 = tpu.memref_squeeze %dma_start3A_99 : memref<1x1x128xi32, #tpu.memory_space<vmem>> -> memref<128xi32, #tpu.memory_space<vmem>>
      %dma_start3A_101 = arith.constant 0 : i32
      %dma_start3A_102 = arith.constant 0 : i32
      %dma_start3A_103 = tpu.memref_slice %arg2[%dma_start3A_101, %dma_start3A_102] : memref<10000x128xf32, #tpu.memory_space<hbm>> -> memref<10000x128xf32, #tpu.memory_space<hbm>>
      tpu.enqueue_indirect_dma source(%dma_start3A_103 : memref<10000x128xf32, #tpu.memory_space<hbm>>) target(%dma_start3A_97 : memref<128x128xf32, #tpu.memory_space<vmem>>) offsets(%dma_start3A_100 : memref<128xi32, #tpu.memory_space<vmem>>) semaphore(%arg10 : memref<!tpu.dma_semaphore, #tpu.memory_space<semaphore_mem>>)
      %dma_wait3A = arith.constant 0 : i32
      %dma_wait3A_104 = arith.constant 0 : i32
      %dma_wait3A_105 = arith.constant 0 : i32
      %dma_wait3A_106 = tpu.memref_slice %arg7[%dma_wait3A, %dma_wait3A_104, %dma_wait3A_105] : memref<2x128x128xf32, #tpu.memory_space<vmem>> -> memref<1x128x128xf32, #tpu.memory_space<vmem>>
      %dma_wait3A_107 = tpu.memref_squeeze %dma_wait3A_106 : memref<1x128x128xf32, #tpu.memory_space<vmem>> -> memref<128x128xf32, #tpu.memory_space<vmem>>
      %dma_wait3A_108 = arith.constant 0 : i32
      %dma_wait3A_109 = arith.constant 0 : i32
      %dma_wait3A_110 = tpu.memref_slice %arg2[%dma_wait3A_108, %dma_wait3A_109] : memref<10000x128xf32, #tpu.memory_space<hbm>> -> memref<128x128xf32, #tpu.memory_space<hbm>>
      %dma_wait3A_111 = arith.constant 0 : i32
      %dma_wait3A_112 = arith.constant 0 : i32
      %dma_wait3A_113 = tpu.memref_slice %arg7[%dma_wait3A, %dma_wait3A_111, %dma_wait3A_112] : memref<2x128x128xf32, #tpu.memory_space<vmem>> -> memref<1x128x128xf32, #tpu.memory_space<vmem>>
      %dma_wait3A_114 = tpu.memref_squeeze %dma_wait3A_113 : memref<1x128x128xf32, #tpu.memory_space<vmem>> -> memref<128x128xf32, #tpu.memory_space<vmem>>
      %dma_wait3A_115 = arith.constant 0 : i32
      %dma_wait3A_116 = arith.constant 0 : i32
      %dma_wait3A_117 = tpu.memref_slice %arg2[%dma_wait3A_115, %dma_wait3A_116] : memref<10000x128xf32, #tpu.memory_space<hbm>> -> memref<128x128xf32, #tpu.memory_space<hbm>>
      tpu.wait_dma2 semaphore(%arg9 : memref<!tpu.dma_semaphore, #tpu.memory_space<semaphore_mem>>) src(%dma_wait3A_117 : memref<128x128xf32, #tpu.memory_space<hbm>>) dst(%dma_wait3A_114 : memref<128x128xf32, #tpu.memory_space<vmem>>)
      %jit3A_118 = arith.constant 16 : i32
      %eq3A_119 = arith.constant 0 : i32
      %eq3A_120 = arith.cmpi eq, %jit3A_118, %eq3A_119 : i32
      %jit3A_121 = arith.constant 1 : i32
      %select_n3A_122 = arith.select %eq3A_120, %jit3A_121, %jit3A_118 : i32
      %rem3A_123 = arith.remsi %mul3A_42, %select_n3A_122 : i32
      %ne3A_124 = arith.constant 0 : i32
      %ne3A_125 = arith.cmpi ne, %rem3A_123, %ne3A_124 : i32
      %lt3A_126 = arith.constant 0 : i32
      %lt3A_127 = arith.cmpi slt, %rem3A_123, %lt3A_126 : i32
      %lt3A_128 = arith.constant 0 : i32
      %lt3A_129 = arith.cmpi slt, %select_n3A_122, %lt3A_128 : i32
      %ne3A_130 = arith.xori %lt3A_127, %lt3A_129 : i1
      %and3A_131 = arith.andi %ne3A_130, %ne3A_125 : i1
      %add3A_132 = arith.addi %rem3A_123, %select_n3A_122 : i32
      %select_n3A_133 = arith.select %and3A_131, %add3A_132, %rem3A_123 : i32
      %run_scoped3A_134 = arith.constant 0 : i32
      "tpu.region"() ({
        %run_scoped3A_194 = tpu.sem_alloc : memref<!tpu.dma_semaphore, #tpu.memory_space<semaphore_mem>>
        %dma_start3A_195 = arith.constant 0 : i32
        %dma_start3A_196 = arith.constant 0 : i32
        %dma_start3A_197 = tpu.memref_slice %arg7[%run_scoped3A_134, %dma_start3A_195, %dma_start3A_196] : memref<2x128x128xf32, #tpu.memory_space<vmem>> -> memref<1x128x128xf32, #tpu.memory_space<vmem>>
        %dma_start3A_198 = tpu.memref_squeeze %dma_start3A_197 : memref<1x128x128xf32, #tpu.memory_space<vmem>> -> memref<128x128xf32, #tpu.memory_space<vmem>>
        %dma_start3A_199 = arith.constant 0 : i32
        %dma_start3A_200 = tpu.memref_slice %arg6[%select_n3A_76, %select_n3A_133, %dma_start3A_199] : memref<2x16x128xi32, #tpu.memory_space<vmem>> -> memref<1x1x128xi32, #tpu.memory_space<vmem>>
        %dma_start3A_201 = tpu.memref_squeeze %dma_start3A_200 : memref<1x1x128xi32, #tpu.memory_space<vmem>> -> memref<128xi32, #tpu.memory_space<vmem>>
        %dma_start3A_202 = arith.constant 0 : i32
        %dma_start3A_203 = arith.constant 0 : i32
        %dma_start3A_204 = tpu.memref_slice %arg8[%dma_start3A_202, %dma_start3A_203] : memref<10240x128xf32, #tpu.memory_space<vmem_shared>> -> memref<10240x128xf32, #tpu.memory_space<vmem_shared>>
        tpu.enqueue_indirect_dma source(%dma_start3A_198 : memref<128x128xf32, #tpu.memory_space<vmem>>) target(%dma_start3A_204 : memref<10240x128xf32, #tpu.memory_space<vmem_shared>>) offsets(%dma_start3A_201 : memref<128xi32, #tpu.memory_space<vmem>>) semaphore(%run_scoped3A_194 : memref<!tpu.dma_semaphore, #tpu.memory_space<semaphore_mem>>) {add = true}
        %dma_wait3A_205 = arith.constant 0 : i32
        %dma_wait3A_206 = arith.constant 0 : i32
        %dma_wait3A_207 = tpu.memref_slice %arg7[%run_scoped3A_134, %dma_wait3A_205, %dma_wait3A_206] : memref<2x128x128xf32, #tpu.memory_space<vmem>> -> memref<1x128x128xf32, #tpu.memory_space<vmem>>
        %dma_wait3A_208 = tpu.memref_squeeze %dma_wait3A_207 : memref<1x128x128xf32, #tpu.memory_space<vmem>> -> memref<128x128xf32, #tpu.memory_space<vmem>>
        %dma_wait3A_209 = arith.constant 0 : i32
        %dma_wait3A_210 = tpu.memref_slice %arg6[%select_n3A_76, %select_n3A_133, %dma_wait3A_209] : memref<2x16x128xi32, #tpu.memory_space<vmem>> -> memref<1x1x128xi32, #tpu.memory_space<vmem>>
        %dma_wait3A_211 = tpu.memref_squeeze %dma_wait3A_210 : memref<1x1x128xi32, #tpu.memory_space<vmem>> -> memref<128xi32, #tpu.memory_space<vmem>>
        %dma_wait3A_212 = arith.constant 0 : i32
        %dma_wait3A_213 = arith.constant 0 : i32
        %dma_wait3A_214 = tpu.memref_slice %arg8[%dma_wait3A_212, %dma_wait3A_213] : memref<10240x128xf32, #tpu.memory_space<vmem_shared>> -> memref<10240x128xf32, #tpu.memory_space<vmem_shared>>
        tpu.wait_indirect_dma semaphore(%run_scoped3A_194 : memref<!tpu.dma_semaphore, #tpu.memory_space<semaphore_mem>>) src(%dma_wait3A_208 : memref<128x128xf32, #tpu.memory_space<vmem>>) dst(%dma_wait3A_214 : memref<10240x128xf32, #tpu.memory_space<vmem_shared>>)
        tpu.yield
      }) : () -> ()
      %lt3A_135 = arith.constant 80 : i32
      %lt3A_136 = arith.cmpi slt, %add3A_46, %lt3A_135 : i32
      %jit3A_137 = arith.constant 16 : i32
      %eq3A_138 = arith.constant 0 : i32
      %eq3A_139 = arith.cmpi eq, %jit3A_137, %eq3A_138 : i32
      %jit3A_140 = arith.constant 1 : i32
      %select_n3A_141 = arith.select %eq3A_139, %jit3A_140, %jit3A_137 : i32
      %rem3A_142 = arith.remsi %add3A_46, %select_n3A_141 : i32
      %ne3A_143 = arith.constant 0 : i32
      %ne3A_144 = arith.cmpi ne, %rem3A_142, %ne3A_143 : i32
      %lt3A_145 = arith.constant 0 : i32
      %lt3A_146 = arith.cmpi slt, %rem3A_142, %lt3A_145 : i32
      %lt3A_147 = arith.constant 0 : i32
      %lt3A_148 = arith.cmpi slt, %select_n3A_141, %lt3A_147 : i32
      %ne3A_149 = arith.xori %lt3A_146, %lt3A_148 : i1
      %and3A_150 = arith.andi %ne3A_149, %ne3A_144 : i1
      %add3A_151 = arith.addi %rem3A_142, %select_n3A_141 : i32
      %select_n3A_152 = arith.select %and3A_150, %add3A_151, %rem3A_142 : i32
      %eq3A_153 = arith.constant 0 : i32
      %eq3A_154 = arith.cmpi eq, %select_n3A_152, %eq3A_153 : i32
      %and3A_155 = arith.andi %lt3A_136, %eq3A_154 : i1
      %convert_element_type3A = arith.extui %and3A_155 : i1 to i32
      %cond3A = arith.constant 0 : i32
      %cond3A_156 = arith.cmpi ne, %convert_element_type3A, %cond3A : i32
      scf.if %cond3A_156 {
        %jit3A_194 = arith.constant 16 : i32
        %div3A_195 = arith.divsi %add3A_46, %jit3A_194 : i32
        %sign3A_196 = arith.constant 0 : i32
        %sign3A_197 = arith.cmpi sgt, %add3A_46, %sign3A_196 : i32
        %sign3A_198 = arith.extui %sign3A_197 : i1 to i32
        %sign3A_199 = arith.constant 0 : i32
        %sign3A_200 = arith.cmpi slt, %add3A_46, %sign3A_199 : i32
        %sign3A_201 = arith.extui %sign3A_200 : i1 to i32
        %sign3A_202 = arith.subi %sign3A_198, %sign3A_201 : i32
        %sign3A_203 = arith.constant 0 : i32
        %sign3A_204 = arith.cmpi sgt, %jit3A_194, %sign3A_203 : i32
        %sign3A_205 = arith.extui %sign3A_204 : i1 to i32
        %sign3A_206 = arith.constant 0 : i32
        %sign3A_207 = arith.cmpi slt, %jit3A_194, %sign3A_206 : i32
        %sign3A_208 = arith.extui %sign3A_207 : i1 to i32
        %sign3A_209 = arith.subi %sign3A_205, %sign3A_208 : i32
        %ne3A_210 = arith.cmpi ne, %sign3A_202, %sign3A_209 : i32
        %rem3A_211 = arith.remsi %add3A_46, %jit3A_194 : i32
        %ne3A_212 = arith.constant 0 : i32
        %ne3A_213 = arith.cmpi ne, %rem3A_211, %ne3A_212 : i32
        %and3A_214 = arith.andi %ne3A_210, %ne3A_213 : i1
        %sub3A_215 = arith.constant 1 : i32
        %sub3A_216 = arith.subi %div3A_195, %sub3A_215 : i32
        %select_n3A_217 = arith.select %and3A_214, %sub3A_216, %div3A_195 : i32
        %jit3A_218 = arith.constant 2 : i32
        %eq3A_219 = arith.constant 0 : i32
        %eq3A_220 = arith.cmpi eq, %jit3A_218, %eq3A_219 : i32
        %jit3A_221 = arith.constant 1 : i32
        %select_n3A_222 = arith.select %eq3A_220, %jit3A_221, %jit3A_218 : i32
        %rem3A_223 = arith.remsi %select_n3A_217, %select_n3A_222 : i32
        %ne3A_224 = arith.constant 0 : i32
        %ne3A_225 = arith.cmpi ne, %rem3A_223, %ne3A_224 : i32
        %lt3A_226 = arith.constant 0 : i32
        %lt3A_227 = arith.cmpi slt, %rem3A_223, %lt3A_226 : i32
        %lt3A_228 = arith.constant 0 : i32
        %lt3A_229 = arith.cmpi slt, %select_n3A_222, %lt3A_228 : i32
        %ne3A_230 = arith.xori %lt3A_227, %lt3A_229 : i1
        %and3A_231 = arith.andi %ne3A_230, %ne3A_225 : i1
        %add3A_232 = arith.addi %rem3A_223, %select_n3A_222 : i32
        %select_n3A_233 = arith.select %and3A_231, %add3A_232, %rem3A_223 : i32
        %run_scoped3A_234 = arith.constant 0 : i32
        "tpu.region"() ({
          %run_scoped3A_252 = tpu.sem_alloc : memref<!tpu.dma_semaphore, #tpu.memory_space<semaphore_mem>>
          %dma_start3A_253 = arith.constant 0 : i32
          %dma_start3A_254 = arith.constant 0 : i32
          %dma_start3A_255 = tpu.memref_slice %arg5[%select_n3A_233, %dma_start3A_253, %dma_start3A_254] : memref<2x16x128xi32, #tpu.memory_space<vmem>> -> memref<1x16x128xi32, #tpu.memory_space<vmem>>
          %dma_start3A_256 = tpu.memref_squeeze %dma_start3A_255 : memref<1x16x128xi32, #tpu.memory_space<vmem>> -> memref<16x128xi32, #tpu.memory_space<vmem>>
          %dma_start3A_257 = arith.constant 0 : i32
          %dma_start3A_258 = arith.constant 0 : i32
          %dma_start3A_259 = tpu.memref_slice %arg3[%run_scoped3A_234, %add3A, %select_n3A_217, %dma_start3A_257, %dma_start3A_258] : memref<2x32x5x16x128xi32, #tpu.memory_space<hbm>> -> memref<1x1x1x16x128xi32, #tpu.memory_space<hbm>>
          %dma_start3A_260 = tpu.memref_squeeze %dma_start3A_259 : memref<1x1x1x16x128xi32, #tpu.memory_space<hbm>> -> memref<16x128xi32, #tpu.memory_space<hbm>>
          %dma_start3A_261 = arith.constant 0 : i32
          %dma_start3A_262 = arith.constant 0 : i32
          %dma_start3A_263 = tpu.memref_slice %arg5[%select_n3A_233, %dma_start3A_261, %dma_start3A_262] : memref<2x16x128xi32, #tpu.memory_space<vmem>> -> memref<1x16x128xi32, #tpu.memory_space<vmem>>
          %dma_start3A_264 = tpu.memref_squeeze %dma_start3A_263 : memref<1x16x128xi32, #tpu.memory_space<vmem>> -> memref<16x128xi32, #tpu.memory_space<vmem>>
          %dma_start3A_265 = arith.constant 0 : i32
          %dma_start3A_266 = arith.constant 0 : i32
          %dma_start3A_267 = tpu.memref_slice %arg3[%run_scoped3A_234, %add3A, %select_n3A_217, %dma_start3A_265, %dma_start3A_266] : memref<2x32x5x16x128xi32, #tpu.memory_space<hbm>> -> memref<1x1x1x16x128xi32, #tpu.memory_space<hbm>>
          %dma_start3A_268 = tpu.memref_squeeze %dma_start3A_267 : memref<1x1x1x16x128xi32, #tpu.memory_space<hbm>> -> memref<16x128xi32, #tpu.memory_space<hbm>>
          tpu.enqueue_dma source(%dma_start3A_268 : memref<16x128xi32, #tpu.memory_space<hbm>>) target(%dma_start3A_264 : memref<16x128xi32, #tpu.memory_space<vmem>>) target_semaphore(%run_scoped3A_252 : memref<!tpu.dma_semaphore, #tpu.memory_space<semaphore_mem>>)
          %dma_wait3A_269 = arith.constant 0 : i32
          %dma_wait3A_270 = arith.constant 0 : i32
          %dma_wait3A_271 = tpu.memref_slice %arg5[%select_n3A_233, %dma_wait3A_269, %dma_wait3A_270] : memref<2x16x128xi32, #tpu.memory_space<vmem>> -> memref<1x16x128xi32, #tpu.memory_space<vmem>>
          %dma_wait3A_272 = tpu.memref_squeeze %dma_wait3A_271 : memref<1x16x128xi32, #tpu.memory_space<vmem>> -> memref<16x128xi32, #tpu.memory_space<vmem>>
          %dma_wait3A_273 = arith.constant 0 : i32
          %dma_wait3A_274 = arith.constant 0 : i32
          %dma_wait3A_275 = tpu.memref_slice %arg3[%run_scoped3A_234, %add3A, %select_n3A_217, %dma_wait3A_273, %dma_wait3A_274] : memref<2x32x5x16x128xi32, #tpu.memory_space<hbm>> -> memref<1x1x1x16x128xi32, #tpu.memory_space<hbm>>
          %dma_wait3A_276 = tpu.memref_squeeze %dma_wait3A_275 : memref<1x1x1x16x128xi32, #tpu.memory_space<hbm>> -> memref<16x128xi32, #tpu.memory_space<hbm>>
          %dma_wait3A_277 = arith.constant 0 : i32
          %dma_wait3A_278 = arith.constant 0 : i32
          %dma_wait3A_279 = tpu.memref_slice %arg5[%select_n3A_233, %dma_wait3A_277, %dma_wait3A_278] : memref<2x16x128xi32, #tpu.memory_space<vmem>> -> memref<1x16x128xi32, #tpu.memory_space<vmem>>
          %dma_wait3A_280 = tpu.memref_squeeze %dma_wait3A_279 : memref<1x16x128xi32, #tpu.memory_space<vmem>> -> memref<16x128xi32, #tpu.memory_space<vmem>>
          %dma_wait3A_281 = arith.constant 0 : i32
          %dma_wait3A_282 = arith.constant 0 : i32
          %dma_wait3A_283 = tpu.memref_slice %arg3[%run_scoped3A_234, %add3A, %select_n3A_217, %dma_wait3A_281, %dma_wait3A_282] : memref<2x32x5x16x128xi32, #tpu.memory_space<hbm>> -> memref<1x1x1x16x128xi32, #tpu.memory_space<hbm>>
          %dma_wait3A_284 = tpu.memref_squeeze %dma_wait3A_283 : memref<1x1x1x16x128xi32, #tpu.memory_space<hbm>> -> memref<16x128xi32, #tpu.memory_space<hbm>>
          tpu.wait_dma2 semaphore(%run_scoped3A_252 : memref<!tpu.dma_semaphore, #tpu.memory_space<semaphore_mem>>) src(%dma_wait3A_284 : memref<16x128xi32, #tpu.memory_space<hbm>>) dst(%dma_wait3A_280 : memref<16x128xi32, #tpu.memory_space<vmem>>)
          tpu.yield
        }) : () -> ()
        %jit3A_235 = arith.constant 2 : i32
        %eq3A_236 = arith.constant 0 : i32
        %eq3A_237 = arith.cmpi eq, %jit3A_235, %eq3A_236 : i32
        %jit3A_238 = arith.constant 1 : i32
        %select_n3A_239 = arith.select %eq3A_237, %jit3A_238, %jit3A_235 : i32
        %rem3A_240 = arith.remsi %select_n3A_217, %select_n3A_239 : i32
        %ne3A_241 = arith.constant 0 : i32
        %ne3A_242 = arith.cmpi ne, %rem3A_240, %ne3A_241 : i32
        %lt3A_243 = arith.constant 0 : i32
        %lt3A_244 = arith.cmpi slt, %rem3A_240, %lt3A_243 : i32
        %lt3A_245 = arith.constant 0 : i32
        %lt3A_246 = arith.cmpi slt, %select_n3A_239, %lt3A_245 : i32
        %ne3A_247 = arith.xori %lt3A_244, %lt3A_246 : i1
        %and3A_248 = arith.andi %ne3A_247, %ne3A_242 : i1
        %add3A_249 = arith.addi %rem3A_240, %select_n3A_239 : i32
        %select_n3A_250 = arith.select %and3A_248, %add3A_249, %rem3A_240 : i32
        %run_scoped3A_251 = arith.constant 1 : i32
        "tpu.region"() ({
          %run_scoped3A_252 = tpu.sem_alloc : memref<!tpu.dma_semaphore, #tpu.memory_space<semaphore_mem>>
          %dma_start3A_253 = arith.constant 0 : i32
          %dma_start3A_254 = arith.constant 0 : i32
          %dma_start3A_255 = tpu.memref_slice %arg6[%select_n3A_250, %dma_start3A_253, %dma_start3A_254] : memref<2x16x128xi32, #tpu.memory_space<vmem>> -> memref<1x16x128xi32, #tpu.memory_space<vmem>>
          %dma_start3A_256 = tpu.memref_squeeze %dma_start3A_255 : memref<1x16x128xi32, #tpu.memory_space<vmem>> -> memref<16x128xi32, #tpu.memory_space<vmem>>
          %dma_start3A_257 = arith.constant 0 : i32
          %dma_start3A_258 = arith.constant 0 : i32
          %dma_start3A_259 = tpu.memref_slice %arg3[%run_scoped3A_251, %add3A, %select_n3A_217, %dma_start3A_257, %dma_start3A_258] : memref<2x32x5x16x128xi32, #tpu.memory_space<hbm>> -> memref<1x1x1x16x128xi32, #tpu.memory_space<hbm>>
          %dma_start3A_260 = tpu.memref_squeeze %dma_start3A_259 : memref<1x1x1x16x128xi32, #tpu.memory_space<hbm>> -> memref<16x128xi32, #tpu.memory_space<hbm>>
          %dma_start3A_261 = arith.constant 0 : i32
          %dma_start3A_262 = arith.constant 0 : i32
          %dma_start3A_263 = tpu.memref_slice %arg6[%select_n3A_250, %dma_start3A_261, %dma_start3A_262] : memref<2x16x128xi32, #tpu.memory_space<vmem>> -> memref<1x16x128xi32, #tpu.memory_space<vmem>>
          %dma_start3A_264 = tpu.memref_squeeze %dma_start3A_263 : memref<1x16x128xi32, #tpu.memory_space<vmem>> -> memref<16x128xi32, #tpu.memory_space<vmem>>
          %dma_start3A_265 = arith.constant 0 : i32
          %dma_start3A_266 = arith.constant 0 : i32
          %dma_start3A_267 = tpu.memref_slice %arg3[%run_scoped3A_251, %add3A, %select_n3A_217, %dma_start3A_265, %dma_start3A_266] : memref<2x32x5x16x128xi32, #tpu.memory_space<hbm>> -> memref<1x1x1x16x128xi32, #tpu.memory_space<hbm>>
          %dma_start3A_268 = tpu.memref_squeeze %dma_start3A_267 : memref<1x1x1x16x128xi32, #tpu.memory_space<hbm>> -> memref<16x128xi32, #tpu.memory_space<hbm>>
          tpu.enqueue_dma source(%dma_start3A_268 : memref<16x128xi32, #tpu.memory_space<hbm>>) target(%dma_start3A_264 : memref<16x128xi32, #tpu.memory_space<vmem>>) target_semaphore(%run_scoped3A_252 : memref<!tpu.dma_semaphore, #tpu.memory_space<semaphore_mem>>)
          %dma_wait3A_269 = arith.constant 0 : i32
          %dma_wait3A_270 = arith.constant 0 : i32
          %dma_wait3A_271 = tpu.memref_slice %arg6[%select_n3A_250, %dma_wait3A_269, %dma_wait3A_270] : memref<2x16x128xi32, #tpu.memory_space<vmem>> -> memref<1x16x128xi32, #tpu.memory_space<vmem>>
          %dma_wait3A_272 = tpu.memref_squeeze %dma_wait3A_271 : memref<1x16x128xi32, #tpu.memory_space<vmem>> -> memref<16x128xi32, #tpu.memory_space<vmem>>
          %dma_wait3A_273 = arith.constant 0 : i32
          %dma_wait3A_274 = arith.constant 0 : i32
          %dma_wait3A_275 = tpu.memref_slice %arg3[%run_scoped3A_251, %add3A, %select_n3A_217, %dma_wait3A_273, %dma_wait3A_274] : memref<2x32x5x16x128xi32, #tpu.memory_space<hbm>> -> memref<1x1x1x16x128xi32, #tpu.memory_space<hbm>>
          %dma_wait3A_276 = tpu.memref_squeeze %dma_wait3A_275 : memref<1x1x1x16x128xi32, #tpu.memory_space<hbm>> -> memref<16x128xi32, #tpu.memory_space<hbm>>
          %dma_wait3A_277 = arith.constant 0 : i32
          %dma_wait3A_278 = arith.constant 0 : i32
          %dma_wait3A_279 = tpu.memref_slice %arg6[%select_n3A_250, %dma_wait3A_277, %dma_wait3A_278] : memref<2x16x128xi32, #tpu.memory_space<vmem>> -> memref<1x16x128xi32, #tpu.memory_space<vmem>>
          %dma_wait3A_280 = tpu.memref_squeeze %dma_wait3A_279 : memref<1x16x128xi32, #tpu.memory_space<vmem>> -> memref<16x128xi32, #tpu.memory_space<vmem>>
          %dma_wait3A_281 = arith.constant 0 : i32
          %dma_wait3A_282 = arith.constant 0 : i32
          %dma_wait3A_283 = tpu.memref_slice %arg3[%run_scoped3A_251, %add3A, %select_n3A_217, %dma_wait3A_281, %dma_wait3A_282] : memref<2x32x5x16x128xi32, #tpu.memory_space<hbm>> -> memref<1x1x1x16x128xi32, #tpu.memory_space<hbm>>
          %dma_wait3A_284 = tpu.memref_squeeze %dma_wait3A_283 : memref<1x1x1x16x128xi32, #tpu.memory_space<hbm>> -> memref<16x128xi32, #tpu.memory_space<hbm>>
          tpu.wait_dma2 semaphore(%run_scoped3A_252 : memref<!tpu.dma_semaphore, #tpu.memory_space<semaphore_mem>>) src(%dma_wait3A_284 : memref<16x128xi32, #tpu.memory_space<hbm>>) dst(%dma_wait3A_280 : memref<16x128xi32, #tpu.memory_space<vmem>>)
          tpu.yield
        }) : () -> ()
      } else {
      }
      %lt3A_157 = arith.constant 80 : i32
      %lt3A_158 = arith.cmpi slt, %add3A_46, %lt3A_157 : i32
      %convert_element_type3A_159 = arith.extui %lt3A_158 : i1 to i32
      %cond3A_160 = arith.constant 0 : i32
      %cond3A_161 = arith.cmpi ne, %convert_element_type3A_159, %cond3A_160 : i32
      scf.if %cond3A_161 {
        %jit3A_194 = arith.constant 16 : i32
        %div3A_195 = arith.divsi %add3A_46, %jit3A_194 : i32
        %sign3A_196 = arith.constant 0 : i32
        %sign3A_197 = arith.cmpi sgt, %add3A_46, %sign3A_196 : i32
        %sign3A_198 = arith.extui %sign3A_197 : i1 to i32
        %sign3A_199 = arith.constant 0 : i32
        %sign3A_200 = arith.cmpi slt, %add3A_46, %sign3A_199 : i32
        %sign3A_201 = arith.extui %sign3A_200 : i1 to i32
        %sign3A_202 = arith.subi %sign3A_198, %sign3A_201 : i32
        %sign3A_203 = arith.constant 0 : i32
        %sign3A_204 = arith.cmpi sgt, %jit3A_194, %sign3A_203 : i32
        %sign3A_205 = arith.extui %sign3A_204 : i1 to i32
        %sign3A_206 = arith.constant 0 : i32
        %sign3A_207 = arith.cmpi slt, %jit3A_194, %sign3A_206 : i32
        %sign3A_208 = arith.extui %sign3A_207 : i1 to i32
        %sign3A_209 = arith.subi %sign3A_205, %sign3A_208 : i32
        %ne3A_210 = arith.cmpi ne, %sign3A_202, %sign3A_209 : i32
        %rem3A_211 = arith.remsi %add3A_46, %jit3A_194 : i32
        %ne3A_212 = arith.constant 0 : i32
        %ne3A_213 = arith.cmpi ne, %rem3A_211, %ne3A_212 : i32
        %and3A_214 = arith.andi %ne3A_210, %ne3A_213 : i1
        %sub3A_215 = arith.constant 1 : i32
        %sub3A_216 = arith.subi %div3A_195, %sub3A_215 : i32
        %select_n3A_217 = arith.select %and3A_214, %sub3A_216, %div3A_195 : i32
        %jit3A_218 = arith.constant 2 : i32
        %eq3A_219 = arith.constant 0 : i32
        %eq3A_220 = arith.cmpi eq, %jit3A_218, %eq3A_219 : i32
        %jit3A_221 = arith.constant 1 : i32
        %select_n3A_222 = arith.select %eq3A_220, %jit3A_221, %jit3A_218 : i32
        %rem3A_223 = arith.remsi %select_n3A_217, %select_n3A_222 : i32
        %ne3A_224 = arith.constant 0 : i32
        %ne3A_225 = arith.cmpi ne, %rem3A_223, %ne3A_224 : i32
        %lt3A_226 = arith.constant 0 : i32
        %lt3A_227 = arith.cmpi slt, %rem3A_223, %lt3A_226 : i32
        %lt3A_228 = arith.constant 0 : i32
        %lt3A_229 = arith.cmpi slt, %select_n3A_222, %lt3A_228 : i32
        %ne3A_230 = arith.xori %lt3A_227, %lt3A_229 : i1
        %and3A_231 = arith.andi %ne3A_230, %ne3A_225 : i1
        %add3A_232 = arith.addi %rem3A_223, %select_n3A_222 : i32
        %select_n3A_233 = arith.select %and3A_231, %add3A_232, %rem3A_223 : i32
        %jit3A_234 = arith.constant 16 : i32
        %eq3A_235 = arith.constant 0 : i32
        %eq3A_236 = arith.cmpi eq, %jit3A_234, %eq3A_235 : i32
        %jit3A_237 = arith.constant 1 : i32
        %select_n3A_238 = arith.select %eq3A_236, %jit3A_237, %jit3A_234 : i32
        %rem3A_239 = arith.remsi %add3A_46, %select_n3A_238 : i32
        %ne3A_240 = arith.constant 0 : i32
        %ne3A_241 = arith.cmpi ne, %rem3A_239, %ne3A_240 : i32
        %lt3A_242 = arith.constant 0 : i32
        %lt3A_243 = arith.cmpi slt, %rem3A_239, %lt3A_242 : i32
        %lt3A_244 = arith.constant 0 : i32
        %lt3A_245 = arith.cmpi slt, %select_n3A_238, %lt3A_244 : i32
        %ne3A_246 = arith.xori %lt3A_243, %lt3A_245 : i1
        %and3A_247 = arith.andi %ne3A_246, %ne3A_241 : i1
        %add3A_248 = arith.addi %rem3A_239, %select_n3A_238 : i32
        %select_n3A_249 = arith.select %and3A_247, %add3A_248, %rem3A_239 : i32
        %dma_start3A_250 = arith.constant 0 : i32
        %dma_start3A_251 = arith.constant 0 : i32
        %dma_start3A_252 = arith.constant 0 : i32
        %dma_start3A_253 = tpu.memref_slice %arg7[%dma_start3A_250, %dma_start3A_251, %dma_start3A_252] : memref<2x128x128xf32, #tpu.memory_space<vmem>> -> memref<1x128x128xf32, #tpu.memory_space<vmem>>
        %dma_start3A_254 = tpu.memref_squeeze %dma_start3A_253 : memref<1x128x128xf32, #tpu.memory_space<vmem>> -> memref<128x128xf32, #tpu.memory_space<vmem>>
        %dma_start3A_255 = arith.constant 0 : i32
        %dma_start3A_256 = tpu.memref_slice %arg5[%select_n3A_233, %select_n3A_249, %dma_start3A_255] : memref<2x16x128xi32, #tpu.memory_space<vmem>> -> memref<1x1x128xi32, #tpu.memory_space<vmem>>
        %dma_start3A_257 = tpu.memref_squeeze %dma_start3A_256 : memref<1x1x128xi32, #tpu.memory_space<vmem>> -> memref<128xi32, #tpu.memory_space<vmem>>
        %dma_start3A_258 = arith.constant 0 : i32
        %dma_start3A_259 = arith.constant 0 : i32
        %dma_start3A_260 = tpu.memref_slice %arg2[%dma_start3A_258, %dma_start3A_259] : memref<10000x128xf32, #tpu.memory_space<hbm>> -> memref<10000x128xf32, #tpu.memory_space<hbm>>
        tpu.enqueue_indirect_dma source(%dma_start3A_260 : memref<10000x128xf32, #tpu.memory_space<hbm>>) target(%dma_start3A_254 : memref<128x128xf32, #tpu.memory_space<vmem>>) offsets(%dma_start3A_257 : memref<128xi32, #tpu.memory_space<vmem>>) semaphore(%arg9 : memref<!tpu.dma_semaphore, #tpu.memory_space<semaphore_mem>>)
      } else {
      }
      %dma_wait3A_162 = arith.constant 1 : i32
      %dma_wait3A_163 = arith.constant 0 : i32
      %dma_wait3A_164 = arith.constant 0 : i32
      %dma_wait3A_165 = tpu.memref_slice %arg7[%dma_wait3A_162, %dma_wait3A_163, %dma_wait3A_164] : memref<2x128x128xf32, #tpu.memory_space<vmem>> -> memref<1x128x128xf32, #tpu.memory_space<vmem>>
      %dma_wait3A_166 = tpu.memref_squeeze %dma_wait3A_165 : memref<1x128x128xf32, #tpu.memory_space<vmem>> -> memref<128x128xf32, #tpu.memory_space<vmem>>
      %dma_wait3A_167 = arith.constant 0 : i32
      %dma_wait3A_168 = arith.constant 0 : i32
      %dma_wait3A_169 = tpu.memref_slice %arg2[%dma_wait3A_167, %dma_wait3A_168] : memref<10000x128xf32, #tpu.memory_space<hbm>> -> memref<128x128xf32, #tpu.memory_space<hbm>>
      %dma_wait3A_170 = arith.constant 0 : i32
      %dma_wait3A_171 = arith.constant 0 : i32
      %dma_wait3A_172 = tpu.memref_slice %arg7[%dma_wait3A_162, %dma_wait3A_170, %dma_wait3A_171] : memref<2x128x128xf32, #tpu.memory_space<vmem>> -> memref<1x128x128xf32, #tpu.memory_space<vmem>>
      %dma_wait3A_173 = tpu.memref_squeeze %dma_wait3A_172 : memref<1x128x128xf32, #tpu.memory_space<vmem>> -> memref<128x128xf32, #tpu.memory_space<vmem>>
      %dma_wait3A_174 = arith.constant 0 : i32
      %dma_wait3A_175 = arith.constant 0 : i32
      %dma_wait3A_176 = tpu.memref_slice %arg2[%dma_wait3A_174, %dma_wait3A_175] : memref<10000x128xf32, #tpu.memory_space<hbm>> -> memref<128x128xf32, #tpu.memory_space<hbm>>
      tpu.wait_dma2 semaphore(%arg10 : memref<!tpu.dma_semaphore, #tpu.memory_space<semaphore_mem>>) src(%dma_wait3A_176 : memref<128x128xf32, #tpu.memory_space<hbm>>) dst(%dma_wait3A_173 : memref<128x128xf32, #tpu.memory_space<vmem>>)
      %jit3A_177 = arith.constant 16 : i32
      %eq3A_178 = arith.constant 0 : i32
      %eq3A_179 = arith.cmpi eq, %jit3A_177, %eq3A_178 : i32
      %jit3A_180 = arith.constant 1 : i32
      %select_n3A_181 = arith.select %eq3A_179, %jit3A_180, %jit3A_177 : i32
      %rem3A_182 = arith.remsi %add3A_44, %select_n3A_181 : i32
      %ne3A_183 = arith.constant 0 : i32
      %ne3A_184 = arith.cmpi ne, %rem3A_182, %ne3A_183 : i32
      %lt3A_185 = arith.constant 0 : i32
      %lt3A_186 = arith.cmpi slt, %rem3A_182, %lt3A_185 : i32
      %lt3A_187 = arith.constant 0 : i32
      %lt3A_188 = arith.cmpi slt, %select_n3A_181, %lt3A_187 : i32
      %ne3A_189 = arith.xori %lt3A_186, %lt3A_188 : i1
      %and3A_190 = arith.andi %ne3A_189, %ne3A_184 : i1
      %add3A_191 = arith.addi %rem3A_182, %select_n3A_181 : i32
      %select_n3A_192 = arith.select %and3A_190, %add3A_191, %rem3A_182 : i32
      %run_scoped3A_193 = arith.constant 1 : i32
      "tpu.region"() ({
        %run_scoped3A_194 = tpu.sem_alloc : memref<!tpu.dma_semaphore, #tpu.memory_space<semaphore_mem>>
        %dma_start3A_195 = arith.constant 0 : i32
        %dma_start3A_196 = arith.constant 0 : i32
        %dma_start3A_197 = tpu.memref_slice %arg7[%run_scoped3A_193, %dma_start3A_195, %dma_start3A_196] : memref<2x128x128xf32, #tpu.memory_space<vmem>> -> memref<1x128x128xf32, #tpu.memory_space<vmem>>
        %dma_start3A_198 = tpu.memref_squeeze %dma_start3A_197 : memref<1x128x128xf32, #tpu.memory_space<vmem>> -> memref<128x128xf32, #tpu.memory_space<vmem>>
        %dma_start3A_199 = arith.constant 0 : i32
        %dma_start3A_200 = tpu.memref_slice %arg6[%select_n3A_76, %select_n3A_192, %dma_start3A_199] : memref<2x16x128xi32, #tpu.memory_space<vmem>> -> memref<1x1x128xi32, #tpu.memory_space<vmem>>
        %dma_start3A_201 = tpu.memref_squeeze %dma_start3A_200 : memref<1x1x128xi32, #tpu.memory_space<vmem>> -> memref<128xi32, #tpu.memory_space<vmem>>
        %dma_start3A_202 = arith.constant 0 : i32
        %dma_start3A_203 = arith.constant 0 : i32
        %dma_start3A_204 = tpu.memref_slice %arg8[%dma_start3A_202, %dma_start3A_203] : memref<10240x128xf32, #tpu.memory_space<vmem_shared>> -> memref<10240x128xf32, #tpu.memory_space<vmem_shared>>
        tpu.enqueue_indirect_dma source(%dma_start3A_198 : memref<128x128xf32, #tpu.memory_space<vmem>>) target(%dma_start3A_204 : memref<10240x128xf32, #tpu.memory_space<vmem_shared>>) offsets(%dma_start3A_201 : memref<128xi32, #tpu.memory_space<vmem>>) semaphore(%run_scoped3A_194 : memref<!tpu.dma_semaphore, #tpu.memory_space<semaphore_mem>>) {add = true}
        %dma_wait3A_205 = arith.constant 0 : i32
        %dma_wait3A_206 = arith.constant 0 : i32
        %dma_wait3A_207 = tpu.memref_slice %arg7[%run_scoped3A_193, %dma_wait3A_205, %dma_wait3A_206] : memref<2x128x128xf32, #tpu.memory_space<vmem>> -> memref<1x128x128xf32, #tpu.memory_space<vmem>>
        %dma_wait3A_208 = tpu.memref_squeeze %dma_wait3A_207 : memref<1x128x128xf32, #tpu.memory_space<vmem>> -> memref<128x128xf32, #tpu.memory_space<vmem>>
        %dma_wait3A_209 = arith.constant 0 : i32
        %dma_wait3A_210 = tpu.memref_slice %arg6[%select_n3A_76, %select_n3A_192, %dma_wait3A_209] : memref<2x16x128xi32, #tpu.memory_space<vmem>> -> memref<1x1x128xi32, #tpu.memory_space<vmem>>
        %dma_wait3A_211 = tpu.memref_squeeze %dma_wait3A_210 : memref<1x1x128xi32, #tpu.memory_space<vmem>> -> memref<128xi32, #tpu.memory_space<vmem>>
        %dma_wait3A_212 = arith.constant 0 : i32
        %dma_wait3A_213 = arith.constant 0 : i32
        %dma_wait3A_214 = tpu.memref_slice %arg8[%dma_wait3A_212, %dma_wait3A_213] : memref<10240x128xf32, #tpu.memory_space<vmem_shared>> -> memref<10240x128xf32, #tpu.memory_space<vmem_shared>>
        tpu.wait_indirect_dma semaphore(%run_scoped3A_194 : memref<!tpu.dma_semaphore, #tpu.memory_space<semaphore_mem>>) src(%dma_wait3A_208 : memref<128x128xf32, #tpu.memory_space<vmem>>) dst(%dma_wait3A_214 : memref<10240x128xf32, #tpu.memory_space<vmem_shared>>)
        tpu.yield
      }) : () -> ()
    }
    %scan3A_34 = arith.constant 40 : i32
    %barrier3A_35 = arith.constant 0 : index
    tpu.barrier barrier_id(%barrier3A_35)
    %mul3A_36 = arith.constant 640 : i32
    %mul3A_37 = arith.muli %arg1, %mul3A_36 : i32
    %mul3A_38 = arith.constant 640 : i32
    %mul3A_39 = arith.muli %arg1, %mul3A_38 : i32
    "tpu.region"() ({
      %run_scoped3A_40 = tpu.sem_alloc : memref<!tpu.dma_semaphore, #tpu.memory_space<semaphore_mem>>
      %dma_start3A_41 = arith.constant 0 : i32
      %dma_start3A_42 = tpu.memref_slice %arg4[%arg0, %mul3A_39, %dma_start3A_41] : memref<2x10240x128xf32, #tpu.memory_space<hbm>> -> memref<1x640x128xf32, #tpu.memory_space<hbm>>
      %dma_start3A_43 = tpu.memref_squeeze %dma_start3A_42 : memref<1x640x128xf32, #tpu.memory_space<hbm>> -> memref<640x128xf32, #tpu.memory_space<hbm>>
      %dma_start3A_44 = arith.constant 0 : i32
      %dma_start3A_45 = tpu.memref_slice %arg8[%mul3A_37, %dma_start3A_44] : memref<10240x128xf32, #tpu.memory_space<vmem_shared>> -> memref<640x128xf32, #tpu.memory_space<vmem_shared>>
      tpu.enqueue_dma source(%dma_start3A_45 : memref<640x128xf32, #tpu.memory_space<vmem_shared>>) target(%dma_start3A_43 : memref<640x128xf32, #tpu.memory_space<hbm>>) target_semaphore(%run_scoped3A_40 : memref<!tpu.dma_semaphore, #tpu.memory_space<semaphore_mem>>)
      %dma_wait3A = arith.constant 0 : i32
      %dma_wait3A_46 = tpu.memref_slice %arg4[%arg0, %mul3A_39, %dma_wait3A] : memref<2x10240x128xf32, #tpu.memory_space<hbm>> -> memref<1x640x128xf32, #tpu.memory_space<hbm>>
      %dma_wait3A_47 = tpu.memref_squeeze %dma_wait3A_46 : memref<1x640x128xf32, #tpu.memory_space<hbm>> -> memref<640x128xf32, #tpu.memory_space<hbm>>
      %dma_wait3A_48 = arith.constant 0 : i32
      %dma_wait3A_49 = tpu.memref_slice %arg8[%mul3A_37, %dma_wait3A_48] : memref<10240x128xf32, #tpu.memory_space<vmem_shared>> -> memref<640x128xf32, #tpu.memory_space<vmem_shared>>
      tpu.wait_dma2 semaphore(%run_scoped3A_40 : memref<!tpu.dma_semaphore, #tpu.memory_space<semaphore_mem>>) src(%dma_wait3A_49 : memref<640x128xf32, #tpu.memory_space<vmem_shared>>) dst(%dma_wait3A_47 : memref<640x128xf32, #tpu.memory_space<hbm>>)
      tpu.yield
    }) : () -> ()
    return
  }
}

module attributes {stable_mosaic.version = 14 : i64} {
  func.func @_prep_body(%arg0: i32, %arg1: memref<2048x128xf32, #tpu.memory_space<vmem>>, %arg2: memref<2048xf32, #tpu.memory_space<vmem>>, %arg3: memref<2048xf32, #tpu.memory_space<vmem>>, %arg4: memref<2048x128xf32, #tpu.memory_space<vmem>>) attributes {dimension_semantics = [#tpu.dimension_semantics<arbitrary>], iteration_bounds = array<i64: 5>, scalar_prefetch = 0 : i64, scratch_operands = 0 : i64, tpu.core_type = #tpu.core_type<tc>, window_params = [{transform_indices = @transform_0, window_bounds = array<i64: 2048, 128>}, {transform_indices = @transform_1, window_bounds = array<i64: 2048>}, {transform_indices = @transform_2, window_bounds = array<i64: 2048>}, {transform_indices = @transform_3, window_bounds = array<i64: 2048, 128>}]} {
    %get3A = arith.constant 0 : index
    %get3A_0 = arith.constant 0 : index
    %get3A_1 = vector.load %arg1[%get3A, %get3A_0] : memref<2048x128xf32, #tpu.memory_space<vmem>>, vector<2048x128xf32>
    %get3A_2 = arith.constant 0 : index
    %get3A_3 = vector.load %arg2[%get3A_2] : memref<2048xf32, #tpu.memory_space<vmem>>, vector<2048xf32>
    %get3A_4 = arith.constant 0 : index
    %get3A_5 = vector.load %arg3[%get3A_4] : memref<2048xf32, #tpu.memory_space<vmem>>, vector<2048xf32>
    %add3A = arith.addf %get3A_3, %get3A_5 : vector<2048xf32>
    %add3A_6 = arith.constant 1.000000e+00 : f32
    %add3A_7 = vector.broadcast %add3A_6 : f32 to vector<2048xf32>
    %add3A_8 = arith.addf %add3A, %add3A_7 : vector<2048xf32>
    %max3A = arith.constant 9.99999996E-13 : f32
    %max3A_9 = vector.broadcast %max3A : f32 to vector<2048xf32>
    %max3A_10 = arith.maximumf %add3A_8, %max3A_9 : vector<2048xf32>
    %rsqrt3A = math.rsqrt %max3A_10 : vector<2048xf32>
    %reshape3A = vector.shape_cast %rsqrt3A : vector<2048xf32> to vector<2048x1xf32>
    %mul3A = vector.broadcast %reshape3A : vector<2048x1xf32> to vector<2048x128xf32>
    %mul3A_11 = arith.mulf %get3A_1, %mul3A : vector<2048x128xf32>
    %swap3A = arith.constant 0 : index
    %swap3A_12 = arith.constant 0 : index
    %swap3A_13 = vector.load %arg4[%swap3A, %swap3A_12] : memref<2048x128xf32, #tpu.memory_space<vmem>>, vector<2048x128xf32>
    tpu.vector_store %arg4[%swap3A, %swap3A_12], %mul3A_11 {strides = array<i32>} : memref<2048x128xf32, #tpu.memory_space<vmem>>, vector<2048x128xf32>,
    return
  }
  func.func @transform_0(%arg0: i32) -> (i32, i32) {
    %c0_i32 = arith.constant 0 : i32
    %c0_i32_0 = arith.constant 0 : i32
    return %arg0, %c0_i32 : i32, i32
  }
  func.func @transform_1(%arg0: i32) -> i32 {
    %c0_i32 = arith.constant 0 : i32
    return %arg0 : i32
  }
  func.func @transform_2(%arg0: i32) -> i32 {
    %add3A = arith.constant 5 : i32
    %add3A_0 = arith.addi %arg0, %add3A : i32
    %c0_i32 = arith.constant 0 : i32
    return %add3A_0 : i32
  }
  func.func @transform_3(%arg0: i32) -> (i32, i32) {
    %c0_i32 = arith.constant 0 : i32
    %c0_i32_0 = arith.constant 0 : i32
    return %arg0, %c0_i32 : i32, i32
  }
}

module attributes {stable_mosaic.version = 14 : i64} {
  func.func @_dense_body(%arg0: i32, %arg1: memref<1x2048x128xf32, #tpu.memory_space<vmem>>, %arg2: memref<1x2048x128xf32, #tpu.memory_space<vmem>>, %arg3: memref<2048x128xf32, #tpu.memory_space<vmem>>, %arg4: memref<2048xf32, #tpu.memory_space<vmem>>, %arg5: memref<2048xf32, #tpu.memory_space<vmem>>, %arg6: memref<128x256xf32, #tpu.memory_space<vmem>>, %arg7: memref<1x256xf32, #tpu.memory_space<vmem>>, %arg8: memref<256x128xf32, #tpu.memory_space<vmem>>, %arg9: memref<2048x128xf32, #tpu.memory_space<vmem>>) attributes {dimension_semantics = [#tpu.dimension_semantics<arbitrary>], iteration_bounds = array<i64: 5>, scalar_prefetch = 0 : i64, scratch_operands = 0 : i64, tpu.core_type = #tpu.core_type<tc>, window_params = [{transform_indices = @transform_0, window_bounds = array<i64: 1, 2048, 128>}, {transform_indices = @transform_1, window_bounds = array<i64: 1, 2048, 128>}, {transform_indices = @transform_2, window_bounds = array<i64: 2048, 128>}, {transform_indices = @transform_3, window_bounds = array<i64: 2048>}, {transform_indices = @transform_4, window_bounds = array<i64: 2048>}, {pipeline_mode = #tpu.pipeline_mode<synchronous>, transform_indices = @transform_5, window_bounds = array<i64: 128, 256>}, {pipeline_mode = #tpu.pipeline_mode<synchronous>, transform_indices = @transform_6, window_bounds = array<i64: 1, 256>}, {pipeline_mode = #tpu.pipeline_mode<synchronous>, transform_indices = @transform_7, window_bounds = array<i64: 256, 128>}, {transform_indices = @transform_8, window_bounds = array<i64: 2048, 128>}]} {
    %get3A = arith.constant 0 : index
    %get3A_0 = vector.load %arg4[%get3A] : memref<2048xf32, #tpu.memory_space<vmem>>, vector<2048xf32>
    %get3A_1 = arith.constant 0 : index
    %get3A_2 = vector.load %arg5[%get3A_1] : memref<2048xf32, #tpu.memory_space<vmem>>, vector<2048xf32>
    %add3A = arith.addf %get3A_0, %get3A_2 : vector<2048xf32>
    %add3A_3 = arith.constant 1.000000e+00 : f32
    %add3A_4 = vector.broadcast %add3A_3 : f32 to vector<2048xf32>
    %add3A_5 = arith.addf %add3A, %add3A_4 : vector<2048xf32>
    %max3A = arith.constant 9.99999996E-13 : f32
    %max3A_6 = vector.broadcast %max3A : f32 to vector<2048xf32>
    %max3A_7 = arith.maximumf %add3A_5, %max3A_6 : vector<2048xf32>
    %rsqrt3A = math.rsqrt %max3A_7 : vector<2048xf32>
    %reshape3A = vector.shape_cast %rsqrt3A : vector<2048xf32> to vector<2048x1xf32>
    %get3A_8 = arith.constant 0 : index
    %get3A_9 = arith.constant 0 : index
    %get3A_10 = arith.constant 0 : index
    %get3A_11 = vector.load %arg1[%get3A_8, %get3A_9, %get3A_10] : memref<1x2048x128xf32, #tpu.memory_space<vmem>>, vector<1x2048x128xf32>
    %get3A_12 = vector.shape_cast %get3A_11 : vector<1x2048x128xf32> to vector<2048x128xf32>
    %get3A_13 = arith.constant 0 : index
    %get3A_14 = arith.constant 0 : index
    %get3A_15 = arith.constant 0 : index
    %get3A_16 = vector.load %arg2[%get3A_13, %get3A_14, %get3A_15] : memref<1x2048x128xf32, #tpu.memory_space<vmem>>, vector<1x2048x128xf32>
    %get3A_17 = vector.shape_cast %get3A_16 : vector<1x2048x128xf32> to vector<2048x128xf32>
    %add3A_18 = arith.addf %get3A_12, %get3A_17 : vector<2048x128xf32>
    %get3A_19 = arith.constant 0 : index
    %get3A_20 = arith.constant 0 : index
    %get3A_21 = vector.load %arg3[%get3A_19, %get3A_20] : memref<2048x128xf32, #tpu.memory_space<vmem>>, vector<2048x128xf32>
    %add3A_22 = arith.addf %add3A_18, %get3A_21 : vector<2048x128xf32>
    %mul3A = vector.broadcast %reshape3A : vector<2048x1xf32> to vector<2048x128xf32>
    %mul3A_23 = arith.mulf %add3A_22, %mul3A : vector<2048x128xf32>
    %get3A_24 = arith.constant 0 : index
    %get3A_25 = arith.constant 0 : index
    %get3A_26 = vector.load %arg6[%get3A_24, %get3A_25] : memref<128x256xf32, #tpu.memory_space<vmem>>, vector<128x256xf32>
    %dot_general3A = arith.constant dense<0.000000e+00> : vector<2048x256xf32>
    %dot_general3A_27 = tpu.matmul %mul3A_23, %get3A_26, %dot_general3A {dimension_numbers = #tpu.dot_dimension_numbers<[1], [0], [0], [1], [0, 0, 1, 1], [], []>, transpose_lhs_hint = false} : vector<2048x128xf32>, vector<128x256xf32>, vector<2048x256xf32> -> vector<2048x256xf32>
    %get3A_28 = arith.constant 0 : index
    %get3A_29 = arith.constant 0 : index
    %get3A_30 = vector.load %arg7[%get3A_28, %get3A_29] : memref<1x256xf32, #tpu.memory_space<vmem>>, vector<1x256xf32>
    %add3A_31 = vector.broadcast %get3A_30 : vector<1x256xf32> to vector<2048x256xf32>
    %add3A_32 = arith.addf %dot_general3A_27, %add3A_31 : vector<2048x256xf32>
    %max3A_33 = arith.constant 0.000000e+00 : f32
    %max3A_34 = vector.broadcast %max3A_33 : f32 to vector<2048x256xf32>
    %max3A_35 = arith.maximumf %add3A_32, %max3A_34 : vector<2048x256xf32>
    %get3A_36 = arith.constant 0 : index
    %get3A_37 = arith.constant 0 : index
    %get3A_38 = vector.load %arg8[%get3A_36, %get3A_37] : memref<256x128xf32, #tpu.memory_space<vmem>>, vector<256x128xf32>
    %dot_general3A_39 = arith.constant dense<0.000000e+00> : vector<2048x128xf32>
    %dot_general3A_40 = tpu.matmul %max3A_35, %get3A_38, %dot_general3A_39 {dimension_numbers = #tpu.dot_dimension_numbers<[1], [0], [0], [1], [0, 0, 1, 1], [], []>, transpose_lhs_hint = false} : vector<2048x256xf32>, vector<256x128xf32>, vector<2048x128xf32> -> vector<2048x128xf32>
    %mul3A_41 = vector.broadcast %reshape3A : vector<2048x1xf32> to vector<2048x128xf32>
    %mul3A_42 = arith.mulf %dot_general3A_40, %mul3A_41 : vector<2048x128xf32>
    %swap3A = arith.constant 0 : index
    %swap3A_43 = arith.constant 0 : index
    %swap3A_44 = vector.load %arg9[%swap3A, %swap3A_43] : memref<2048x128xf32, #tpu.memory_space<vmem>>, vector<2048x128xf32>
    tpu.vector_store %arg9[%swap3A, %swap3A_43], %mul3A_42 {strides = array<i32>} : memref<2048x128xf32, #tpu.memory_space<vmem>>, vector<2048x128xf32>,
    return
  }
  func.func @transform_0(%arg0: i32) -> (i32, i32, i32) {
    %c0_i32 = arith.constant 0 : i32
    %c0_i32_0 = arith.constant 0 : i32
    %c0_i32_1 = arith.constant 0 : i32
    return %c0_i32, %arg0, %c0_i32_0 : i32, i32, i32
  }
  func.func @transform_1(%arg0: i32) -> (i32, i32, i32) {
    %c1_i32 = arith.constant 1 : i32
    %c0_i32 = arith.constant 0 : i32
    %c0_i32_0 = arith.constant 0 : i32
    return %c1_i32, %arg0, %c0_i32 : i32, i32, i32
  }
  func.func @transform_2(%arg0: i32) -> (i32, i32) {
    %c0_i32 = arith.constant 0 : i32
    %c0_i32_0 = arith.constant 0 : i32
    return %arg0, %c0_i32 : i32, i32
  }
  func.func @transform_3(%arg0: i32) -> i32 {
    %c0_i32 = arith.constant 0 : i32
    return %arg0 : i32
  }
  func.func @transform_4(%arg0: i32) -> i32 {
    %add3A = arith.constant 5 : i32
    %add3A_0 = arith.addi %arg0, %add3A : i32
    %c0_i32 = arith.constant 0 : i32
    return %add3A_0 : i32
  }
  func.func @transform_5(%arg0: i32) -> (i32, i32) {
    %c0_i32 = arith.constant 0 : i32
    %c0_i32_0 = arith.constant 0 : i32
    %c0_i32_1 = arith.constant 0 : i32
    return %c0_i32, %c0_i32_0 : i32, i32
  }
  func.func @transform_6(%arg0: i32) -> (i32, i32) {
    %c0_i32 = arith.constant 0 : i32
    %c0_i32_0 = arith.constant 0 : i32
    %c0_i32_1 = arith.constant 0 : i32
    return %c0_i32, %c0_i32_0 : i32, i32
  }
  func.func @transform_7(%arg0: i32) -> (i32, i32) {
    %c0_i32 = arith.constant 0 : i32
    %c0_i32_0 = arith.constant 0 : i32
    %c0_i32_1 = arith.constant 0 : i32
    return %c0_i32, %c0_i32_0 : i32, i32
  }
  func.func @transform_8(%arg0: i32) -> (i32, i32) {
    %c0_i32 = arith.constant 0 : i32
    %c0_i32_0 = arith.constant 0 : i32
    return %arg0, %c0_i32 : i32, i32
  }
}

module attributes {stable_mosaic.version = 14 : i64} {
  func.func @_final_body(%arg0: i32, %arg1: memref<1x2048x128xf32, #tpu.memory_space<vmem>>, %arg2: memref<1x2048x128xf32, #tpu.memory_space<vmem>>, %arg3: memref<2048x128xf32, #tpu.memory_space<vmem>>, %arg4: memref<2048xf32, #tpu.memory_space<vmem>>, %arg5: memref<2048xf32, #tpu.memory_space<vmem>>, %arg6: memref<1x128xf32, #tpu.memory_space<vmem>>, %arg7: memref<2048x128xf32, #tpu.memory_space<vmem>>) attributes {dimension_semantics = [#tpu.dimension_semantics<arbitrary>], iteration_bounds = array<i64: 5>, scalar_prefetch = 0 : i64, scratch_operands = 0 : i64, tpu.core_type = #tpu.core_type<tc>, window_params = [{transform_indices = @transform_0, window_bounds = array<i64: 1, 2048, 128>}, {transform_indices = @transform_1, window_bounds = array<i64: 1, 2048, 128>}, {transform_indices = @transform_2, window_bounds = array<i64: 2048, 128>}, {transform_indices = @transform_3, window_bounds = array<i64: 2048>}, {transform_indices = @transform_4, window_bounds = array<i64: 2048>}, {pipeline_mode = #tpu.pipeline_mode<synchronous>, transform_indices = @transform_5, window_bounds = array<i64: 1, 128>}, {transform_indices = @transform_6, window_bounds = array<i64: 2048, 128>}]} {
    %get3A = arith.constant 0 : index
    %get3A_0 = vector.load %arg4[%get3A] : memref<2048xf32, #tpu.memory_space<vmem>>, vector<2048xf32>
    %get3A_1 = arith.constant 0 : index
    %get3A_2 = vector.load %arg5[%get3A_1] : memref<2048xf32, #tpu.memory_space<vmem>>, vector<2048xf32>
    %add3A = arith.addf %get3A_0, %get3A_2 : vector<2048xf32>
    %add3A_3 = arith.constant 1.000000e+00 : f32
    %add3A_4 = vector.broadcast %add3A_3 : f32 to vector<2048xf32>
    %add3A_5 = arith.addf %add3A, %add3A_4 : vector<2048xf32>
    %max3A = arith.constant 9.99999996E-13 : f32
    %max3A_6 = vector.broadcast %max3A : f32 to vector<2048xf32>
    %max3A_7 = arith.maximumf %add3A_5, %max3A_6 : vector<2048xf32>
    %rsqrt3A = math.rsqrt %max3A_7 : vector<2048xf32>
    %reshape3A = vector.shape_cast %rsqrt3A : vector<2048xf32> to vector<2048x1xf32>
    %get3A_8 = arith.constant 0 : index
    %get3A_9 = arith.constant 0 : index
    %get3A_10 = arith.constant 0 : index
    %get3A_11 = vector.load %arg1[%get3A_8, %get3A_9, %get3A_10] : memref<1x2048x128xf32, #tpu.memory_space<vmem>>, vector<1x2048x128xf32>
    %get3A_12 = vector.shape_cast %get3A_11 : vector<1x2048x128xf32> to vector<2048x128xf32>
    %get3A_13 = arith.constant 0 : index
    %get3A_14 = arith.constant 0 : index
    %get3A_15 = arith.constant 0 : index
    %get3A_16 = vector.load %arg2[%get3A_13, %get3A_14, %get3A_15] : memref<1x2048x128xf32, #tpu.memory_space<vmem>>, vector<1x2048x128xf32>
    %get3A_17 = vector.shape_cast %get3A_16 : vector<1x2048x128xf32> to vector<2048x128xf32>
    %add3A_18 = arith.addf %get3A_12, %get3A_17 : vector<2048x128xf32>
    %get3A_19 = arith.constant 0 : index
    %get3A_20 = arith.constant 0 : index
    %get3A_21 = vector.load %arg3[%get3A_19, %get3A_20] : memref<2048x128xf32, #tpu.memory_space<vmem>>, vector<2048x128xf32>
    %add3A_22 = arith.addf %add3A_18, %get3A_21 : vector<2048x128xf32>
    %mul3A = vector.broadcast %reshape3A : vector<2048x1xf32> to vector<2048x128xf32>
    %mul3A_23 = arith.mulf %add3A_22, %mul3A : vector<2048x128xf32>
    %get3A_24 = arith.constant 0 : index
    %get3A_25 = arith.constant 0 : index
    %get3A_26 = vector.load %arg6[%get3A_24, %get3A_25] : memref<1x128xf32, #tpu.memory_space<vmem>>, vector<1x128xf32>
    %add3A_27 = vector.broadcast %get3A_26 : vector<1x128xf32> to vector<2048x128xf32>
    %add3A_28 = arith.addf %mul3A_23, %add3A_27 : vector<2048x128xf32>
    %swap3A = arith.constant 0 : index
    %swap3A_29 = arith.constant 0 : index
    %swap3A_30 = vector.load %arg7[%swap3A, %swap3A_29] : memref<2048x128xf32, #tpu.memory_space<vmem>>, vector<2048x128xf32>
    tpu.vector_store %arg7[%swap3A, %swap3A_29], %add3A_28 {strides = array<i32>} : memref<2048x128xf32, #tpu.memory_space<vmem>>, vector<2048x128xf32>,
    return
  }
  func.func @transform_0(%arg0: i32) -> (i32, i32, i32) {
    %c0_i32 = arith.constant 0 : i32
    %c0_i32_0 = arith.constant 0 : i32
    %c0_i32_1 = arith.constant 0 : i32
    return %c0_i32, %arg0, %c0_i32_0 : i32, i32, i32
  }
  func.func @transform_1(%arg0: i32) -> (i32, i32, i32) {
    %c1_i32 = arith.constant 1 : i32
    %c0_i32 = arith.constant 0 : i32
    %c0_i32_0 = arith.constant 0 : i32
    return %c1_i32, %arg0, %c0_i32 : i32, i32, i32
  }
  func.func @transform_2(%arg0: i32) -> (i32, i32) {
    %c0_i32 = arith.constant 0 : i32
    %c0_i32_0 = arith.constant 0 : i32
    return %arg0, %c0_i32 : i32, i32
  }
  func.func @transform_3(%arg0: i32) -> i32 {
    %c0_i32 = arith.constant 0 : i32
    return %arg0 : i32
  }
  func.func @transform_4(%arg0: i32) -> i32 {
    %add3A = arith.constant 5 : i32
    %add3A_0 = arith.addi %arg0, %add3A : i32
    %c0_i32 = arith.constant 0 : i32
    return %add3A_0 : i32
  }
  func.func @transform_5(%arg0: i32) -> (i32, i32) {
    %c0_i32 = arith.constant 0 : i32
    %c0_i32_0 = arith.constant 0 : i32
    %c0_i32_1 = arith.constant 0 : i32
    return %c0_i32, %c0_i32_0 : i32, i32
  }
  func.func @transform_6(%arg0: i32) -> (i32, i32) {
    %c0_i32 = arith.constant 0 : i32
    %c0_i32_0 = arith.constant 0 : i32
    return %arg0, %c0_i32 : i32, i32
  }
}

</mosaic_0001>

<sc_bundles>
// kernel: kernel.11.cloned.1.call-start
scs
__scs_entry_jumppad:
0x0: {  	(pc) =	sbr.rel $0x88, $3  }
0x1: {  	(tag) =	ssettag $0x0;
	lr =	simm.s32 $0x1  }
0x2: {  	[smem:$0x3F9B] =	sst lr;
	_ =	strace $0xD0000000  }
0x3: {  	_ = 	snop  }
0x4: {  	_ = 	snop  }
0x5: {  	_ = 	snop  }
0x6: {  	_ = 	snop  }
0x7: {  	_ = 	snop  }
__scs_overlays_trampoline_lowered:
0x8: {  	[smem:$0x3FAA] =	sst s0  }
0x9: {  	[smem:$0x3FAB] =	sst s1  }
0xa: {  	[smem:$0x3FAC] =	sst s2  }
0xb: {  	[smem:$0x3FAD] =	sst s3  }
0xc: {  	[smem:$0x3FAE] =	sst s4  }
0xd: {  	[smem:$0x3FAF] =	sst s5  }
0xe: {  	[smem:$0x3FB0] =	sst s6  }
0xf: {  	[smem:$0x3FB1] =	sst s7  }
0x10: {  	[smem:$0x3FB2] =	sst s8  }
0x11: {  	[smem:$0x3FB3] =	sst s9;
	s0 =	simm.s32 @!p0 $0x0  }
0x12: {  	s1 =	sld [smem:$0x3F99];
	s0 =	simm.s32 @p0 $0x1  }
0x13: {  	[smem:$0x3FB4] =	sst s0;
	s0 =	simm.s32 @!p1 $0x0  }
0x14: {  	s2 =	sld [smem:$0x3F98];
	s0 =	simm.s32 @p1 $0x1  }
0x15: {  	[smem:$0x3FB5] =	sst s0;
	s0 =	simm.s32 @!p2 $0x0  }
0x16: {  	s3 =	sld [smem:$0x3FDB];
	s0 =	simm.s32 @p2 $0x1  }
0x17: {  	s4 =	simm.s32 $0x1BF5;
	[smem:$0x3FB7] =	sst s0  }
0x18: {  	s0 =	sld [smem:$0x3F9A];
	_ =	swait.ge [sflag:s4], $0x0  }
0x19: {  	s7 =	sld [smem:$0x3F9B]  }
0x1a: {  	s8 =	sadd.s32 $0xFFFFE003, lr  }
0x1b: {  	s9 =	sadd.s32 $0xFFFFFEF7, lr;
	s5 =	simm.s32 $0xFFFFFFFF;
	p2 =	slt.u32 s8, $0xFFFFF086  }
0x1c: {  	p1 =	slt.u32 s9, $0xF7A;
	s5 =	simm.s32 @!p2 $0x0  }
0x1d: {  	s5 =	simm.s32 @p1 $0x1;
	p0 =	seq.s32 s7, s2  }
0x1e: {  	s7 =	smul.u32 @!p0 $0xF7A, s2;
	p2 =	seq.s32 @!p0 s5, $0x0  }
0x1f: {  	s9 =	smul.u32 $0xF7A, s1;
	s8 =	simm.s32 @!p0 $0x1BF5;
	p2 =	por !p2, p0  }
0x20: {  	[sflag:s8] =	ssyncset.s32 @!p0 $0xFFFFF086;
	s6 =	sadd.s32 @!p0 s3, s7;
	s7 =	simm.s32 @!p0 $0x108  }
0x21: {  	s3 =	sadd.s32 s3, s9;
	s6 =	sadd.s32 @!p0 $0x88, s6;
	s7 =	simm.s32 @p2 $0x1082  }
0x22: {  	[simem:s7], [sflag:s8] =	dma.local @!p0 [hbm:s6], $0xF7A  }
0x23: {  	s9 =	sor.u32 $0xD0000000, s2;
	s6 =	simm.s32 $0x108;
	_ =	swait.ge @!p0 [sflag:s8], $0x0  }
0x24: {  	s3 =	sadd.s32 $0x88, s3;
	s6 =	simm.s32 @!p1 $0x1082;
	[sflag:s4] =	ssyncset.s32 $0xFFFFF086  }
0x25: {  	[simem:s6], [sflag:s4] =	dma.local [hbm:s3], $0xF7A  }
0x26: {  	[smem:$0x3F9B] =	sst s1;
	(tag) =	ssettag s2;
	_ =	strace s9  }
0x27: {  	s1 =	sld [smem:$0x3FAB]  }
0x28: {  	s2 =	sld [smem:$0x3FAC]  }
0x29: {  	s4 =	sld [smem:$0x3FAE]  }
0x2a: {  	p0 =	seq.s32 s5, $0x0;
	s5 =	sld [smem:$0x3FAF]  }
0x2b: {  	s6 =	sld [smem:$0x3FB0]  }
0x2c: {  	s7 =	sld [smem:$0x3FB1]  }
0x2d: {  	s3 =	simm.s32 $0x108;
	s8 =	sld [smem:$0x3FB2]  }
0x2e: {  	s3 =	simm.s32 @!p0 $0x1082;
	s9 =	sld [smem:$0x3FB3]  }
0x2f: {  	lr =	sadd.s32 s0, s3;
	s0 =	sld [smem:$0x3FAA]  }
0x30: {  	s3 =	sld [smem:$0x3FAD]  }
0x31: {  	[smem:$0x3FB6] =	sst s10  }
0x32: {  	s10 =	sld [smem:$0x3FB4];
	_ =	sdelay $0x3  }
0x33: {  	p0 =	seq.s32 s10, $0x1;
	s10 =	sld [smem:$0x3FB6];
	_ =	sdelay $0x3  }
0x34: {  	[smem:$0x3FB6] =	sst s10  }
0x35: {  	s10 =	sld [smem:$0x3FB5];
	_ =	sdelay $0x3  }
0x36: {  	p1 =	seq.s32 s10, $0x1;
	s10 =	sld [smem:$0x3FB6];
	_ =	sdelay $0x3  }
0x37: {  	[smem:$0x3FB6] =	sst s10  }
0x38: {  	s10 =	sld [smem:$0x3FB7]  }
0x39: {  	_ = 	snop;
	(pc) =	sbr.ind lr, $3  }
0x3a: {  	_ = 	snop  }
0x3b: {  	_ = 	snop  }
0x3c: {  	p2 =	seq.s32 s10, $0x1;
	s10 =	sld [smem:$0x3FB6]  }
0x3d: {  	_ =	shalt  }
0x3e: {  	_ =	shalt  }
0x3f: {  	_ =	shalt  }
0x40: {  	_ =	shalt  }
0x41: {  	_ =	shalt  }
0x42: {  	_ =	shalt  }
0x43: {  	_ =	shalt  }
0x44: {  	_ =	shalt  }
0x45: {  	_ =	shalt  }
0x46: {  	_ =	shalt  }
0x47: {  	_ =	shalt  }
0x48: {  	_ =	shalt  }
0x49: {  	_ =	shalt  }
0x4a: {  	_ =	shalt  }
0x4b: {  	_ =	shalt  }
0x4c: {  	_ =	shalt  }
0x4d: {  	_ =	shalt  }
0x4e: {  	_ =	shalt  }
0x4f: {  	_ =	shalt  }
0x50: {  	_ =	shalt  }
0x51: {  	_ =	shalt  }
0x52: {  	_ =	shalt  }
0x53: {  	_ =	shalt  }
0x54: {  	_ =	shalt  }
0x55: {  	_ =	shalt  }
0x56: {  	_ =	shalt  }
0x57: {  	_ =	shalt  }
0x58: {  	_ =	shalt  }
0x59: {  	_ =	shalt  }
0x5a: {  	_ =	shalt  }
0x5b: {  	_ =	shalt  }
0x5c: {  	_ =	shalt  }
0x5d: {  	_ =	shalt  }
0x5e: {  	_ =	shalt  }
0x5f: {  	_ =	shalt  }
0x60: {  	_ =	shalt  }
0x61: {  	_ =	shalt  }
0x62: {  	_ =	shalt  }
0x63: {  	_ =	shalt  }
0x64: {  	_ =	shalt  }
0x65: {  	_ =	shalt  }
0x66: {  	_ =	shalt  }
0x67: {  	_ =	shalt  }
0x68: {  	_ =	shalt  }
0x69: {  	_ =	shalt  }
0x6a: {  	_ =	shalt  }
0x6b: {  	_ =	shalt  }
0x6c: {  	_ =	shalt  }
0x6d: {  	_ =	shalt  }
0x6e: {  	_ =	shalt  }
0x6f: {  	_ =	shalt  }
0x70: {  	_ =	shalt  }
0x71: {  	_ =	shalt  }
0x72: {  	_ =	shalt  }
0x73: {  	_ =	shalt  }
0x74: {  	_ =	shalt  }
0x75: {  	_ =	shalt  }
0x76: {  	_ =	shalt  }
0x77: {  	_ =	shalt  }
0x78: {  	_ =	shalt  }
0x79: {  	_ =	shalt  }
0x7a: {  	_ =	shalt  }
0x7b: {  	_ =	shalt  }
0x7c: {  	_ =	shalt  }
0x7d: {  	_ =	shalt  }
0x7e: {  	_ =	shalt  }
0x7f: {  	_ =	shalt  }
0x80: {  	_ =	shalt  }
0x81: {  	_ =	shalt  }
0x82: {  	_ =	shalt  }
0x83: {  	_ =	shalt  }
0x84: {  	_ =	shalt  }
0x85: {  	_ =	shalt  }
0x86: {  	_ =	shalt  }
0x87: {  	_ =	shalt  }
.Lfunc_end0:
.L_simem_size_0:
called_computation.1_lowered:
.L_overlay_start_0:
0x88: {  	s2 =	sld [smem:$0x3FD9]  }
0x89: {  	s3 =	sld [smem:$0x3FFE];
	_ =	sdelay $0x1  }
0x8a: {  	s1 =	srdreg.scid  }
0x8b: {  	s0 =	sand.u32 $0x1, s1  }
0x8c: {  	s17 =	sshll.u32 s0, $0xA;
	s2 =	sadd.s32 s3, s2  }
0x8d: {  	s2 =	sadd.s32 s2, s17  }
0x8e: {  	[smem:$0x3FC2] =	sst s2  }
0x8f: {  	_ = 	snop  }
0x90: {  	s2 =	sld [smem:$0x3FD0];
	(tm) =	ssettm $0x1  }
0x91: {  	s18 =	sld [smem:$0x3FFB];
	_ =	sdelay $0x3  }
0x92: {  	_ =	strace s18  }
0x93: {  	s3 =	sld [smem:$0x3FFC];
	_ =	sdelay $0x3  }
0x94: {  	_ =	strace s3  }
0x95: {  	s3 =	sld [smem:$0x3FFD];
	_ =	sdelay $0x3  }
0x96: {  	_ =	strace s3  }
0x97: {  	_ =	strace $0x8FFFFFFF  }
0x98: {  	s19 =	sld [smem:$0x3FDB];
	_ =	sdelay $0x1  }
0x99: {  	s4 =	simm.s32 $_scs_section_size  }
0x9a: {  	s5 =	simm.s32 $_size__tile_overlayer_lowered;
	s6 =	simm.s32 $_tile_overlayer_lowered  }
0x9b: {  	s22 =	simm.s32 $0x1BFF;
	s21 =	sshll.u32 s6, $0x1;
	s3 =	sadd.s32 s4, s19  }
0x9c: {  	s7 =	simm.s32 $0x0;
	s20 =	sshll.u32 s5, $0x1;
	s5 =	sadd.s32 s21, s3  }
0x9d: {  	[timem:s7], [sflag:s22] =	dma.local [hbm:s5], s20  }
0x9e: {  	_ =	swait.ge [sflag:s22], s20  }
0x9f: {  	s4 =	ssub.s32 $0x0, s20;
	[sflag:s22] =	ssyncset.done $0x0  }
0xa0: {  	[sflag:s22] =	ssyncadd.s32 s4;
	_ =	sdelay $0x1  }
0xa1: {  	s23 =	simm.s32 $0x1B8B  }
0xa2: {  	_ =	swait.ge [sflag:s23], $0x1  }
0xa3: {  	[sflag:s23] =	ssyncset.done $0x0  }
0xa4: {  	s25 =	simm.s32 $0x1B8E;
	s24 =	sld [smem:$0x3FFE];
	[sflag:s23] =	ssyncadd.s32 $0xFFFFFFFF  }
0xa5: {  	s26 =	simm.s32 $execute0_lowered;
	[smem:$0x3FD2] =	sst s25  }
0xa6: {  	s5 =	sshll.u32 s26, $0x1;
	_ =	strace $0x80000049;
	[dreg:$0x1] =	wrdreg $0xFFFFFFFF  }
0xa7: {  	s28 =	simm.s32 $_size_execute0_lowered;
	s3 =	sadd.s32 s3, s5;
	[dreg:$0x0] =	wrdreg $0x0  }
0xa8: {  	s5 =	sshll.u32 s28, $0x1;
	[dreg:$0x2] =	wrdreg s3  }
0xa9: {  	[dreg:$0x3] =	wrdreg s5  }
0xaa: {  	[dreg:$0x4] =	wrdreg $0xC0  }
0xab: {  	_ =	task [dreg:s7], $0x5FFFF  }
0xac: {  	[dreg:$0x1] =	wrdreg $0xFFFFFFFF  }
0xad: {  	[dreg:$0x0] =	wrdreg $0x60  }
0xae: {  	[dreg:$0x2] =	wrdreg s2  }
0xaf: {  	[dreg:$0x3] =	wrdreg s24  }
0xb0: {  	[dreg:$0x4] =	wrdreg $0xA0000  }
0xb1: {  	[dreg:$0x5] =	wrdreg $0x9  }
0xb2: {  	_ =	task.clear_ibuf [dreg:s7], $0x6FFFF;
	_ =	strace $0x90000049  }
0xb3: {  	s29 =	simm.s32 $0x9;
	_ =	strace $0x8000004B  }
0xb4: {  	_ =	swait.ge [sflag:s29], $0x1  }
0xb5: {  	[sflag:s29] =	ssyncadd.s32 $0xFFFFFFFF  }
0xb6: {  	_ =	strace $0x9000004B  }
0xb7: {  	_ =	sfence  }
0xb8: {  	s30 =	sld [smem:$0x0];
	_ =	sdelay $0x2  }
0xb9: {  	s31 =	sshll.u32 s1, $0xD;
	s1 =	sshrl.u32 s1, $0x2  }
0xba: {  	s3 =	sand.u32 $0x4000, s31;
	s1 =	sadd.s32 s1, s30  }
0xbb: {  	s0 =	sor.u32 s3, s0;
	s1 =	sshll.u32 s1, $0x11  }
0xbc: {  	s0 =	sor.u32 s1, s0  }
0xbd: {  	s0 =	sadd.s32 $0x8F2B, s0  }
0xbe: {  	[sflag:s0] =	ssyncadd.remote.s32 $0x1  }
0xbf: {  	_ =	sfence.sel $0xFFFF  }
0xc0: {  	[dreg:$0x0] =	wrdreg $0xFFFFFFFF;
	(pc) =	sbr.abs _section_cstart, $3  }
0xc1: {  	[dreg:$0x1] =	wrdreg $0xFFFFFFFF  }
0xc2: {  	_ =	task.clear_ibuf [dreg:s7], $0x2FFFF;
	_ =	strace $0x9FFFFFFF  }
0xc3: {  	(tm) =	ssettm $0x7FFFFFFF  }
tec
execute0_lowered:
.L_overlay_start_1:
0x0: {  	(tag) =	ssettag $0x1  }
0x1: {  	s0 =	rddreg [dreg:$0x0]  }
0x2: {  	s1 =	rddreg [dreg:$0x1];
	s2 =	srdreg.scid  }
0x3: {  	s3 =	rddreg [dreg:$0x2];
	s10 =	stileid.u32;
	s4 =	simm.s32 $0x0  }
0x4: {  	s16 =	simm.s32 $0x2000;
	s17 =	simm.s32 $0x3;
	s19 =	simm.s32 $0x80  }
0x5: {  	s20 =	simm.s32 $0x6000;
	s21 =	simm.s32 $0x1;
	s6 =	smul.u32 $0x14000, s10  }
0x6: {  	s22 =	simm.s32 $0x2;
	s2 =	sand.u32 $0x1, s2;
	s29 =	smul.u32 $0x50000, s10  }
0x7: {  	[smem:$0x7FF] =	sst s4;
	s15 =	sadd.s32 $0x2A00, s1;
	s5 =	smul.u32 $0x140000, s2  }
0x8: {  	s7 =	sshll.u32 s2, $0x4;
	s28 =	ssub.s32 $0x2, s2;
	s2 =	smul.u32 $0x28000, s2  }
0x9: {  	_ =	strace $0x8000004A;
	s26 =	sor.u32 s10, s7;
	s10 =	smul.u32 $0x2800, s10  }
0xa: {  	s8 =	sshrl.u32 s28, $0x1;
	s5 =	sadd.s32 s6, s5;
	s6 =	smul.u32 $0x2800, s26  }
0xb: {  	s9 =	sshrl.u32 s29, $0x2;
	s11 =	ssub.s32 s28, s8;
	s26 =	simm.s32 $0x0  }
0xc: {  	s5 =	sshrl.u32 s5, $0x3;
	s31 =	sadd.s32 s10, s2;
	s6 =	sshrl.u32 s6, $0x3  }
0xd: {  	s1 =	sadd.s32 s5, s1;
	s2 =	sadd.s32 $0x50100, s31;
	s5 =	sadd.s32 s15, s6  }
0xe: {  	s6 =	sadd.s32 s9, s3;
	s1 =	sadd.s32 $0x16A00, s1;
	s9 =	smax.u32 s11, $0x1  }
0xf: {  	s2 =	sshrl.u32 s2, $0x3;
	s30 =	sadd.s32 $0xA000, s5;
	[dreg:$0x5] =	wrdreg s1  }
0x10: {  	s10 =	sadd.s32 $0x4000, s6;
	s11 =	sadd.s32 $0x8000, s6;
	s1 =	sor.u32 $0x100, s31  }
0x11: {  	s12 =	sadd.s32 $0xC000, s6;
	s13 =	sadd.s32 $0x10000, s6;
	s1 =	sshrl.u32 s1, $0x3  }
0x12: {  	v0 =	vimm.f32 $0.0e+00;
	s14 =	sadd.s32 s2, s15;
	[dreg:$0x4] =	wrdreg s30;
	s15 =	sadd.s32 s1, s15  }
.LBB2_1:
0x13: {  	s1 =	simm.s32 $0x0;
	s2 =	simm.s32 $0x200  }
.LBB2_2:
0x14: {  	p0 =	sne.s32 s2, $0xFE00;
	[tilespmem:s1+$0x2070] =	vst v0  }
0x15: {  	[tilespmem:s1+$0x2000] =	vst v0  }
0x16: {  	[tilespmem:s1+$0x2010] =	vst v0  }
.Ltmp0:
0x17: {  	[tilespmem:s1+$0x2020] =	vst v0;
	(pc) =	sbr.rel @p0 .LBB2_2-.Ltmp0, $4  }
0x18: {  	[tilespmem:s1+$0x2030] =	vst v0  }
0x19: {  	[tilespmem:s1+$0x2040] =	vst v0  }
0x1a: {  	[tilespmem:s1+$0x2050] =	vst v0  }
0x1b: {  	[tilespmem:s1+$0x2060] =	vst v0;
	s1 =	sshra.s32 s2, $0x2;
	s2 =	sadd.s32 $0x200, s2  }
0x1c: {  	[tilespmem:s1+$0x2070] =	vst v0  }
0x1d: {  	[tilespmem:s1+$0x2000] =	vst v0  }
0x1e: {  	[tilespmem:s1+$0x2010] =	vst v0  }
0x1f: {  	[tilespmem:s1+$0x2020] =	vst v0  }
0x20: {  	[tilespmem:s1+$0x2030] =	vst v0  }
0x21: {  	[tilespmem:s1+$0x2040] =	vst v0  }
0x22: {  	[tilespmem:s1+$0x2050] =	vst v0  }
0x23: {  	[tilespmem:s1+$0x2060] =	vst v0  }
0x24: {  	[spmem:s6] =	stream.linear.scatter [tilespmem:s16], [sflag:$0x3], $0x4000, $0x38;
	[tilespmem:$0x1E000] =	vst v63  }
0x25: {  	_ =	swait.ge [sflag:s17], $0x4000  }
0x26: {  	[sflag:s17] =	ssyncset.done $0x0  }
0x27: {  	[sflag:s17] =	ssyncadd.s32 $0xFFFFC000  }
0x28: {  	[spmem:s10] =	stream.linear.scatter [tilespmem:s16], [sflag:$0x3], $0x4000, $0x38;
	[tilespmem:$0x1E000] =	vst v63  }
0x29: {  	_ =	swait.ge [sflag:s17], $0x4000  }
0x2a: {  	[sflag:s17] =	ssyncset.done $0x0  }
0x2b: {  	[sflag:s17] =	ssyncadd.s32 $0xFFFFC000  }
0x2c: {  	[spmem:s11] =	stream.linear.scatter [tilespmem:s16], [sflag:$0x3], $0x4000, $0x38;
	[tilespmem:$0x1E000] =	vst v63  }
0x2d: {  	_ =	swait.ge [sflag:s17], $0x4000  }
0x2e: {  	[sflag:s17] =	ssyncset.done $0x0  }
0x2f: {  	[sflag:s17] =	ssyncadd.s32 $0xFFFFC000  }
0x30: {  	[spmem:s12] =	stream.linear.scatter [tilespmem:s16], [sflag:$0x3], $0x4000, $0x38;
	[tilespmem:$0x1E000] =	vst v63  }
0x31: {  	_ =	swait.ge [sflag:s17], $0x4000  }
0x32: {  	[sflag:s17] =	ssyncset.done $0x0  }
0x33: {  	[sflag:s17] =	ssyncadd.s32 $0xFFFFC000  }
0x34: {  	[spmem:s13] =	stream.linear.scatter [tilespmem:s16], [sflag:$0x3], $0x4000, $0x38;
	[tilespmem:$0x1E000] =	vst v63  }
0x35: {  	_ =	swait.ge [sflag:s17], $0x4000  }
0x36: {  	[sflag:s17] =	ssyncset.done $0x0  }
0x37: {  	[sflag:s17] =	ssyncadd.s32 $0xFFFFC000  }
0x38: {  	[tilespmem:s4], [sflag:$0x3] =	stream.linear.gather [hbm4b:s5+s4], $0x800, $0x38;
	[tilespmem:$0x1E000] =	vst v63  }
0x39: {  	_ =	swait.ge [sflag:s17], $0x800  }
0x3a: {  	[sflag:s17] =	ssyncset.done $0x0  }
0x3b: {  	s2 =	simm.s32 $0x1000;
	s8 =	rddreg [dreg:$0x4];
	[sflag:s17] =	ssyncadd.s32 $0xFFFFF800  }
0x3c: {  	[tilespmem:s2], [sflag:$0x3] =	stream.linear.gather [hbm4b:s8+s4], $0x800, $0x38;
	[tilespmem:$0x1E000] =	vst v63  }
0x3d: {  	_ =	swait.ge [sflag:s17], $0x800  }
0x3e: {  	[sflag:s17] =	ssyncset.done $0x0  }
0x3f: {  	s18 =	simm.s32 $0x0;
	[sflag:s17] =	ssyncadd.s32 $0xFFFFF800  }
0x40: {  	s1 =	sand.u32 $0xF00, s18;
	[bflag:$0x0] =	sbarrier.arrive $0xFFFF  }
0x41: {  	[tilespmem:s16], [sflag:$0x1] =	stream.indirect.gather [hbm4b:s0+s19], $0x80, s4, s19, $0xb8;
	[tilespmem:$0x1E000] =	vst v63  }
0x42: {  	s23 =	sor.u32 $0x80, s1  }
0x43: {  	[tilespmem:s20], [sflag:$0x2] =	stream.indirect.gather [hbm4b:s0+s19], $0x80, s23, s19, $0xb8;
	[tilespmem:$0x1E000] =	vst v63  }
0x44: {  	_ =	swait.ge [sflag:s21], $0x4000  }
0x45: {  	s28 =	simm.s32 $0x2;
	[sflag:s21] =	ssyncset.done $0x0  }
0x46: {  	s28 =	sand.u32 $0xE, s28;
	s1 =	sor.u32 $0x1000, s1;
	[sflag:s21] =	ssyncadd.s32 $0xFFFFC000  }
0x47: {  	[spmem:s3] =	stream.indirect.scatter.add.f32 [tilespmem:s16], [sflag:$0x3], $0x80, s1, s19, $0xb8;
	[tilespmem:$0x1E000] =	vst v63  }
0x48: {  	p0 =	sne.s32 s28, $0x0;
	_ =	swait.ge [sflag:s17], $0x4000  }
0x49: {  	s30 =	simm.s32 @!p0 $0x0;
	s1 =	simm.s32 $0x100;
	[sflag:s17] =	ssyncset.done $0x0  }
0x4a: {  	s31 =	simm.s32 @!p0 $0x3;
	s29 =	sand.u32 @!p0 $0x800, s1;
	[sflag:s17] =	ssyncadd.s32 $0xFFFFC000  }
0x4b: {  	[tilespmem:s29], [sflag:$0x3] =	stream.linear.gather @!p0 [hbm4b:s15+s30], $0x800, $0x38;
	[tilespmem:$0x1E000] =	vst v63  }
0x4c: {  	_ =	swait.ge @!p0 [sflag:s31], $0x800  }
0x4d: {  	[sflag:s31] =	ssyncset.done @!p0 $0x0  }
0x4e: {  	s18 =	sor.u32 @!p0 $0x1000, s29;
	[sflag:s31] =	ssyncadd.s32 @!p0 $0xFFFFF800  }
0x4f: {  	[tilespmem:s18], [sflag:$0x3] =	stream.linear.gather @!p0 [hbm4b:s14+s30], $0x800, $0x38;
	[tilespmem:$0x1E000] =	vst v63  }
0x50: {  	s1 =	sand.u32 @p0 $0x800, s1;
	_ =	swait.ge @!p0 [sflag:s31], $0x800  }
0x51: {  	s24 =	sshll.u32 s28, $0x7;
	s29 =	smov.u32 @p0 s1;
	[sflag:s31] =	ssyncset.done @!p0 $0x0  }
0x52: {  	s1 =	sadd.s32 s24, s29;
	[sflag:s31] =	ssyncadd.s32 @!p0 $0xFFFFF800  }
0x53: {  	[tilespmem:s16], [sflag:$0x1] =	stream.indirect.gather [hbm4b:s0+s19], $0x80, s1, s19, $0xb8;
	[tilespmem:$0x1E000] =	vst v63  }
0x54: {  	s25 =	simm.s32 $0x100;
	s28 =	simm.s32 $0x200;
	_ =	swait.ge [sflag:s22], $0x4000  }
0x55: {  	s2 =	sor.u32 $0x1000, s23;
	s29 =	sadd.s32 $0x20, s14;
	[sflag:s22] =	ssyncset.done $0x0  }
0x56: {  	s30 =	sadd.s32 $0x20, s15;
	s31 =	simm.s32 $0x4;
	[sflag:s22] =	ssyncadd.s32 $0xFFFFC000  }
0x57: {  	[spmem:s3] =	stream.indirect.scatter.add.f32 [tilespmem:s20], [sflag:$0x3], $0x80, s2, s19, $0xb8;
	[tilespmem:$0x1E000] =	vst v63  }
0x58: {  	s1 =	simm.s32 $0x6;
	s2 =	sand.u32 $0xF00, s25;
	_ =	swait.ge [sflag:s17], $0x4000  }
.LBB2_4:
0x59: {  	s18 =	sor.u32 $0x80, s2  }
0x5a: {  	[sflag:s17] =	ssyncset.done $0x0;
	s23 =	smov.u32 s1;
	s1 =	sadd.s32 $0x2, s1  }
0x5b: {  	p0 =	sne.s32 s1, $0x50;
	[sflag:s17] =	ssyncadd.s32 $0xFFFFC000  }
0x5c: {  	[tilespmem:s20], [sflag:$0x2] =	stream.indirect.gather [hbm4b:s0+s19], $0x80, s18, s19, $0xb8;
	[tilespmem:$0x1E000] =	vst v63  }
0x5d: {  	_ =	swait.ge [sflag:s21], $0x4000  }
0x5e: {  	s2 =	sor.u32 $0x1000, s2;
	[sflag:s21] =	ssyncset.done $0x0  }
0x5f: {  	s24 =	sand.u32 $0xE, s31;
	s31 =	smov.u32 s23;
	[sflag:s21] =	ssyncadd.s32 $0xFFFFC000  }
0x60: {  	[spmem:s3] =	stream.indirect.scatter.add.f32 [tilespmem:s16], [sflag:$0x3], $0x80, s2, s19, $0xb8;
	[tilespmem:$0x1E000] =	vst v63  }
0x61: {  	p1 =	sne.s32 s24, $0x0;
	_ =	swait.ge [sflag:s17], $0x4000  }
0x62: {  	s23 =	simm.s32 @!p1 $0x0;
	s2 =	sand.u32 @!p1 $0x800, s28;
	[sflag:s17] =	ssyncset.done $0x0  }
0x63: {  	s25 =	simm.s32 @!p1 $0x3;
	s7 =	sor.u32 @!p1 $0x1000, s2;
	[sflag:s17] =	ssyncadd.s32 $0xFFFFC000  }
0x64: {  	[tilespmem:s2], [sflag:$0x3] =	stream.linear.gather @!p1 [hbm4b:s30+s23], $0x800, $0x38;
	[tilespmem:$0x1E000] =	vst v63  }
0x65: {  	s8 =	sand.u32 @p1 $0x800, s28;
	_ =	swait.ge @!p1 [sflag:s25], $0x800  }
0x66: {  	s2 =	smov.u32 @p1 s8;
	[sflag:s25] =	ssyncset.done @!p1 $0x0  }
0x67: {  	[sflag:s25] =	ssyncadd.s32 @!p1 $0xFFFFF800  }
0x68: {  	[tilespmem:s7], [sflag:$0x3] =	stream.linear.gather @!p1 [hbm4b:s29+s23], $0x800, $0x38;
	[tilespmem:$0x1E000] =	vst v63  }
0x69: {  	s7 =	sshll.u32 s24, $0x7;
	_ =	swait.ge @!p1 [sflag:s25], $0x800  }
0x6a: {  	s2 =	sadd.s32 s7, s2;
	[sflag:s25] =	ssyncset.done @!p1 $0x0  }
0x6b: {  	[sflag:s25] =	ssyncadd.s32 @!p1 $0xFFFFF800  }
0x6c: {  	[tilespmem:s16], [sflag:$0x1] =	stream.indirect.gather [hbm4b:s0+s19], $0x80, s2, s19, $0xb8;
	[tilespmem:$0x1E000] =	vst v63  }
.Ltmp1:
0x6d: {  	_ =	swait.ge [sflag:s22], $0x4000;
	(pc) =	sbr.rel @p0 .LBB2_4-.Ltmp1, $4  }
0x6e: {  	s28 =	sadd.s32 $0x100, s28;
	s2 =	sor.u32 $0x1000, s18;
	[sflag:s22] =	ssyncset.done $0x0  }
0x6f: {  	s30 =	sadd.s32 $0x20, s30;
	s7 =	sadd.s32 $0xFFFFFF00, s28;
	[sflag:s22] =	ssyncadd.s32 $0xFFFFC000  }
0x70: {  	[spmem:s3] =	stream.indirect.scatter.add.f32 [tilespmem:s20], [sflag:$0x3], $0x80, s2, s19, $0xb8;
	[tilespmem:$0x1E000] =	vst v63  }
0x71: {  	s29 =	sadd.s32 $0x20, s29;
	s2 =	sand.u32 $0xF00, s7;
	_ =	swait.ge [sflag:s17], $0x4000  }
0x72: {  	[sflag:s17] =	ssyncset.done $0x0  }
0x73: {  	s1 =	sor.u32 $0x80, s2;
	[sflag:s17] =	ssyncadd.s32 $0xFFFFC000  }
0x74: {  	[tilespmem:s20], [sflag:$0x2] =	stream.indirect.gather [hbm4b:s0+s19], $0x80, s1, s19, $0xb8;
	[tilespmem:$0x1E000] =	vst v63  }
0x75: {  	_ =	swait.ge [sflag:s21], $0x4000  }
0x76: {  	[sflag:s21] =	ssyncset.done $0x0  }
0x77: {  	s23 =	sor.u32 $0x1000, s2;
	s7 =	sand.u32 $0xE, s31;
	[sflag:s21] =	ssyncadd.s32 $0xFFFFC000  }
0x78: {  	[spmem:s3] =	stream.indirect.scatter.add.f32 [tilespmem:s16], [sflag:$0x3], $0x80, s23, s19, $0xb8;
	[tilespmem:$0x1E000] =	vst v63  }
0x79: {  	p0 =	sne.s32 s7, $0x0;
	_ =	swait.ge [sflag:s17], $0x4000  }
0x7a: {  	s2 =	sand.u32 @!p0 $0x800, s28;
	[sflag:s17] =	ssyncset.done $0x0  }
0x7b: {  	s8 =	simm.s32 @!p0 $0x0;
	s18 =	simm.s32 @!p0 $0x3;
	[sflag:s17] =	ssyncadd.s32 $0xFFFFC000  }
0x7c: {  	[tilespmem:s2], [sflag:$0x3] =	stream.linear.gather @!p0 [hbm4b:s30+s8], $0x800, $0x38;
	[tilespmem:$0x1E000] =	vst v63  }
0x7d: {  	_ =	swait.ge @!p0 [sflag:s18], $0x800  }
0x7e: {  	[sflag:s18] =	ssyncset.done @!p0 $0x0  }
0x7f: {  	s23 =	sor.u32 @!p0 $0x1000, s2;
	[sflag:s18] =	ssyncadd.s32 @!p0 $0xFFFFF800  }
0x80: {  	[tilespmem:s23], [sflag:$0x3] =	stream.linear.gather @!p0 [hbm4b:s29+s8], $0x800, $0x38;
	[tilespmem:$0x1E000] =	vst v63  }
0x81: {  	s8 =	sand.u32 @p0 $0x800, s28;
	_ =	swait.ge @!p0 [sflag:s18], $0x800  }
0x82: {  	s7 =	sshll.u32 s7, $0x7;
	s2 =	smov.u32 @p0 s8;
	[sflag:s18] =	ssyncset.done @!p0 $0x0  }
0x83: {  	s2 =	sadd.s32 s7, s2;
	[sflag:s18] =	ssyncadd.s32 @!p0 $0xFFFFF800  }
0x84: {  	[tilespmem:s16], [sflag:$0x1] =	stream.indirect.gather [hbm4b:s0+s19], $0x80, s2, s19, $0xb8;
	[tilespmem:$0x1E000] =	vst v63  }
0x85: {  	_ =	swait.ge [sflag:s22], $0x4000  }
0x86: {  	[sflag:s22] =	ssyncset.done $0x0  }
0x87: {  	s1 =	sor.u32 $0x1000, s1;
	[sflag:s22] =	ssyncadd.s32 $0xFFFFC000  }
0x88: {  	[spmem:s3] =	stream.indirect.scatter.add.f32 [tilespmem:s20], [sflag:$0x3], $0x80, s1, s19, $0xb8;
	[tilespmem:$0x1E000] =	vst v63  }
0x89: {  	_ =	swait.ge [sflag:s17], $0x4000  }
0x8a: {  	[sflag:s17] =	ssyncset.done $0x0  }
0x8b: {  	s24 =	simm.s32 $0x780;
	[sflag:s17] =	ssyncadd.s32 $0xFFFFC000  }
0x8c: {  	[tilespmem:s20], [sflag:$0x2] =	stream.indirect.gather [hbm4b:s0+s19], $0x80, s24, s19, $0xb8;
	[tilespmem:$0x1E000] =	vst v63  }
0x8d: {  	_ =	swait.ge [sflag:s21], $0x4000  }
0x8e: {  	[sflag:s21] =	ssyncset.done $0x0  }
0x8f: {  	s25 =	simm.s32 $0x1700;
	[sflag:s21] =	ssyncadd.s32 $0xFFFFC000  }
0x90: {  	[spmem:s3] =	stream.indirect.scatter.add.f32 [tilespmem:s16], [sflag:$0x3], $0x80, s25, s19, $0xb8;
	[tilespmem:$0x1E000] =	vst v63  }
0x91: {  	_ =	swait.ge [sflag:s17], $0x4000  }
0x92: {  	[sflag:s17] =	ssyncset.done $0x0  }
0x93: {  	[sflag:s17] =	ssyncadd.s32 $0xFFFFC000  }
0x94: {  	_ =	swait.ge [sflag:s22], $0x4000  }
0x95: {  	[sflag:s22] =	ssyncset.done $0x0  }
0x96: {  	s28 =	simm.s32 $0x1780;
	[sflag:s22] =	ssyncadd.s32 $0xFFFFC000  }
0x97: {  	[spmem:s3] =	stream.indirect.scatter.add.f32 [tilespmem:s20], [sflag:$0x3], $0x80, s28, s19, $0xb8;
	[tilespmem:$0x1E000] =	vst v63  }
0x98: {  	_ =	swait.ge [sflag:s17], $0x4000  }
0x99: {  	s26 =	sadd.s32 $0x1, s26;
	[sflag:s17] =	ssyncset.done $0x0  }
0x9a: {  	s30 =	sshrl.u32 s6, $0x3;
	s29 =	stileid.u32;
	[sflag:s17] =	ssyncadd.s32 $0xFFFFC000  }
0x9b: {  	p0 =	sne.s32 s26, s9;
	s1 =	sshll.u32 s29, $0x6;
	[bflag:$0x0] =	sbarrier.arrive $0xFFFF  }
.Ltmp2:
0x9c: {  	s1 =	sor.u32 $0x1C03, s1;
	s31 =	rddreg [dreg:$0x5];
	(pc) =	sbr.rel @p0 .LBB2_1-.Ltmp2, $4  }
0x9d: {  	[hbm:s31], [sflag:s1] =	dma.local [spmem:s30], $0x2800  }
0x9e: {  	_ =	swait.ge [sflag:s17], $0x2800  }
0x9f: {  	[sflag:s17] =	ssyncset.done $0x0  }
0xa0: {  	[sflag:s17] =	ssyncadd.s32 $0xFFFFD800  }
0xa1: {  	_ =	sfence.sel $0x180000  }
0xa2: {  	[bflag:$0x0] =	sbarrier.arrive $0xFFFF  }
0xa3: {  	_ =	strace $0x9000004A  }
0xa4: {  	s0 =	stileid.u32;
	[bflag:$0x2] =	sbarrier.arrive $0xFFFF  }
0xa5: {  	p0 =	sne.s32 s0, $0x0;
	s0 =	rddreg [dreg:$0x3]  }
0xa6: {  	s0 =	sadd.s32 @!p0 $0x100000, s0  }
0xa7: {  	[sflag:s0] =	ssyncadd.tile.s32 @!p0 $0x1;
	_ =	shalt  }
.Lfunc_end2:
_tile_overlayer_lowered:
.L_overlay_start_2:
0xa8: {  	(tag) =	ssettag $0x2  }
0xa9: {  	s0 =	rddreg [dreg:$0x0];
	s2 =	stileid.u32  }
0xaa: {  	s1 =	rddreg [dreg:$0x1];
	p0 =	sne.s32 s2, $0x0  }
0xab: {  	s3 =	rddreg [dreg:$0x2];
	[bflag:$0x3] =	sbarrier.arrive $0xFFFF;
	s2 =	simm.s32 @!p0 $0x1C03  }
0xac: {  	[timem:s3], [sflag:s2] =	dma.local @!p0 [hbm:s0], s1  }
0xad: {  	s0 =	simm.s32 @!p0 $0x3  }
0xae: {  	_ =	swait.ge @!p0 [sflag:s0], s1  }
0xaf: {  	s1 =	ssub.s32 @!p0 $0x0, s1;
	[sflag:s0] =	ssyncset.done @!p0 $0x0  }
0xb0: {  	[sflag:s0] =	ssyncadd.s32 @!p0 s1  }
0xb1: {  	[bflag:$0x3] =	sbarrier.arrive $0xFFFF  }
0xb2: {  	_ =	shalt  }

// kernel: kernel.14.cloned.1.call-start
scs
__scs_entry_jumppad:
0x0: {  	(pc) =	sbr.rel $0x88, $3  }
0x1: {  	(tag) =	ssettag $0x0;
	lr =	simm.s32 $0x1  }
0x2: {  	[smem:$0x3F9B] =	sst lr;
	_ =	strace $0xD0000000  }
0x3: {  	_ = 	snop  }
0x4: {  	_ = 	snop  }
0x5: {  	_ = 	snop  }
0x6: {  	_ = 	snop  }
0x7: {  	_ = 	snop  }
__scs_overlays_trampoline_lowered:
0x8: {  	[smem:$0x3FAA] =	sst s0  }
0x9: {  	[smem:$0x3FAB] =	sst s1  }
0xa: {  	[smem:$0x3FAC] =	sst s2  }
0xb: {  	[smem:$0x3FAD] =	sst s3  }
0xc: {  	[smem:$0x3FAE] =	sst s4  }
0xd: {  	[smem:$0x3FAF] =	sst s5  }
0xe: {  	[smem:$0x3FB0] =	sst s6  }
0xf: {  	[smem:$0x3FB1] =	sst s7  }
0x10: {  	[smem:$0x3FB2] =	sst s8  }
0x11: {  	[smem:$0x3FB3] =	sst s9;
	s0 =	simm.s32 @!p0 $0x0  }
0x12: {  	s1 =	sld [smem:$0x3F99];
	s0 =	simm.s32 @p0 $0x1  }
0x13: {  	[smem:$0x3FB4] =	sst s0;
	s0 =	simm.s32 @!p1 $0x0  }
0x14: {  	s2 =	sld [smem:$0x3F98];
	s0 =	simm.s32 @p1 $0x1  }
0x15: {  	[smem:$0x3FB5] =	sst s0;
	s0 =	simm.s32 @!p2 $0x0  }
0x16: {  	s3 =	sld [smem:$0x3FDB];
	s0 =	simm.s32 @p2 $0x1  }
0x17: {  	s4 =	simm.s32 $0x1BF5;
	[smem:$0x3FB7] =	sst s0  }
0x18: {  	s0 =	sld [smem:$0x3F9A];
	_ =	swait.ge [sflag:s4], $0x0  }
0x19: {  	s7 =	sld [smem:$0x3F9B]  }
0x1a: {  	s8 =	sadd.s32 $0xFFFFE003, lr  }
0x1b: {  	s9 =	sadd.s32 $0xFFFFFEF7, lr;
	s5 =	simm.s32 $0xFFFFFFFF;
	p2 =	slt.u32 s8, $0xFFFFF086  }
0x1c: {  	p1 =	slt.u32 s9, $0xF7A;
	s5 =	simm.s32 @!p2 $0x0  }
0x1d: {  	s5 =	simm.s32 @p1 $0x1;
	p0 =	seq.s32 s7, s2  }
0x1e: {  	s7 =	smul.u32 @!p0 $0xF7A, s2;
	p2 =	seq.s32 @!p0 s5, $0x0  }
0x1f: {  	s9 =	smul.u32 $0xF7A, s1;
	s8 =	simm.s32 @!p0 $0x1BF5;
	p2 =	por !p2, p0  }
0x20: {  	[sflag:s8] =	ssyncset.s32 @!p0 $0xFFFFF086;
	s6 =	sadd.s32 @!p0 s3, s7;
	s7 =	simm.s32 @!p0 $0x108  }
0x21: {  	s3 =	sadd.s32 s3, s9;
	s6 =	sadd.s32 @!p0 $0x88, s6;
	s7 =	simm.s32 @p2 $0x1082  }
0x22: {  	[simem:s7], [sflag:s8] =	dma.local @!p0 [hbm:s6], $0xF7A  }
0x23: {  	s9 =	sor.u32 $0xD0000000, s2;
	s6 =	simm.s32 $0x108;
	_ =	swait.ge @!p0 [sflag:s8], $0x0  }
0x24: {  	s3 =	sadd.s32 $0x88, s3;
	s6 =	simm.s32 @!p1 $0x1082;
	[sflag:s4] =	ssyncset.s32 $0xFFFFF086  }
0x25: {  	[simem:s6], [sflag:s4] =	dma.local [hbm:s3], $0xF7A  }
0x26: {  	[smem:$0x3F9B] =	sst s1;
	(tag) =	ssettag s2;
	_ =	strace s9  }
0x27: {  	s1 =	sld [smem:$0x3FAB]  }
0x28: {  	s2 =	sld [smem:$0x3FAC]  }
0x29: {  	s4 =	sld [smem:$0x3FAE]  }
0x2a: {  	p0 =	seq.s32 s5, $0x0;
	s5 =	sld [smem:$0x3FAF]  }
0x2b: {  	s6 =	sld [smem:$0x3FB0]  }
0x2c: {  	s7 =	sld [smem:$0x3FB1]  }
0x2d: {  	s3 =	simm.s32 $0x108;
	s8 =	sld [smem:$0x3FB2]  }
0x2e: {  	s3 =	simm.s32 @!p0 $0x1082;
	s9 =	sld [smem:$0x3FB3]  }
0x2f: {  	lr =	sadd.s32 s0, s3;
	s0 =	sld [smem:$0x3FAA]  }
0x30: {  	s3 =	sld [smem:$0x3FAD]  }
0x31: {  	[smem:$0x3FB6] =	sst s10  }
0x32: {  	s10 =	sld [smem:$0x3FB4];
	_ =	sdelay $0x3  }
0x33: {  	p0 =	seq.s32 s10, $0x1;
	s10 =	sld [smem:$0x3FB6];
	_ =	sdelay $0x3  }
0x34: {  	[smem:$0x3FB6] =	sst s10  }
0x35: {  	s10 =	sld [smem:$0x3FB5];
	_ =	sdelay $0x3  }
0x36: {  	p1 =	seq.s32 s10, $0x1;
	s10 =	sld [smem:$0x3FB6];
	_ =	sdelay $0x3  }
0x37: {  	[smem:$0x3FB6] =	sst s10  }
0x38: {  	s10 =	sld [smem:$0x3FB7]  }
0x39: {  	_ = 	snop;
	(pc) =	sbr.ind lr, $3  }
0x3a: {  	_ = 	snop  }
0x3b: {  	_ = 	snop  }
0x3c: {  	p2 =	seq.s32 s10, $0x1;
	s10 =	sld [smem:$0x3FB6]  }
0x3d: {  	_ =	shalt  }
0x3e: {  	_ =	shalt  }
0x3f: {  	_ =	shalt  }
0x40: {  	_ =	shalt  }
0x41: {  	_ =	shalt  }
0x42: {  	_ =	shalt  }
0x43: {  	_ =	shalt  }
0x44: {  	_ =	shalt  }
0x45: {  	_ =	shalt  }
0x46: {  	_ =	shalt  }
0x47: {  	_ =	shalt  }
0x48: {  	_ =	shalt  }
0x49: {  	_ =	shalt  }
0x4a: {  	_ =	shalt  }
0x4b: {  	_ =	shalt  }
0x4c: {  	_ =	shalt  }
0x4d: {  	_ =	shalt  }
0x4e: {  	_ =	shalt  }
0x4f: {  	_ =	shalt  }
0x50: {  	_ =	shalt  }
0x51: {  	_ =	shalt  }
0x52: {  	_ =	shalt  }
0x53: {  	_ =	shalt  }
0x54: {  	_ =	shalt  }
0x55: {  	_ =	shalt  }
0x56: {  	_ =	shalt  }
0x57: {  	_ =	shalt  }
0x58: {  	_ =	shalt  }
0x59: {  	_ =	shalt  }
0x5a: {  	_ =	shalt  }
0x5b: {  	_ =	shalt  }
0x5c: {  	_ =	shalt  }
0x5d: {  	_ =	shalt  }
0x5e: {  	_ =	shalt  }
0x5f: {  	_ =	shalt  }
0x60: {  	_ =	shalt  }
0x61: {  	_ =	shalt  }
0x62: {  	_ =	shalt  }
0x63: {  	_ =	shalt  }
0x64: {  	_ =	shalt  }
0x65: {  	_ =	shalt  }
0x66: {  	_ =	shalt  }
0x67: {  	_ =	shalt  }
0x68: {  	_ =	shalt  }
0x69: {  	_ =	shalt  }
0x6a: {  	_ =	shalt  }
0x6b: {  	_ =	shalt  }
0x6c: {  	_ =	shalt  }
0x6d: {  	_ =	shalt  }
0x6e: {  	_ =	shalt  }
0x6f: {  	_ =	shalt  }
0x70: {  	_ =	shalt  }
0x71: {  	_ =	shalt  }
0x72: {  	_ =	shalt  }
0x73: {  	_ =	shalt  }
0x74: {  	_ =	shalt  }
0x75: {  	_ =	shalt  }
0x76: {  	_ =	shalt  }
0x77: {  	_ =	shalt  }
0x78: {  	_ =	shalt  }
0x79: {  	_ =	shalt  }
0x7a: {  	_ =	shalt  }
0x7b: {  	_ =	shalt  }
0x7c: {  	_ =	shalt  }
0x7d: {  	_ =	shalt  }
0x7e: {  	_ =	shalt  }
0x7f: {  	_ =	shalt  }
0x80: {  	_ =	shalt  }
0x81: {  	_ =	shalt  }
0x82: {  	_ =	shalt  }
0x83: {  	_ =	shalt  }
0x84: {  	_ =	shalt  }
0x85: {  	_ =	shalt  }
0x86: {  	_ =	shalt  }
0x87: {  	_ =	shalt  }
.Lfunc_end0:
.L_simem_size_0:
called_computation.2_lowered:
.L_overlay_start_0:
0x88: {  	s2 =	sld [smem:$0x3FD9]  }
0x89: {  	s3 =	sld [smem:$0x3FFE];
	_ =	sdelay $0x1  }
0x8a: {  	s1 =	srdreg.scid  }
0x8b: {  	s0 =	sand.u32 $0x1, s1  }
0x8c: {  	s17 =	sshll.u32 s0, $0xA;
	s2 =	sadd.s32 s3, s2  }
0x8d: {  	s2 =	sadd.s32 s2, s17  }
0x8e: {  	[smem:$0x3FC2] =	sst s2  }
0x8f: {  	_ = 	snop  }
0x90: {  	s2 =	sld [smem:$0x3FD0];
	(tm) =	ssettm $0x1  }
0x91: {  	s18 =	sld [smem:$0x3FFB];
	_ =	sdelay $0x3  }
0x92: {  	_ =	strace s18  }
0x93: {  	s3 =	sld [smem:$0x3FFC];
	_ =	sdelay $0x3  }
0x94: {  	_ =	strace s3  }
0x95: {  	s3 =	sld [smem:$0x3FFD];
	_ =	sdelay $0x3  }
0x96: {  	_ =	strace s3  }
0x97: {  	_ =	strace $0x8FFFFFFF  }
0x98: {  	s19 =	sld [smem:$0x3FDB];
	_ =	sdelay $0x1  }
0x99: {  	s4 =	simm.s32 $_scs_section_size  }
0x9a: {  	s5 =	simm.s32 $_size__tile_overlayer_lowered;
	s6 =	simm.s32 $_tile_overlayer_lowered  }
0x9b: {  	s22 =	simm.s32 $0x1BFF;
	s21 =	sshll.u32 s6, $0x1;
	s3 =	sadd.s32 s4, s19  }
0x9c: {  	s7 =	simm.s32 $0x0;
	s20 =	sshll.u32 s5, $0x1;
	s5 =	sadd.s32 s21, s3  }
0x9d: {  	[timem:s7], [sflag:s22] =	dma.local [hbm:s5], s20  }
0x9e: {  	_ =	swait.ge [sflag:s22], s20  }
0x9f: {  	s4 =	ssub.s32 $0x0, s20;
	[sflag:s22] =	ssyncset.done $0x0  }
0xa0: {  	[sflag:s22] =	ssyncadd.s32 s4;
	_ =	sdelay $0x1  }
0xa1: {  	s23 =	simm.s32 $0x1B8B  }
0xa2: {  	_ =	swait.ge [sflag:s23], $0x1  }
0xa3: {  	[sflag:s23] =	ssyncset.done $0x0  }
0xa4: {  	s25 =	simm.s32 $0x1B8E;
	s24 =	sld [smem:$0x3FFE];
	[sflag:s23] =	ssyncadd.s32 $0xFFFFFFFF  }
0xa5: {  	s26 =	simm.s32 $execute0_lowered;
	[smem:$0x3FD2] =	sst s25  }
0xa6: {  	s5 =	sshll.u32 s26, $0x1;
	_ =	strace $0x8000004C;
	[dreg:$0x1] =	wrdreg $0xFFFFFFFF  }
0xa7: {  	s28 =	simm.s32 $_size_execute0_lowered;
	s3 =	sadd.s32 s3, s5;
	[dreg:$0x0] =	wrdreg $0x0  }
0xa8: {  	s5 =	sshll.u32 s28, $0x1;
	[dreg:$0x2] =	wrdreg s3  }
0xa9: {  	[dreg:$0x3] =	wrdreg s5  }
0xaa: {  	[dreg:$0x4] =	wrdreg $0xC0  }
0xab: {  	_ =	task [dreg:s7], $0x5FFFF  }
0xac: {  	[dreg:$0x1] =	wrdreg $0xFFFFFFFF  }
0xad: {  	[dreg:$0x0] =	wrdreg $0x60  }
0xae: {  	[dreg:$0x2] =	wrdreg s2  }
0xaf: {  	[dreg:$0x3] =	wrdreg s24  }
0xb0: {  	[dreg:$0x4] =	wrdreg $0xA0000  }
0xb1: {  	[dreg:$0x5] =	wrdreg $0x9  }
0xb2: {  	_ =	task.clear_ibuf [dreg:s7], $0x6FFFF;
	_ =	strace $0x9000004C  }
0xb3: {  	s29 =	simm.s32 $0x9;
	_ =	strace $0x8000004E  }
0xb4: {  	_ =	swait.ge [sflag:s29], $0x1  }
0xb5: {  	[sflag:s29] =	ssyncadd.s32 $0xFFFFFFFF  }
0xb6: {  	_ =	strace $0x9000004E  }
0xb7: {  	_ =	sfence  }
0xb8: {  	s30 =	sld [smem:$0x0];
	_ =	sdelay $0x2  }
0xb9: {  	s31 =	sshll.u32 s1, $0xD;
	s1 =	sshrl.u32 s1, $0x2  }
0xba: {  	s3 =	sand.u32 $0x4000, s31;
	s1 =	sadd.s32 s1, s30  }
0xbb: {  	s0 =	sor.u32 s3, s0;
	s1 =	sshll.u32 s1, $0x11  }
0xbc: {  	s0 =	sor.u32 s1, s0  }
0xbd: {  	s0 =	sadd.s32 $0x8F2B, s0  }
0xbe: {  	[sflag:s0] =	ssyncadd.remote.s32 $0x1  }
0xbf: {  	_ =	sfence.sel $0xFFFF  }
0xc0: {  	[dreg:$0x0] =	wrdreg $0xFFFFFFFF;
	(pc) =	sbr.abs _section_cstart, $3  }
0xc1: {  	[dreg:$0x1] =	wrdreg $0xFFFFFFFF  }
0xc2: {  	_ =	task.clear_ibuf [dreg:s7], $0x2FFFF;
	_ =	strace $0x9FFFFFFF  }
0xc3: {  	(tm) =	ssettm $0x7FFFFFFF  }
tec
execute0_lowered:
.L_overlay_start_1:
0x0: {  	(tag) =	ssettag $0x1  }
0x1: {  	s0 =	rddreg [dreg:$0x0]  }
0x2: {  	s1 =	rddreg [dreg:$0x1];
	s2 =	srdreg.scid  }
0x3: {  	s3 =	rddreg [dreg:$0x2];
	s10 =	stileid.u32;
	s4 =	simm.s32 $0x0  }
0x4: {  	s16 =	simm.s32 $0x2000;
	s17 =	simm.s32 $0x3;
	s19 =	simm.s32 $0x80  }
0x5: {  	s20 =	simm.s32 $0x6000;
	s21 =	simm.s32 $0x1;
	s6 =	smul.u32 $0x14000, s10  }
0x6: {  	s22 =	simm.s32 $0x2;
	s2 =	sand.u32 $0x1, s2;
	s29 =	smul.u32 $0x50000, s10  }
0x7: {  	[smem:$0x7FF] =	sst s4;
	s15 =	sadd.s32 $0x2A00, s1;
	s5 =	smul.u32 $0x140000, s2  }
0x8: {  	s7 =	sshll.u32 s2, $0x4;
	s28 =	ssub.s32 $0x2, s2;
	s2 =	smul.u32 $0x28000, s2  }
0x9: {  	_ =	strace $0x8000004D;
	s26 =	sor.u32 s10, s7;
	s10 =	smul.u32 $0x2800, s10  }
0xa: {  	s8 =	sshrl.u32 s28, $0x1;
	s5 =	sadd.s32 s6, s5;
	s6 =	smul.u32 $0x2800, s26  }
0xb: {  	s9 =	sshrl.u32 s29, $0x2;
	s11 =	ssub.s32 s28, s8;
	s26 =	simm.s32 $0x0  }
0xc: {  	s5 =	sshrl.u32 s5, $0x3;
	s31 =	sadd.s32 s10, s2;
	s6 =	sshrl.u32 s6, $0x3  }
0xd: {  	s1 =	sadd.s32 s5, s1;
	s2 =	sadd.s32 $0x50100, s31;
	s5 =	sadd.s32 s15, s6  }
0xe: {  	s6 =	sadd.s32 s9, s3;
	s1 =	sadd.s32 $0x16A00, s1;
	s9 =	smax.u32 s11, $0x1  }
0xf: {  	s2 =	sshrl.u32 s2, $0x3;
	s30 =	sadd.s32 $0xA000, s5;
	[dreg:$0x5] =	wrdreg s1  }
0x10: {  	s10 =	sadd.s32 $0x4000, s6;
	s11 =	sadd.s32 $0x8000, s6;
	s1 =	sor.u32 $0x100, s31  }
0x11: {  	s12 =	sadd.s32 $0xC000, s6;
	s13 =	sadd.s32 $0x10000, s6;
	s1 =	sshrl.u32 s1, $0x3  }
0x12: {  	v0 =	vimm.f32 $0.0e+00;
	s14 =	sadd.s32 s2, s15;
	[dreg:$0x4] =	wrdreg s30;
	s15 =	sadd.s32 s1, s15  }
.LBB2_1:
0x13: {  	s1 =	simm.s32 $0x0;
	s2 =	simm.s32 $0x200  }
.LBB2_2:
0x14: {  	p0 =	sne.s32 s2, $0xFE00;
	[tilespmem:s1+$0x2070] =	vst v0  }
0x15: {  	[tilespmem:s1+$0x2000] =	vst v0  }
0x16: {  	[tilespmem:s1+$0x2010] =	vst v0  }
.Ltmp0:
0x17: {  	[tilespmem:s1+$0x2020] =	vst v0;
	(pc) =	sbr.rel @p0 .LBB2_2-.Ltmp0, $4  }
0x18: {  	[tilespmem:s1+$0x2030] =	vst v0  }
0x19: {  	[tilespmem:s1+$0x2040] =	vst v0  }
0x1a: {  	[tilespmem:s1+$0x2050] =	vst v0  }
0x1b: {  	[tilespmem:s1+$0x2060] =	vst v0;
	s1 =	sshra.s32 s2, $0x2;
	s2 =	sadd.s32 $0x200, s2  }
0x1c: {  	[tilespmem:s1+$0x2070] =	vst v0  }
0x1d: {  	[tilespmem:s1+$0x2000] =	vst v0  }
0x1e: {  	[tilespmem:s1+$0x2010] =	vst v0  }
0x1f: {  	[tilespmem:s1+$0x2020] =	vst v0  }
0x20: {  	[tilespmem:s1+$0x2030] =	vst v0  }
0x21: {  	[tilespmem:s1+$0x2040] =	vst v0  }
0x22: {  	[tilespmem:s1+$0x2050] =	vst v0  }
0x23: {  	[tilespmem:s1+$0x2060] =	vst v0  }
0x24: {  	[spmem:s6] =	stream.linear.scatter [tilespmem:s16], [sflag:$0x3], $0x4000, $0x38;
	[tilespmem:$0x1E000] =	vst v63  }
0x25: {  	_ =	swait.ge [sflag:s17], $0x4000  }
0x26: {  	[sflag:s17] =	ssyncset.done $0x0  }
0x27: {  	[sflag:s17] =	ssyncadd.s32 $0xFFFFC000  }
0x28: {  	[spmem:s10] =	stream.linear.scatter [tilespmem:s16], [sflag:$0x3], $0x4000, $0x38;
	[tilespmem:$0x1E000] =	vst v63  }
0x29: {  	_ =	swait.ge [sflag:s17], $0x4000  }
0x2a: {  	[sflag:s17] =	ssyncset.done $0x0  }
0x2b: {  	[sflag:s17] =	ssyncadd.s32 $0xFFFFC000  }
0x2c: {  	[spmem:s11] =	stream.linear.scatter [tilespmem:s16], [sflag:$0x3], $0x4000, $0x38;
	[tilespmem:$0x1E000] =	vst v63  }
0x2d: {  	_ =	swait.ge [sflag:s17], $0x4000  }
0x2e: {  	[sflag:s17] =	ssyncset.done $0x0  }
0x2f: {  	[sflag:s17] =	ssyncadd.s32 $0xFFFFC000  }
0x30: {  	[spmem:s12] =	stream.linear.scatter [tilespmem:s16], [sflag:$0x3], $0x4000, $0x38;
	[tilespmem:$0x1E000] =	vst v63  }
0x31: {  	_ =	swait.ge [sflag:s17], $0x4000  }
0x32: {  	[sflag:s17] =	ssyncset.done $0x0  }
0x33: {  	[sflag:s17] =	ssyncadd.s32 $0xFFFFC000  }
0x34: {  	[spmem:s13] =	stream.linear.scatter [tilespmem:s16], [sflag:$0x3], $0x4000, $0x38;
	[tilespmem:$0x1E000] =	vst v63  }
0x35: {  	_ =	swait.ge [sflag:s17], $0x4000  }
0x36: {  	[sflag:s17] =	ssyncset.done $0x0  }
0x37: {  	[sflag:s17] =	ssyncadd.s32 $0xFFFFC000  }
0x38: {  	[tilespmem:s4], [sflag:$0x3] =	stream.linear.gather [hbm4b:s5+s4], $0x800, $0x38;
	[tilespmem:$0x1E000] =	vst v63  }
0x39: {  	_ =	swait.ge [sflag:s17], $0x800  }
0x3a: {  	[sflag:s17] =	ssyncset.done $0x0  }
0x3b: {  	s2 =	simm.s32 $0x1000;
	s8 =	rddreg [dreg:$0x4];
	[sflag:s17] =	ssyncadd.s32 $0xFFFFF800  }
0x3c: {  	[tilespmem:s2], [sflag:$0x3] =	stream.linear.gather [hbm4b:s8+s4], $0x800, $0x38;
	[tilespmem:$0x1E000] =	vst v63  }
0x3d: {  	_ =	swait.ge [sflag:s17], $0x800  }
0x3e: {  	[sflag:s17] =	ssyncset.done $0x0  }
0x3f: {  	s18 =	simm.s32 $0x0;
	[sflag:s17] =	ssyncadd.s32 $0xFFFFF800  }
0x40: {  	s1 =	sand.u32 $0xF00, s18;
	[bflag:$0x0] =	sbarrier.arrive $0xFFFF  }
0x41: {  	[tilespmem:s16], [sflag:$0x1] =	stream.indirect.gather [hbm4b:s0+s19], $0x80, s4, s19, $0xb8;
	[tilespmem:$0x1E000] =	vst v63  }
0x42: {  	s23 =	sor.u32 $0x80, s1  }
0x43: {  	[tilespmem:s20], [sflag:$0x2] =	stream.indirect.gather [hbm4b:s0+s19], $0x80, s23, s19, $0xb8;
	[tilespmem:$0x1E000] =	vst v63  }
0x44: {  	_ =	swait.ge [sflag:s21], $0x4000  }
0x45: {  	s28 =	simm.s32 $0x2;
	[sflag:s21] =	ssyncset.done $0x0  }
0x46: {  	s28 =	sand.u32 $0xE, s28;
	s1 =	sor.u32 $0x1000, s1;
	[sflag:s21] =	ssyncadd.s32 $0xFFFFC000  }
0x47: {  	[spmem:s3] =	stream.indirect.scatter.add.f32 [tilespmem:s16], [sflag:$0x3], $0x80, s1, s19, $0xb8;
	[tilespmem:$0x1E000] =	vst v63  }
0x48: {  	p0 =	sne.s32 s28, $0x0;
	_ =	swait.ge [sflag:s17], $0x4000  }
0x49: {  	s30 =	simm.s32 @!p0 $0x0;
	s1 =	simm.s32 $0x100;
	[sflag:s17] =	ssyncset.done $0x0  }
0x4a: {  	s31 =	simm.s32 @!p0 $0x3;
	s29 =	sand.u32 @!p0 $0x800, s1;
	[sflag:s17] =	ssyncadd.s32 $0xFFFFC000  }
0x4b: {  	[tilespmem:s29], [sflag:$0x3] =	stream.linear.gather @!p0 [hbm4b:s15+s30], $0x800, $0x38;
	[tilespmem:$0x1E000] =	vst v63  }
0x4c: {  	_ =	swait.ge @!p0 [sflag:s31], $0x800  }
0x4d: {  	[sflag:s31] =	ssyncset.done @!p0 $0x0  }
0x4e: {  	s18 =	sor.u32 @!p0 $0x1000, s29;
	[sflag:s31] =	ssyncadd.s32 @!p0 $0xFFFFF800  }
0x4f: {  	[tilespmem:s18], [sflag:$0x3] =	stream.linear.gather @!p0 [hbm4b:s14+s30], $0x800, $0x38;
	[tilespmem:$0x1E000] =	vst v63  }
0x50: {  	s1 =	sand.u32 @p0 $0x800, s1;
	_ =	swait.ge @!p0 [sflag:s31], $0x800  }
0x51: {  	s24 =	sshll.u32 s28, $0x7;
	s29 =	smov.u32 @p0 s1;
	[sflag:s31] =	ssyncset.done @!p0 $0x0  }
0x52: {  	s1 =	sadd.s32 s24, s29;
	[sflag:s31] =	ssyncadd.s32 @!p0 $0xFFFFF800  }
0x53: {  	[tilespmem:s16], [sflag:$0x1] =	stream.indirect.gather [hbm4b:s0+s19], $0x80, s1, s19, $0xb8;
	[tilespmem:$0x1E000] =	vst v63  }
0x54: {  	s25 =	simm.s32 $0x100;
	s28 =	simm.s32 $0x200;
	_ =	swait.ge [sflag:s22], $0x4000  }
0x55: {  	s2 =	sor.u32 $0x1000, s23;
	s29 =	sadd.s32 $0x20, s14;
	[sflag:s22] =	ssyncset.done $0x0  }
0x56: {  	s30 =	sadd.s32 $0x20, s15;
	s31 =	simm.s32 $0x4;
	[sflag:s22] =	ssyncadd.s32 $0xFFFFC000  }
0x57: {  	[spmem:s3] =	stream.indirect.scatter.add.f32 [tilespmem:s20], [sflag:$0x3], $0x80, s2, s19, $0xb8;
	[tilespmem:$0x1E000] =	vst v63  }
0x58: {  	s1 =	simm.s32 $0x6;
	s2 =	sand.u32 $0xF00, s25;
	_ =	swait.ge [sflag:s17], $0x4000  }
.LBB2_4:
0x59: {  	s18 =	sor.u32 $0x80, s2  }
0x5a: {  	[sflag:s17] =	ssyncset.done $0x0;
	s23 =	smov.u32 s1;
	s1 =	sadd.s32 $0x2, s1  }
0x5b: {  	p0 =	sne.s32 s1, $0x50;
	[sflag:s17] =	ssyncadd.s32 $0xFFFFC000  }
0x5c: {  	[tilespmem:s20], [sflag:$0x2] =	stream.indirect.gather [hbm4b:s0+s19], $0x80, s18, s19, $0xb8;
	[tilespmem:$0x1E000] =	vst v63  }
0x5d: {  	_ =	swait.ge [sflag:s21], $0x4000  }
0x5e: {  	s2 =	sor.u32 $0x1000, s2;
	[sflag:s21] =	ssyncset.done $0x0  }
0x5f: {  	s24 =	sand.u32 $0xE, s31;
	s31 =	smov.u32 s23;
	[sflag:s21] =	ssyncadd.s32 $0xFFFFC000  }
0x60: {  	[spmem:s3] =	stream.indirect.scatter.add.f32 [tilespmem:s16], [sflag:$0x3], $0x80, s2, s19, $0xb8;
	[tilespmem:$0x1E000] =	vst v63  }
0x61: {  	p1 =	sne.s32 s24, $0x0;
	_ =	swait.ge [sflag:s17], $0x4000  }
0x62: {  	s23 =	simm.s32 @!p1 $0x0;
	s2 =	sand.u32 @!p1 $0x800, s28;
	[sflag:s17] =	ssyncset.done $0x0  }
0x63: {  	s25 =	simm.s32 @!p1 $0x3;
	s7 =	sor.u32 @!p1 $0x1000, s2;
	[sflag:s17] =	ssyncadd.s32 $0xFFFFC000  }
0x64: {  	[tilespmem:s2], [sflag:$0x3] =	stream.linear.gather @!p1 [hbm4b:s30+s23], $0x800, $0x38;
	[tilespmem:$0x1E000] =	vst v63  }
0x65: {  	s8 =	sand.u32 @p1 $0x800, s28;
	_ =	swait.ge @!p1 [sflag:s25], $0x800  }
0x66: {  	s2 =	smov.u32 @p1 s8;
	[sflag:s25] =	ssyncset.done @!p1 $0x0  }
0x67: {  	[sflag:s25] =	ssyncadd.s32 @!p1 $0xFFFFF800  }
0x68: {  	[tilespmem:s7], [sflag:$0x3] =	stream.linear.gather @!p1 [hbm4b:s29+s23], $0x800, $0x38;
	[tilespmem:$0x1E000] =	vst v63  }
0x69: {  	s7 =	sshll.u32 s24, $0x7;
	_ =	swait.ge @!p1 [sflag:s25], $0x800  }
0x6a: {  	s2 =	sadd.s32 s7, s2;
	[sflag:s25] =	ssyncset.done @!p1 $0x0  }
0x6b: {  	[sflag:s25] =	ssyncadd.s32 @!p1 $0xFFFFF800  }
0x6c: {  	[tilespmem:s16], [sflag:$0x1] =	stream.indirect.gather [hbm4b:s0+s19], $0x80, s2, s19, $0xb8;
	[tilespmem:$0x1E000] =	vst v63  }
.Ltmp1:
0x6d: {  	_ =	swait.ge [sflag:s22], $0x4000;
	(pc) =	sbr.rel @p0 .LBB2_4-.Ltmp1, $4  }
0x6e: {  	s28 =	sadd.s32 $0x100, s28;
	s2 =	sor.u32 $0x1000, s18;
	[sflag:s22] =	ssyncset.done $0x0  }
0x6f: {  	s30 =	sadd.s32 $0x20, s30;
	s7 =	sadd.s32 $0xFFFFFF00, s28;
	[sflag:s22] =	ssyncadd.s32 $0xFFFFC000  }
0x70: {  	[spmem:s3] =	stream.indirect.scatter.add.f32 [tilespmem:s20], [sflag:$0x3], $0x80, s2, s19, $0xb8;
	[tilespmem:$0x1E000] =	vst v63  }
0x71: {  	s29 =	sadd.s32 $0x20, s29;
	s2 =	sand.u32 $0xF00, s7;
	_ =	swait.ge [sflag:s17], $0x4000  }
0x72: {  	[sflag:s17] =	ssyncset.done $0x0  }
0x73: {  	s1 =	sor.u32 $0x80, s2;
	[sflag:s17] =	ssyncadd.s32 $0xFFFFC000  }
0x74: {  	[tilespmem:s20], [sflag:$0x2] =	stream.indirect.gather [hbm4b:s0+s19], $0x80, s1, s19, $0xb8;
	[tilespmem:$0x1E000] =	vst v63  }
0x75: {  	_ =	swait.ge [sflag:s21], $0x4000  }
0x76: {  	[sflag:s21] =	ssyncset.done $0x0  }
0x77: {  	s23 =	sor.u32 $0x1000, s2;
	s7 =	sand.u32 $0xE, s31;
	[sflag:s21] =	ssyncadd.s32 $0xFFFFC000  }
0x78: {  	[spmem:s3] =	stream.indirect.scatter.add.f32 [tilespmem:s16], [sflag:$0x3], $0x80, s23, s19, $0xb8;
	[tilespmem:$0x1E000] =	vst v63  }
0x79: {  	p0 =	sne.s32 s7, $0x0;
	_ =	swait.ge [sflag:s17], $0x4000  }
0x7a: {  	s2 =	sand.u32 @!p0 $0x800, s28;
	[sflag:s17] =	ssyncset.done $0x0  }
0x7b: {  	s8 =	simm.s32 @!p0 $0x0;
	s18 =	simm.s32 @!p0 $0x3;
	[sflag:s17] =	ssyncadd.s32 $0xFFFFC000  }
0x7c: {  	[tilespmem:s2], [sflag:$0x3] =	stream.linear.gather @!p0 [hbm4b:s30+s8], $0x800, $0x38;
	[tilespmem:$0x1E000] =	vst v63  }
0x7d: {  	_ =	swait.ge @!p0 [sflag:s18], $0x800  }
0x7e: {  	[sflag:s18] =	ssyncset.done @!p0 $0x0  }
0x7f: {  	s23 =	sor.u32 @!p0 $0x1000, s2;
	[sflag:s18] =	ssyncadd.s32 @!p0 $0xFFFFF800  }
0x80: {  	[tilespmem:s23], [sflag:$0x3] =	stream.linear.gather @!p0 [hbm4b:s29+s8], $0x800, $0x38;
	[tilespmem:$0x1E000] =	vst v63  }
0x81: {  	s8 =	sand.u32 @p0 $0x800, s28;
	_ =	swait.ge @!p0 [sflag:s18], $0x800  }
0x82: {  	s7 =	sshll.u32 s7, $0x7;
	s2 =	smov.u32 @p0 s8;
	[sflag:s18] =	ssyncset.done @!p0 $0x0  }
0x83: {  	s2 =	sadd.s32 s7, s2;
	[sflag:s18] =	ssyncadd.s32 @!p0 $0xFFFFF800  }
0x84: {  	[tilespmem:s16], [sflag:$0x1] =	stream.indirect.gather [hbm4b:s0+s19], $0x80, s2, s19, $0xb8;
	[tilespmem:$0x1E000] =	vst v63  }
0x85: {  	_ =	swait.ge [sflag:s22], $0x4000  }
0x86: {  	[sflag:s22] =	ssyncset.done $0x0  }
0x87: {  	s1 =	sor.u32 $0x1000, s1;
	[sflag:s22] =	ssyncadd.s32 $0xFFFFC000  }
0x88: {  	[spmem:s3] =	stream.indirect.scatter.add.f32 [tilespmem:s20], [sflag:$0x3], $0x80, s1, s19, $0xb8;
	[tilespmem:$0x1E000] =	vst v63  }
0x89: {  	_ =	swait.ge [sflag:s17], $0x4000  }
0x8a: {  	[sflag:s17] =	ssyncset.done $0x0  }
0x8b: {  	s24 =	simm.s32 $0x780;
	[sflag:s17] =	ssyncadd.s32 $0xFFFFC000  }
0x8c: {  	[tilespmem:s20], [sflag:$0x2] =	stream.indirect.gather [hbm4b:s0+s19], $0x80, s24, s19, $0xb8;
	[tilespmem:$0x1E000] =	vst v63  }
0x8d: {  	_ =	swait.ge [sflag:s21], $0x4000  }
0x8e: {  	[sflag:s21] =	ssyncset.done $0x0  }
0x8f: {  	s25 =	simm.s32 $0x1700;
	[sflag:s21] =	ssyncadd.s32 $0xFFFFC000  }
0x90: {  	[spmem:s3] =	stream.indirect.scatter.add.f32 [tilespmem:s16], [sflag:$0x3], $0x80, s25, s19, $0xb8;
	[tilespmem:$0x1E000] =	vst v63  }
0x91: {  	_ =	swait.ge [sflag:s17], $0x4000  }
0x92: {  	[sflag:s17] =	ssyncset.done $0x0  }
0x93: {  	[sflag:s17] =	ssyncadd.s32 $0xFFFFC000  }
0x94: {  	_ =	swait.ge [sflag:s22], $0x4000  }
0x95: {  	[sflag:s22] =	ssyncset.done $0x0  }
0x96: {  	s28 =	simm.s32 $0x1780;
	[sflag:s22] =	ssyncadd.s32 $0xFFFFC000  }
0x97: {  	[spmem:s3] =	stream.indirect.scatter.add.f32 [tilespmem:s20], [sflag:$0x3], $0x80, s28, s19, $0xb8;
	[tilespmem:$0x1E000] =	vst v63  }
0x98: {  	_ =	swait.ge [sflag:s17], $0x4000  }
0x99: {  	s26 =	sadd.s32 $0x1, s26;
	[sflag:s17] =	ssyncset.done $0x0  }
0x9a: {  	s30 =	sshrl.u32 s6, $0x3;
	s29 =	stileid.u32;
	[sflag:s17] =	ssyncadd.s32 $0xFFFFC000  }
0x9b: {  	p0 =	sne.s32 s26, s9;
	s1 =	sshll.u32 s29, $0x6;
	[bflag:$0x0] =	sbarrier.arrive $0xFFFF  }
.Ltmp2:
0x9c: {  	s1 =	sor.u32 $0x1C03, s1;
	s31 =	rddreg [dreg:$0x5];
	(pc) =	sbr.rel @p0 .LBB2_1-.Ltmp2, $4  }
0x9d: {  	[hbm:s31], [sflag:s1] =	dma.local [spmem:s30], $0x2800  }
0x9e: {  	_ =	swait.ge [sflag:s17], $0x2800  }
0x9f: {  	[sflag:s17] =	ssyncset.done $0x0  }
0xa0: {  	[sflag:s17] =	ssyncadd.s32 $0xFFFFD800  }
0xa1: {  	_ =	sfence.sel $0x180000  }
0xa2: {  	[bflag:$0x0] =	sbarrier.arrive $0xFFFF  }
0xa3: {  	_ =	strace $0x9000004D  }
0xa4: {  	s0 =	stileid.u32;
	[bflag:$0x2] =	sbarrier.arrive $0xFFFF  }
0xa5: {  	p0 =	sne.s32 s0, $0x0;
	s0 =	rddreg [dreg:$0x3]  }
0xa6: {  	s0 =	sadd.s32 @!p0 $0x100000, s0  }
0xa7: {  	[sflag:s0] =	ssyncadd.tile.s32 @!p0 $0x1;
	_ =	shalt  }
.Lfunc_end2:
_tile_overlayer_lowered:
.L_overlay_start_2:
0xa8: {  	(tag) =	ssettag $0x2  }
0xa9: {  	s0 =	rddreg [dreg:$0x0];
	s2 =	stileid.u32  }
0xaa: {  	s1 =	rddreg [dreg:$0x1];
	p0 =	sne.s32 s2, $0x0  }
0xab: {  	s3 =	rddreg [dreg:$0x2];
	[bflag:$0x3] =	sbarrier.arrive $0xFFFF;
	s2 =	simm.s32 @!p0 $0x1C03  }
0xac: {  	[timem:s3], [sflag:s2] =	dma.local @!p0 [hbm:s0], s1  }
0xad: {  	s0 =	simm.s32 @!p0 $0x3  }
0xae: {  	_ =	swait.ge @!p0 [sflag:s0], s1  }
0xaf: {  	s1 =	ssub.s32 @!p0 $0x0, s1;
	[sflag:s0] =	ssyncset.done @!p0 $0x0  }
0xb0: {  	[sflag:s0] =	ssyncadd.s32 @!p0 s1  }
0xb1: {  	[bflag:$0x3] =	sbarrier.arrive $0xFFFF  }
0xb2: {  	_ =	shalt  }

// kernel: kernel.8.cloned.1.call-start
scs
__scs_entry_jumppad:
0x0: {  	(pc) =	sbr.rel $0x88, $3  }
0x1: {  	(tag) =	ssettag $0x0;
	lr =	simm.s32 $0x1  }
0x2: {  	[smem:$0x3F9B] =	sst lr;
	_ =	strace $0xD0000000  }
0x3: {  	_ = 	snop  }
0x4: {  	_ = 	snop  }
0x5: {  	_ = 	snop  }
0x6: {  	_ = 	snop  }
0x7: {  	_ = 	snop  }
__scs_overlays_trampoline_lowered:
0x8: {  	[smem:$0x3FAA] =	sst s0  }
0x9: {  	[smem:$0x3FAB] =	sst s1  }
0xa: {  	[smem:$0x3FAC] =	sst s2  }
0xb: {  	[smem:$0x3FAD] =	sst s3  }
0xc: {  	[smem:$0x3FAE] =	sst s4  }
0xd: {  	[smem:$0x3FAF] =	sst s5  }
0xe: {  	[smem:$0x3FB0] =	sst s6  }
0xf: {  	[smem:$0x3FB1] =	sst s7  }
0x10: {  	[smem:$0x3FB2] =	sst s8  }
0x11: {  	[smem:$0x3FB3] =	sst s9;
	s0 =	simm.s32 @!p0 $0x0  }
0x12: {  	s1 =	sld [smem:$0x3F99];
	s0 =	simm.s32 @p0 $0x1  }
0x13: {  	[smem:$0x3FB4] =	sst s0;
	s0 =	simm.s32 @!p1 $0x0  }
0x14: {  	s2 =	sld [smem:$0x3F98];
	s0 =	simm.s32 @p1 $0x1  }
0x15: {  	[smem:$0x3FB5] =	sst s0;
	s0 =	simm.s32 @!p2 $0x0  }
0x16: {  	s3 =	sld [smem:$0x3FDB];
	s0 =	simm.s32 @p2 $0x1  }
0x17: {  	s4 =	simm.s32 $0x1BF5;
	[smem:$0x3FB7] =	sst s0  }
0x18: {  	s0 =	sld [smem:$0x3F9A];
	_ =	swait.ge [sflag:s4], $0x0  }
0x19: {  	s7 =	sld [smem:$0x3F9B]  }
0x1a: {  	s8 =	sadd.s32 $0xFFFFE003, lr  }
0x1b: {  	s9 =	sadd.s32 $0xFFFFFEF7, lr;
	s5 =	simm.s32 $0xFFFFFFFF;
	p2 =	slt.u32 s8, $0xFFFFF086  }
0x1c: {  	p1 =	slt.u32 s9, $0xF7A;
	s5 =	simm.s32 @!p2 $0x0  }
0x1d: {  	s5 =	simm.s32 @p1 $0x1;
	p0 =	seq.s32 s7, s2  }
0x1e: {  	s7 =	smul.u32 @!p0 $0xF7A, s2;
	p2 =	seq.s32 @!p0 s5, $0x0  }
0x1f: {  	s9 =	smul.u32 $0xF7A, s1;
	s8 =	simm.s32 @!p0 $0x1BF5;
	p2 =	por !p2, p0  }
0x20: {  	[sflag:s8] =	ssyncset.s32 @!p0 $0xFFFFF086;
	s6 =	sadd.s32 @!p0 s3, s7;
	s7 =	simm.s32 @!p0 $0x108  }
0x21: {  	s3 =	sadd.s32 s3, s9;
	s6 =	sadd.s32 @!p0 $0x88, s6;
	s7 =	simm.s32 @p2 $0x1082  }
0x22: {  	[simem:s7], [sflag:s8] =	dma.local @!p0 [hbm:s6], $0xF7A  }
0x23: {  	s9 =	sor.u32 $0xD0000000, s2;
	s6 =	simm.s32 $0x108;
	_ =	swait.ge @!p0 [sflag:s8], $0x0  }
0x24: {  	s3 =	sadd.s32 $0x88, s3;
	s6 =	simm.s32 @!p1 $0x1082;
	[sflag:s4] =	ssyncset.s32 $0xFFFFF086  }
0x25: {  	[simem:s6], [sflag:s4] =	dma.local [hbm:s3], $0xF7A  }
0x26: {  	[smem:$0x3F9B] =	sst s1;
	(tag) =	ssettag s2;
	_ =	strace s9  }
0x27: {  	s1 =	sld [smem:$0x3FAB]  }
0x28: {  	s2 =	sld [smem:$0x3FAC]  }
0x29: {  	s4 =	sld [smem:$0x3FAE]  }
0x2a: {  	p0 =	seq.s32 s5, $0x0;
	s5 =	sld [smem:$0x3FAF]  }
0x2b: {  	s6 =	sld [smem:$0x3FB0]  }
0x2c: {  	s7 =	sld [smem:$0x3FB1]  }
0x2d: {  	s3 =	simm.s32 $0x108;
	s8 =	sld [smem:$0x3FB2]  }
0x2e: {  	s3 =	simm.s32 @!p0 $0x1082;
	s9 =	sld [smem:$0x3FB3]  }
0x2f: {  	lr =	sadd.s32 s0, s3;
	s0 =	sld [smem:$0x3FAA]  }
0x30: {  	s3 =	sld [smem:$0x3FAD]  }
0x31: {  	[smem:$0x3FB6] =	sst s10  }
0x32: {  	s10 =	sld [smem:$0x3FB4];
	_ =	sdelay $0x3  }
0x33: {  	p0 =	seq.s32 s10, $0x1;
	s10 =	sld [smem:$0x3FB6];
	_ =	sdelay $0x3  }
0x34: {  	[smem:$0x3FB6] =	sst s10  }
0x35: {  	s10 =	sld [smem:$0x3FB5];
	_ =	sdelay $0x3  }
0x36: {  	p1 =	seq.s32 s10, $0x1;
	s10 =	sld [smem:$0x3FB6];
	_ =	sdelay $0x3  }
0x37: {  	[smem:$0x3FB6] =	sst s10  }
0x38: {  	s10 =	sld [smem:$0x3FB7]  }
0x39: {  	_ = 	snop;
	(pc) =	sbr.ind lr, $3  }
0x3a: {  	_ = 	snop  }
0x3b: {  	_ = 	snop  }
0x3c: {  	p2 =	seq.s32 s10, $0x1;
	s10 =	sld [smem:$0x3FB6]  }
0x3d: {  	_ =	shalt  }
0x3e: {  	_ =	shalt  }
0x3f: {  	_ =	shalt  }
0x40: {  	_ =	shalt  }
0x41: {  	_ =	shalt  }
0x42: {  	_ =	shalt  }
0x43: {  	_ =	shalt  }
0x44: {  	_ =	shalt  }
0x45: {  	_ =	shalt  }
0x46: {  	_ =	shalt  }
0x47: {  	_ =	shalt  }
0x48: {  	_ =	shalt  }
0x49: {  	_ =	shalt  }
0x4a: {  	_ =	shalt  }
0x4b: {  	_ =	shalt  }
0x4c: {  	_ =	shalt  }
0x4d: {  	_ =	shalt  }
0x4e: {  	_ =	shalt  }
0x4f: {  	_ =	shalt  }
0x50: {  	_ =	shalt  }
0x51: {  	_ =	shalt  }
0x52: {  	_ =	shalt  }
0x53: {  	_ =	shalt  }
0x54: {  	_ =	shalt  }
0x55: {  	_ =	shalt  }
0x56: {  	_ =	shalt  }
0x57: {  	_ =	shalt  }
0x58: {  	_ =	shalt  }
0x59: {  	_ =	shalt  }
0x5a: {  	_ =	shalt  }
0x5b: {  	_ =	shalt  }
0x5c: {  	_ =	shalt  }
0x5d: {  	_ =	shalt  }
0x5e: {  	_ =	shalt  }
0x5f: {  	_ =	shalt  }
0x60: {  	_ =	shalt  }
0x61: {  	_ =	shalt  }
0x62: {  	_ =	shalt  }
0x63: {  	_ =	shalt  }
0x64: {  	_ =	shalt  }
0x65: {  	_ =	shalt  }
0x66: {  	_ =	shalt  }
0x67: {  	_ =	shalt  }
0x68: {  	_ =	shalt  }
0x69: {  	_ =	shalt  }
0x6a: {  	_ =	shalt  }
0x6b: {  	_ =	shalt  }
0x6c: {  	_ =	shalt  }
0x6d: {  	_ =	shalt  }
0x6e: {  	_ =	shalt  }
0x6f: {  	_ =	shalt  }
0x70: {  	_ =	shalt  }
0x71: {  	_ =	shalt  }
0x72: {  	_ =	shalt  }
0x73: {  	_ =	shalt  }
0x74: {  	_ =	shalt  }
0x75: {  	_ =	shalt  }
0x76: {  	_ =	shalt  }
0x77: {  	_ =	shalt  }
0x78: {  	_ =	shalt  }
0x79: {  	_ =	shalt  }
0x7a: {  	_ =	shalt  }
0x7b: {  	_ =	shalt  }
0x7c: {  	_ =	shalt  }
0x7d: {  	_ =	shalt  }
0x7e: {  	_ =	shalt  }
0x7f: {  	_ =	shalt  }
0x80: {  	_ =	shalt  }
0x81: {  	_ =	shalt  }
0x82: {  	_ =	shalt  }
0x83: {  	_ =	shalt  }
0x84: {  	_ =	shalt  }
0x85: {  	_ =	shalt  }
0x86: {  	_ =	shalt  }
0x87: {  	_ =	shalt  }
.Lfunc_end0:
.L_simem_size_0:
called_computation_lowered:
.L_overlay_start_0:
0x88: {  	s2 =	sld [smem:$0x3FD9]  }
0x89: {  	s3 =	sld [smem:$0x3FFE];
	_ =	sdelay $0x1  }
0x8a: {  	s1 =	srdreg.scid  }
0x8b: {  	s0 =	sand.u32 $0x1, s1  }
0x8c: {  	s17 =	sshll.u32 s0, $0xA;
	s2 =	sadd.s32 s3, s2  }
0x8d: {  	s2 =	sadd.s32 s2, s17  }
0x8e: {  	[smem:$0x3FC2] =	sst s2  }
0x8f: {  	_ = 	snop  }
0x90: {  	s2 =	sld [smem:$0x3FD0];
	(tm) =	ssettm $0x1  }
0x91: {  	s18 =	sld [smem:$0x3FFB];
	_ =	sdelay $0x3  }
0x92: {  	_ =	strace s18  }
0x93: {  	s3 =	sld [smem:$0x3FFC];
	_ =	sdelay $0x3  }
0x94: {  	_ =	strace s3  }
0x95: {  	s3 =	sld [smem:$0x3FFD];
	_ =	sdelay $0x3  }
0x96: {  	_ =	strace s3  }
0x97: {  	_ =	strace $0x8FFFFFFF  }
0x98: {  	s19 =	sld [smem:$0x3FDB];
	_ =	sdelay $0x1  }
0x99: {  	s4 =	simm.s32 $_scs_section_size  }
0x9a: {  	s5 =	simm.s32 $_size__tile_overlayer_lowered;
	s6 =	simm.s32 $_tile_overlayer_lowered  }
0x9b: {  	s22 =	simm.s32 $0x1BFF;
	s21 =	sshll.u32 s6, $0x1;
	s3 =	sadd.s32 s4, s19  }
0x9c: {  	s7 =	simm.s32 $0x0;
	s20 =	sshll.u32 s5, $0x1;
	s5 =	sadd.s32 s21, s3  }
0x9d: {  	[timem:s7], [sflag:s22] =	dma.local [hbm:s5], s20  }
0x9e: {  	_ =	swait.ge [sflag:s22], s20  }
0x9f: {  	s4 =	ssub.s32 $0x0, s20;
	[sflag:s22] =	ssyncset.done $0x0  }
0xa0: {  	[sflag:s22] =	ssyncadd.s32 s4;
	_ =	sdelay $0x1  }
0xa1: {  	s23 =	simm.s32 $0x1B8B  }
0xa2: {  	_ =	swait.ge [sflag:s23], $0x1  }
0xa3: {  	[sflag:s23] =	ssyncset.done $0x0  }
0xa4: {  	s25 =	simm.s32 $0x1B8E;
	s24 =	sld [smem:$0x3FFE];
	[sflag:s23] =	ssyncadd.s32 $0xFFFFFFFF  }
0xa5: {  	s26 =	simm.s32 $execute0_lowered;
	[smem:$0x3FD2] =	sst s25  }
0xa6: {  	s5 =	sshll.u32 s26, $0x1;
	_ =	strace $0x80000046;
	[dreg:$0x1] =	wrdreg $0xFFFFFFFF  }
0xa7: {  	s28 =	simm.s32 $_size_execute0_lowered;
	s3 =	sadd.s32 s3, s5;
	[dreg:$0x0] =	wrdreg $0x0  }
0xa8: {  	s5 =	sshll.u32 s28, $0x1;
	[dreg:$0x2] =	wrdreg s3  }
0xa9: {  	[dreg:$0x3] =	wrdreg s5  }
0xaa: {  	[dreg:$0x4] =	wrdreg $0xC0  }
0xab: {  	_ =	task [dreg:s7], $0x5FFFF  }
0xac: {  	[dreg:$0x1] =	wrdreg $0xFFFFFFFF  }
0xad: {  	[dreg:$0x0] =	wrdreg $0x60  }
0xae: {  	[dreg:$0x2] =	wrdreg s24  }
0xaf: {  	[dreg:$0x3] =	wrdreg s2  }
0xb0: {  	[dreg:$0x4] =	wrdreg $0x2B000  }
0xb1: {  	[dreg:$0x5] =	wrdreg $0x9  }
0xb2: {  	_ =	task.clear_ibuf [dreg:s7], $0x6FFFF;
	_ =	strace $0x90000046  }
0xb3: {  	s29 =	simm.s32 $0x9;
	_ =	strace $0x80000048  }
0xb4: {  	_ =	swait.ge [sflag:s29], $0x1  }
0xb5: {  	[sflag:s29] =	ssyncadd.s32 $0xFFFFFFFF  }
0xb6: {  	_ =	strace $0x90000048  }
0xb7: {  	_ =	sfence  }
0xb8: {  	s30 =	sld [smem:$0x0];
	_ =	sdelay $0x2  }
0xb9: {  	s31 =	sshll.u32 s1, $0xD;
	s1 =	sshrl.u32 s1, $0x2  }
0xba: {  	s3 =	sand.u32 $0x4000, s31;
	s1 =	sadd.s32 s1, s30  }
0xbb: {  	s0 =	sor.u32 s3, s0;
	s1 =	sshll.u32 s1, $0x11  }
0xbc: {  	s0 =	sor.u32 s1, s0  }
0xbd: {  	s0 =	sadd.s32 $0x8F2B, s0  }
0xbe: {  	[sflag:s0] =	ssyncadd.remote.s32 $0x1  }
0xbf: {  	_ =	sfence.sel $0xFFFF  }
0xc0: {  	[dreg:$0x0] =	wrdreg $0xFFFFFFFF;
	(pc) =	sbr.abs _section_cstart, $3  }
0xc1: {  	[dreg:$0x1] =	wrdreg $0xFFFFFFFF  }
0xc2: {  	_ =	task.clear_ibuf [dreg:s7], $0x2FFFF;
	_ =	strace $0x9FFFFFFF  }
0xc3: {  	(tm) =	ssettm $0x7FFFFFFF  }
tec
execute0_lowered:
.L_overlay_start_1:
0x0: {  	(tag) =	ssettag $0x1  }
0x1: {  	s4 =	rddreg [dreg:$0x0]  }
0x2: {  	s6 =	rddreg [dreg:$0x1]  }
0x3: {  	s0 =	srdreg.scid;
	s2 =	rddreg [dreg:$0x2]  }
0x4: {  	s3 =	simm.s32 $0x0;
	s5 =	sand.u32 $0x1, s0;
	s0 =	stileid.u32  }
0x5: {  	s11 =	simm.s32 $0x2800;
	s12 =	simm.s32 $0x0;
	s8 =	smul.u32 $0x280, s0  }
0x6: {  	[smem:$0x7FF] =	sst s3;
	s1 =	sshll.u32 s5, $0x4;
	s9 =	smul.u32 $0x2800, s5  }
0x7: {  	s5 =	ssub.s32 $0x2, s5;
	s7 =	sor.u32 s0, s1;
	s1 =	rddreg [dreg:$0x3]  }
0x8: {  	s10 =	sshrl.u32 s5, $0x1;
	s7 =	smul.u32 $0x2800, s7;
	s9 =	sadd.s32 s8, s9  }
0x9: {  	_ =	strace $0x80000047;
	s10 =	ssub.s32 s5, s10;
	s31 =	sshrl.u32 s9, $0x3  }
0xa: {  	s9 =	simm.s32 $0x1;
	s7 =	sshrl.u32 s7, $0x3;
	s6 =	sadd.s32 s6, s31  }
0xb: {  	s30 =	sadd.s32 s4, s7;
	s4 =	sadd.s32 s8, s2;
	s7 =	smax.u32 s10, $0x1  }
0xc: {  	v0 =	vimm.f32 $1.000000000e+00;
	v1 =	vimm.f32 $0.0e+00;
	s8 =	simm.s32 $0x2880;
	s10 =	simm.s32 $0x80;
	s5 =	sadd.s32 $0xCA00, s30  }
.LBB2_1:
0xd: {  	[tilespmem:$0x2800] =	vst v0  }
0xe: {  	[tilespmem:$0x2810] =	vst v0  }
0xf: {  	[tilespmem:$0x2820] =	vst v0  }
0x10: {  	[tilespmem:$0x2830] =	vst v0  }
0x11: {  	[tilespmem:$0x2840] =	vst v0  }
0x12: {  	[tilespmem:$0x2850] =	vst v0  }
0x13: {  	[tilespmem:$0x2860] =	vst v0  }
0x14: {  	[tilespmem:$0x2870] =	vst v0  }
0x15: {  	[tilespmem:$0x2880] =	vst v1  }
0x16: {  	[tilespmem:$0x2890] =	vst v1  }
0x17: {  	[tilespmem:$0x28A0] =	vst v1  }
0x18: {  	[tilespmem:$0x28B0] =	vst v1  }
0x19: {  	[tilespmem:$0x28C0] =	vst v1  }
0x1a: {  	[tilespmem:$0x28D0] =	vst v1  }
0x1b: {  	[tilespmem:$0x28E0] =	vst v1  }
0x1c: {  	[tilespmem:$0x28F0] =	vst v1  }
0x1d: {  	[tilespmem:$0x2900] =	vst v1  }
0x1e: {  	[tilespmem:$0x2910] =	vst v1  }
0x1f: {  	[tilespmem:$0x2920] =	vst v1  }
0x20: {  	[tilespmem:$0x2930] =	vst v1  }
0x21: {  	[tilespmem:$0x2940] =	vst v1  }
0x22: {  	[tilespmem:$0x2950] =	vst v1  }
0x23: {  	[tilespmem:$0x2960] =	vst v1  }
0x24: {  	[tilespmem:$0x2970] =	vst v1  }
0x25: {  	[tilespmem:$0x2980] =	vst v1  }
0x26: {  	[tilespmem:$0x2990] =	vst v1  }
0x27: {  	[tilespmem:$0x29A0] =	vst v1  }
0x28: {  	[tilespmem:$0x29B0] =	vst v1  }
0x29: {  	[tilespmem:$0x29C0] =	vst v1  }
0x2a: {  	[tilespmem:$0x29D0] =	vst v1  }
0x2b: {  	[tilespmem:$0x29E0] =	vst v1  }
0x2c: {  	[tilespmem:$0x29F0] =	vst v1  }
0x2d: {  	[tilespmem:$0x2A00] =	vst v1  }
0x2e: {  	[tilespmem:$0x2A10] =	vst v1  }
0x2f: {  	[tilespmem:$0x2A20] =	vst v1  }
0x30: {  	[tilespmem:$0x2A30] =	vst v1  }
0x31: {  	[tilespmem:$0x2A40] =	vst v1  }
0x32: {  	[tilespmem:$0x2A50] =	vst v1  }
0x33: {  	[tilespmem:$0x2A60] =	vst v1  }
0x34: {  	[tilespmem:$0x2A70] =	vst v1  }
0x35: {  	[tilespmem:$0x2A80] =	vst v1  }
0x36: {  	[tilespmem:$0x2A90] =	vst v1  }
0x37: {  	[tilespmem:$0x2AA0] =	vst v1  }
0x38: {  	[tilespmem:$0x2AB0] =	vst v1  }
0x39: {  	[tilespmem:$0x2AC0] =	vst v1  }
0x3a: {  	[tilespmem:$0x2AD0] =	vst v1  }
0x3b: {  	[tilespmem:$0x2AE0] =	vst v1  }
0x3c: {  	[tilespmem:$0x2AF0] =	vst v1  }
0x3d: {  	[spmem:s4] =	stream.linear.scatter [tilespmem:s8], [sflag:$0x1], $0x280, $0x38;
	[tilespmem:$0x2D80] =	vst v63  }
0x3e: {  	_ =	swait.ge [sflag:s9], $0x280  }
0x3f: {  	[sflag:s9] =	ssyncset.done $0x0  }
0x40: {  	[sflag:s9] =	ssyncadd.s32 $0xFFFFFD80  }
0x41: {  	[tilespmem:s3], [sflag:$0x1] =	stream.linear.gather [hbm4b:s5+s3], $0x2800, $0x38;
	[tilespmem:$0x2D80] =	vst v63  }
0x42: {  	_ =	swait.ge [sflag:s9], $0x2800  }
0x43: {  	s13 =	sand.u32 $0xE000, s3;
	[sflag:s9] =	ssyncset.done $0x0  }
0x44: {  	s14 =	sand.u32 $0x780, s3;
	s13 =	sshrl.u32 s13, $0x2;
	[sflag:s9] =	ssyncadd.s32 $0xFFFFD800  }
0x45: {  	s13 =	sor.u32 s14, s13;
	[bflag:$0x0] =	sbarrier.arrive $0xFFFF  }
0x46: {  	[spmem:s2] =	stream.indirect.scatter.add.f32 [tilespmem:s11], [sflag:$0x1], $0x1, s13, s10, $0xb8;
	[tilespmem:$0x2D80] =	vst v63  }
0x47: {  	s14 =	simm.s32 $0x0;
	s13 =	simm.s32 $0x200;
	_ =	swait.ge [sflag:s9], $0x80  }
.LBB2_2:
0x48: {  	s15 =	sand.u32 $0xE000, s13;
	s14 =	sadd.s32 $0x80, s14  }
0x49: {  	[sflag:s9] =	ssyncset.done $0x0;
	p0 =	sne.s32 s13, $0x9E00;
	s16 =	sand.u32 $0x780, s14  }
.Ltmp0:
0x4a: {  	s15 =	sshrl.u32 s15, $0x2;
	[sflag:s9] =	ssyncadd.s32 $0xFFFFFF80;
	(pc) =	sbr.rel @p0 .LBB2_2-.Ltmp0, $4  }
0x4b: {  	s13 =	sadd.s32 $0x200, s13;
	s15 =	sor.u32 s16, s15  }
0x4c: {  	[spmem:s2] =	stream.indirect.scatter.add.f32 [tilespmem:s11], [sflag:$0x1], $0x1, s15, s10, $0xb8;
	[tilespmem:$0x2D80] =	vst v63  }
0x4d: {  	_ = 	snop  }
0x4e: {  	_ =	swait.ge [sflag:s9], $0x80  }
0x4f: {  	[sflag:s9] =	ssyncset.done $0x0  }
0x50: {  	[sflag:s9] =	ssyncadd.s32 $0xFFFFFF80  }
0x51: {  	[bflag:$0x0] =	sbarrier.arrive $0xFFFF  }
0x52: {  	[tilespmem:s8], [sflag:$0x1] =	stream.linear.gather [spmem:s4], $0x280, $0x38;
	[tilespmem:$0x2D80] =	vst v63  }
0x53: {  	s12 =	sadd.s32 $0x1, s12;
	_ =	swait.ge [sflag:s9], $0x280  }
0x54: {  	p0 =	sne.s32 s12, s7;
	[sflag:s9] =	ssyncset.done $0x0  }
.Ltmp1:
0x55: {  	[sflag:s9] =	ssyncadd.s32 $0xFFFFFD80;
	(pc) =	sbr.rel @p0 .LBB2_1-.Ltmp1, $4  }
0x56: {  	[hbm4b:s6+s3] =	stream.linear.scatter [tilespmem:s8], [sflag:$0x1], $0x280, $0x38;
	[tilespmem:$0x2D80] =	vst v63  }
0x57: {  	_ =	swait.ge [sflag:s9], $0x280  }
0x58: {  	[sflag:s9] =	ssyncset.done $0x0  }
0x59: {  	[sflag:s9] =	ssyncadd.s32 $0xFFFFFD80  }
0x5a: {  	_ =	sfence.sel $0x180000  }
0x5b: {  	[bflag:$0x0] =	sbarrier.arrive $0xFFFF  }
0x5c: {  	p0 =	sne.s32 s0, $0x0;
	_ =	strace $0x90000047  }
0x5d: {  	s0 =	sadd.s32 @!p0 $0x100000, s1;
	[bflag:$0x2] =	sbarrier.arrive $0xFFFF  }
0x5e: {  	[sflag:s0] =	ssyncadd.tile.s32 @!p0 $0x1;
	_ =	shalt  }
.Lfunc_end2:
_tile_overlayer_lowered:
.L_overlay_start_2:
0x5f: {  	(tag) =	ssettag $0x2  }
0x60: {  	s0 =	rddreg [dreg:$0x0];
	s2 =	stileid.u32  }
0x61: {  	s1 =	rddreg [dreg:$0x1];
	p0 =	sne.s32 s2, $0x0  }
0x62: {  	s3 =	rddreg [dreg:$0x2];
	[bflag:$0x3] =	sbarrier.arrive $0xFFFF;
	s2 =	simm.s32 @!p0 $0x1C01  }
0x63: {  	[timem:s3], [sflag:s2] =	dma.local @!p0 [hbm:s0], s1  }
0x64: {  	s0 =	simm.s32 @!p0 $0x1  }
0x65: {  	_ =	swait.ge @!p0 [sflag:s0], s1  }
0x66: {  	s1 =	ssub.s32 @!p0 $0x0, s1;
	[sflag:s0] =	ssyncset.done @!p0 $0x0  }
0x67: {  	[sflag:s0] =	ssyncadd.s32 @!p0 s1  }
0x68: {  	[bflag:$0x3] =	sbarrier.arrive $0xFFFF  }
0x69: {  	_ =	shalt  }

</sc_bundles>
